<compile_context>
chip_gen: v7x
topology: tpu7x:2x2x1
jax: 0.10.2.dev20260603
libtpu: 0.0.44.dev20260713+nightly
codegen_flags: <defaults>
</compile_context>

<pallas_src>
import jax
import jax.numpy as jnp
from jax import lax
from jax.experimental import pallas as pl
from jax.experimental.pallas import tpu as pltpu
from jax.experimental.pallas import tpu_sc as plsc

N = 64
M = 1024
NC = 2
NS = 16
LANES = 16
NW = NC * NS

B_ROWS = 16384
ROW = 200
COLS_PER_W = B_ROWS // NW
RB = 24
HEAD = 8
CHUNKS = [(i * RB, RB) for i in range(8)] + [(8 * RB, HEAD)]
NCHUNK = len(CHUNKS)
CVECS = COLS_PER_W // LANES


def _sc_body(pidx, midx, pt, mt, out,
             pt_v, mt_v,
             pi0, pi1, pi2, mi0, mi1, mi2, ov0, ov1,
             insem0, insem1, insem2, outsem0, outsem1, tsem, hsem):
    wid = lax.axis_index("s") * NC + lax.axis_index("c")
    col0 = wid * COLS_PER_W

    pbufs = (pi0, pi1, pi2)
    mbufs = (mi0, mi1, mi2)
    obufs = (ov0, ov1)
    insems = (insem0, insem1, insem2)
    outsems = (outsem0, outsem1)

    def start_in(c, r0=0, sem=None):
        slot = c % 3
        base, nr = CHUNKS[c]
        s = insems[slot] if sem is None else sem
        src_p = pidx.at[pl.ds(base + r0, nr - r0), pl.ds(col0, COLS_PER_W)]
        src_m = midx.at[pl.ds(base + r0, nr - r0), pl.ds(col0, COLS_PER_W)]
        dp = pltpu.async_copy(src_p, pbufs[slot].at[pl.ds(r0, nr - r0), :], s)
        dm = pltpu.async_copy(src_m, mbufs[slot].at[pl.ds(r0, nr - r0), :], s)
        return dp, dm

    dt0 = pltpu.async_copy(pt, pt_v, tsem)
    dt1 = pltpu.async_copy(mt, mt_v, tsem)
    dhead = pltpu.async_copy(
        pidx.at[pl.ds(0, HEAD), pl.ds(col0, COLS_PER_W)],
        pbufs[0].at[pl.ds(0, HEAD), :], hsem)
    dhead2 = pltpu.async_copy(
        midx.at[pl.ds(0, HEAD), pl.ds(col0, COLS_PER_W)],
        mbufs[0].at[pl.ds(0, HEAD), :], hsem)
    drest = start_in(0, r0=HEAD)
    din = {1: start_in(1), 2: start_in(2)}
    dt0.wait()
    dt1.wait()

    def compute(pv, mv, ov, lo, hi):
        @plsc.parallel_loop(lo * CVECS, hi * CVECS, unroll=4)
        def _(i):
            r = lax.shift_right_logical(i, 5)
            s = pl.ds(lax.shift_left(lax.bitwise_and(i, 31), 4), LANES)
            piv = jnp.minimum(jnp.maximum(pv[r, s], 0), N - 1)
            miv = jnp.minimum(jnp.maximum(mv[r, s], 0), M - 1)
            ov[r, s] = plsc.load_gather(pt_v, [piv]) * plsc.load_gather(mt_v, [miv])

    dout = {}
    for c in range(NCHUNK):
        slot = c % 3
        b = c % 2
        base, nr = CHUNKS[c]
        pv, mv, ov = pbufs[slot], mbufs[slot], obufs[b]

        if c == 0:
            dhead.wait()
            dhead2.wait()
            compute(pv, mv, ov, 0, HEAD)
            for d in drest:
                d.wait()
            compute(pv, mv, ov, HEAD, RB)
        else:
            dp, dm = din.pop(c)
            dp.wait()
            dm.wait()
            if c >= 2:
                dout[b].wait()
            compute(pv, mv, ov, 0, nr)

        dout[b] = pltpu.async_copy(
            ov.at[pl.ds(0, nr), :],
            out.at[pl.ds(base, nr), pl.ds(col0, COLS_PER_W)], outsems[b])
        if c + 3 < NCHUNK:
            din[c + 3] = start_in(c + 3)

    dout[0].wait()
    dout[1].wait()


def kernel(phase_indices, mag_indices, phase_cos_table, mag_exp_sin_table):
    pidx = phase_indices.astype(jnp.int32).T
    midx = mag_indices.astype(jnp.int32).T
    pt = phase_cos_table.astype(jnp.float32)
    mt = mag_exp_sin_table.astype(jnp.float32)
    mesh = plsc.VectorSubcoreMesh(core_axis_name="c", subcore_axis_name="s")
    out = pl.kernel(
        _sc_body,
        mesh=mesh,
        compiler_params=pltpu.CompilerParams(needs_layout_passes=False),
        out_type=jax.ShapeDtypeStruct((ROW, B_ROWS), jnp.float32),
        scratch_types=[
            pltpu.VMEM((N,), jnp.float32),
            pltpu.VMEM((M,), jnp.float32),
            pltpu.VMEM((RB, COLS_PER_W), jnp.int32),
            pltpu.VMEM((RB, COLS_PER_W), jnp.int32),
            pltpu.VMEM((RB, COLS_PER_W), jnp.int32),
            pltpu.VMEM((RB, COLS_PER_W), jnp.int32),
            pltpu.VMEM((RB, COLS_PER_W), jnp.int32),
            pltpu.VMEM((RB, COLS_PER_W), jnp.int32),
            pltpu.VMEM((RB, COLS_PER_W), jnp.float32),
            pltpu.VMEM((RB, COLS_PER_W), jnp.float32),
            pltpu.SemaphoreType.DMA,
            pltpu.SemaphoreType.DMA,
            pltpu.SemaphoreType.DMA,
            pltpu.SemaphoreType.DMA,
            pltpu.SemaphoreType.DMA,
            pltpu.SemaphoreType.DMA,
            pltpu.SemaphoreType.DMA,
        ],
    )(pidx, midx, pt, mt)
    return out.T

# --- scband reference (transcript-rebuilt; emitter-appended) ---
"""Pipeline reference for scband-high-resolution-lookup-tables-80934363726290 (READ-ONLY COPY).

The authoritative reference and input builder live on the scoring server;
editing this copy changes nothing except your own understanding.
"""

import jax, jax.numpy as jnp
import numpy as np
import math

N = 64
M = 1024
B, L = 16384, 200

def setup_inputs(seed: int = 0) -> dict:
    key = jax.random.key(seed)
    k1, k2 = jax.random.split(key)
    phase_indices = jax.random.randint(k1, (B, L), 0, N, dtype=jnp.int64) if jax.config.jax_enable_x64 else jax.random.randint(k1, (B, L), 0, N, dtype=jnp.int32)
    mag_indices = jax.random.randint(k2, (B, L), 0, M, dtype=jnp.int32)
    # Buffers built exactly as in setup_phase_tables / setup_magnitude_tables
    phase_values = jnp.linspace(0.0, 2.0 * math.pi, N + 1)[:-1]
    phase_cos_table = jnp.cos(phase_values)
    mag_range = jnp.linspace(-math.pi, math.pi, M)
    mag_exp_sin_table = jnp.exp(jnp.sin(mag_range))
    return {
        'phase_indices': phase_indices,
        'mag_indices': mag_indices,
        'phase_cos_table': phase_cos_table,
        'mag_exp_sin_table': mag_exp_sin_table,
    }

def reference(phase_indices, mag_indices, phase_cos_table, mag_exp_sin_table):
    # get_signal_vector(phase_indices, mag_indices, use_sigmoid=False)
    pi = jnp.clip(phase_indices, 0, N - 1)
    mi = jnp.clip(mag_indices, 0, M - 1)
    cos_vals = jnp.take(phase_cos_table, pi, axis=0)
    mag_vals = jnp.take(mag_exp_sin_table, mi, axis=0)
    return cos_vals * mag_vals

if __name__ == "__main__":
    import jax
    _d = setup_inputs()
    print(jax.jit(kernel)(*tuple(_d.values())))

</pallas_src>

<mosaic_0001>
#map = affine_map<(d0, d1) -> (0, 0)>
#map1 = affine_map<(d0, d1) -> (0)>
module attributes {stable_mosaic.version = 14 : i64} {
  func.func @_sc_body(%arg0: i32, %arg1: i32, %arg2: memref<200x16384xi32, #tpu.memory_space<hbm>>, %arg3: memref<200x16384xi32, #tpu.memory_space<hbm>>, %arg4: memref<64xf32, #tpu.memory_space<hbm>>, %arg5: memref<1024xf32, #tpu.memory_space<hbm>>, %arg6: memref<200x16384xf32, #tpu.memory_space<hbm>>, %arg7: memref<64xf32, #tpu.memory_space<vmem>>, %arg8: memref<1024xf32, #tpu.memory_space<vmem>>, %arg9: memref<24x512xi32, #tpu.memory_space<vmem>>, %arg10: memref<24x512xi32, #tpu.memory_space<vmem>>, %arg11: memref<24x512xi32, #tpu.memory_space<vmem>>, %arg12: memref<24x512xi32, #tpu.memory_space<vmem>>, %arg13: memref<24x512xi32, #tpu.memory_space<vmem>>, %arg14: memref<24x512xi32, #tpu.memory_space<vmem>>, %arg15: memref<24x512xf32, #tpu.memory_space<vmem>>, %arg16: memref<24x512xf32, #tpu.memory_space<vmem>>, %arg17: memref<!tpu.dma_semaphore, #tpu.memory_space<semaphore_mem>>, %arg18: memref<!tpu.dma_semaphore, #tpu.memory_space<semaphore_mem>>, %arg19: memref<!tpu.dma_semaphore, #tpu.memory_space<semaphore_mem>>, %arg20: memref<!tpu.dma_semaphore, #tpu.memory_space<semaphore_mem>>, %arg21: memref<!tpu.dma_semaphore, #tpu.memory_space<semaphore_mem>>, %arg22: memref<!tpu.dma_semaphore, #tpu.memory_space<semaphore_mem>>, %arg23: memref<!tpu.dma_semaphore, #tpu.memory_space<semaphore_mem>>) attributes {dimension_semantics = [#tpu.dimension_semantics<core_parallel>, #tpu.dimension_semantics<subcore_parallel>], iteration_bounds = array<i64: 2, 16>, scalar_prefetch = 0 : i64, scratch_operands = 17 : i64, tpu.core_type = #tpu.core_type<sc_vector_subcore>, window_params = [{transform_indices = #map}, {transform_indices = #map}, {transform_indices = #map1}, {transform_indices = #map1}, {transform_indices = #map}]} {
    %mul3A = arith.constant 2 : i32
    %mul3A_0 = arith.muli %arg1, %mul3A : i32
    %add3A = arith.addi %mul3A_0, %arg0 : i32
    %mul3A_1 = arith.constant 512 : i32
    %mul3A_2 = arith.muli %add3A, %mul3A_1 : i32
    tpu.enqueue_dma source(%arg4 : memref<64xf32, #tpu.memory_space<hbm>>) target(%arg7 : memref<64xf32, #tpu.memory_space<vmem>>) target_semaphore(%arg22 : memref<!tpu.dma_semaphore, #tpu.memory_space<semaphore_mem>>)
    tpu.enqueue_dma source(%arg5 : memref<1024xf32, #tpu.memory_space<hbm>>) target(%arg8 : memref<1024xf32, #tpu.memory_space<vmem>>) target_semaphore(%arg22 : memref<!tpu.dma_semaphore, #tpu.memory_space<semaphore_mem>>)
    %dma_start3A = arith.constant 0 : i32
    %dma_start3A_3 = arith.constant 0 : i32
    %dma_start3A_4 = tpu.memref_slice %arg9[%dma_start3A, %dma_start3A_3] : memref<24x512xi32, #tpu.memory_space<vmem>> -> memref<8x512xi32, #tpu.memory_space<vmem>>
    %dma_start3A_5 = arith.constant 0 : i32
    %dma_start3A_6 = tpu.memref_slice %arg2[%dma_start3A_5, %mul3A_2] : memref<200x16384xi32, #tpu.memory_space<hbm>> -> memref<8x512xi32, #tpu.memory_space<hbm>>
    %dma_start3A_7 = arith.constant 0 : i32
    %dma_start3A_8 = arith.constant 0 : i32
    %dma_start3A_9 = tpu.memref_slice %arg9[%dma_start3A_7, %dma_start3A_8] : memref<24x512xi32, #tpu.memory_space<vmem>> -> memref<8x512xi32, #tpu.memory_space<vmem>>
    %dma_start3A_10 = arith.constant 0 : i32
    %dma_start3A_11 = tpu.memref_slice %arg2[%dma_start3A_10, %mul3A_2] : memref<200x16384xi32, #tpu.memory_space<hbm>> -> memref<8x512xi32, #tpu.memory_space<hbm>>
    tpu.enqueue_dma source(%dma_start3A_11 : memref<8x512xi32, #tpu.memory_space<hbm>>) target(%dma_start3A_9 : memref<8x512xi32, #tpu.memory_space<vmem>>) target_semaphore(%arg23 : memref<!tpu.dma_semaphore, #tpu.memory_space<semaphore_mem>>)
    %dma_start3A_12 = arith.constant 0 : i32
    %dma_start3A_13 = arith.constant 0 : i32
    %dma_start3A_14 = tpu.memref_slice %arg12[%dma_start3A_12, %dma_start3A_13] : memref<24x512xi32, #tpu.memory_space<vmem>> -> memref<8x512xi32, #tpu.memory_space<vmem>>
    %dma_start3A_15 = arith.constant 0 : i32
    %dma_start3A_16 = tpu.memref_slice %arg3[%dma_start3A_15, %mul3A_2] : memref<200x16384xi32, #tpu.memory_space<hbm>> -> memref<8x512xi32, #tpu.memory_space<hbm>>
    %dma_start3A_17 = arith.constant 0 : i32
    %dma_start3A_18 = arith.constant 0 : i32
    %dma_start3A_19 = tpu.memref_slice %arg12[%dma_start3A_17, %dma_start3A_18] : memref<24x512xi32, #tpu.memory_space<vmem>> -> memref<8x512xi32, #tpu.memory_space<vmem>>
    %dma_start3A_20 = arith.constant 0 : i32
    %dma_start3A_21 = tpu.memref_slice %arg3[%dma_start3A_20, %mul3A_2] : memref<200x16384xi32, #tpu.memory_space<hbm>> -> memref<8x512xi32, #tpu.memory_space<hbm>>
    tpu.enqueue_dma source(%dma_start3A_21 : memref<8x512xi32, #tpu.memory_space<hbm>>) target(%dma_start3A_19 : memref<8x512xi32, #tpu.memory_space<vmem>>) target_semaphore(%arg23 : memref<!tpu.dma_semaphore, #tpu.memory_space<semaphore_mem>>)
    %dma_start3A_22 = arith.constant 8 : i32
    %dma_start3A_23 = arith.constant 0 : i32
    %dma_start3A_24 = tpu.memref_slice %arg9[%dma_start3A_22, %dma_start3A_23] : memref<24x512xi32, #tpu.memory_space<vmem>> -> memref<16x512xi32, #tpu.memory_space<vmem>>
    %dma_start3A_25 = arith.constant 8 : i32
    %dma_start3A_26 = tpu.memref_slice %arg2[%dma_start3A_25, %mul3A_2] : memref<200x16384xi32, #tpu.memory_space<hbm>> -> memref<16x512xi32, #tpu.memory_space<hbm>>
    %dma_start3A_27 = arith.constant 8 : i32
    %dma_start3A_28 = arith.constant 0 : i32
    %dma_start3A_29 = tpu.memref_slice %arg9[%dma_start3A_27, %dma_start3A_28] : memref<24x512xi32, #tpu.memory_space<vmem>> -> memref<16x512xi32, #tpu.memory_space<vmem>>
    %dma_start3A_30 = arith.constant 8 : i32
    %dma_start3A_31 = tpu.memref_slice %arg2[%dma_start3A_30, %mul3A_2] : memref<200x16384xi32, #tpu.memory_space<hbm>> -> memref<16x512xi32, #tpu.memory_space<hbm>>
    tpu.enqueue_dma source(%dma_start3A_31 : memref<16x512xi32, #tpu.memory_space<hbm>>) target(%dma_start3A_29 : memref<16x512xi32, #tpu.memory_space<vmem>>) target_semaphore(%arg17 : memref<!tpu.dma_semaphore, #tpu.memory_space<semaphore_mem>>)
    %dma_start3A_32 = arith.constant 8 : i32
    %dma_start3A_33 = arith.constant 0 : i32
    %dma_start3A_34 = tpu.memref_slice %arg12[%dma_start3A_32, %dma_start3A_33] : memref<24x512xi32, #tpu.memory_space<vmem>> -> memref<16x512xi32, #tpu.memory_space<vmem>>
    %dma_start3A_35 = arith.constant 8 : i32
    %dma_start3A_36 = tpu.memref_slice %arg3[%dma_start3A_35, %mul3A_2] : memref<200x16384xi32, #tpu.memory_space<hbm>> -> memref<16x512xi32, #tpu.memory_space<hbm>>
    %dma_start3A_37 = arith.constant 8 : i32
    %dma_start3A_38 = arith.constant 0 : i32
    %dma_start3A_39 = tpu.memref_slice %arg12[%dma_start3A_37, %dma_start3A_38] : memref<24x512xi32, #tpu.memory_space<vmem>> -> memref<16x512xi32, #tpu.memory_space<vmem>>
    %dma_start3A_40 = arith.constant 8 : i32
    %dma_start3A_41 = tpu.memref_slice %arg3[%dma_start3A_40, %mul3A_2] : memref<200x16384xi32, #tpu.memory_space<hbm>> -> memref<16x512xi32, #tpu.memory_space<hbm>>
    tpu.enqueue_dma source(%dma_start3A_41 : memref<16x512xi32, #tpu.memory_space<hbm>>) target(%dma_start3A_39 : memref<16x512xi32, #tpu.memory_space<vmem>>) target_semaphore(%arg17 : memref<!tpu.dma_semaphore, #tpu.memory_space<semaphore_mem>>)
    %dma_start3A_42 = arith.constant 0 : i32
    %dma_start3A_43 = arith.constant 0 : i32
    %dma_start3A_44 = tpu.memref_slice %arg10[%dma_start3A_42, %dma_start3A_43] : memref<24x512xi32, #tpu.memory_space<vmem>> -> memref<24x512xi32, #tpu.memory_space<vmem>>
    %dma_start3A_45 = arith.constant 24 : i32
    %dma_start3A_46 = tpu.memref_slice %arg2[%dma_start3A_45, %mul3A_2] : memref<200x16384xi32, #tpu.memory_space<hbm>> -> memref<24x512xi32, #tpu.memory_space<hbm>>
    %dma_start3A_47 = arith.constant 0 : i32
    %dma_start3A_48 = arith.constant 0 : i32
    %dma_start3A_49 = tpu.memref_slice %arg10[%dma_start3A_47, %dma_start3A_48] : memref<24x512xi32, #tpu.memory_space<vmem>> -> memref<24x512xi32, #tpu.memory_space<vmem>>
    %dma_start3A_50 = arith.constant 24 : i32
    %dma_start3A_51 = tpu.memref_slice %arg2[%dma_start3A_50, %mul3A_2] : memref<200x16384xi32, #tpu.memory_space<hbm>> -> memref<24x512xi32, #tpu.memory_space<hbm>>
    tpu.enqueue_dma source(%dma_start3A_51 : memref<24x512xi32, #tpu.memory_space<hbm>>) target(%dma_start3A_49 : memref<24x512xi32, #tpu.memory_space<vmem>>) target_semaphore(%arg18 : memref<!tpu.dma_semaphore, #tpu.memory_space<semaphore_mem>>)
    %dma_start3A_52 = arith.constant 0 : i32
    %dma_start3A_53 = arith.constant 0 : i32
    %dma_start3A_54 = tpu.memref_slice %arg13[%dma_start3A_52, %dma_start3A_53] : memref<24x512xi32, #tpu.memory_space<vmem>> -> memref<24x512xi32, #tpu.memory_space<vmem>>
    %dma_start3A_55 = arith.constant 24 : i32
    %dma_start3A_56 = tpu.memref_slice %arg3[%dma_start3A_55, %mul3A_2] : memref<200x16384xi32, #tpu.memory_space<hbm>> -> memref<24x512xi32, #tpu.memory_space<hbm>>
    %dma_start3A_57 = arith.constant 0 : i32
    %dma_start3A_58 = arith.constant 0 : i32
    %dma_start3A_59 = tpu.memref_slice %arg13[%dma_start3A_57, %dma_start3A_58] : memref<24x512xi32, #tpu.memory_space<vmem>> -> memref<24x512xi32, #tpu.memory_space<vmem>>
    %dma_start3A_60 = arith.constant 24 : i32
    %dma_start3A_61 = tpu.memref_slice %arg3[%dma_start3A_60, %mul3A_2] : memref<200x16384xi32, #tpu.memory_space<hbm>> -> memref<24x512xi32, #tpu.memory_space<hbm>>
    tpu.enqueue_dma source(%dma_start3A_61 : memref<24x512xi32, #tpu.memory_space<hbm>>) target(%dma_start3A_59 : memref<24x512xi32, #tpu.memory_space<vmem>>) target_semaphore(%arg18 : memref<!tpu.dma_semaphore, #tpu.memory_space<semaphore_mem>>)
    %dma_start3A_62 = arith.constant 0 : i32
    %dma_start3A_63 = arith.constant 0 : i32
    %dma_start3A_64 = tpu.memref_slice %arg11[%dma_start3A_62, %dma_start3A_63] : memref<24x512xi32, #tpu.memory_space<vmem>> -> memref<24x512xi32, #tpu.memory_space<vmem>>
    %dma_start3A_65 = arith.constant 48 : i32
    %dma_start3A_66 = tpu.memref_slice %arg2[%dma_start3A_65, %mul3A_2] : memref<200x16384xi32, #tpu.memory_space<hbm>> -> memref<24x512xi32, #tpu.memory_space<hbm>>
    %dma_start3A_67 = arith.constant 0 : i32
    %dma_start3A_68 = arith.constant 0 : i32
    %dma_start3A_69 = tpu.memref_slice %arg11[%dma_start3A_67, %dma_start3A_68] : memref<24x512xi32, #tpu.memory_space<vmem>> -> memref<24x512xi32, #tpu.memory_space<vmem>>
    %dma_start3A_70 = arith.constant 48 : i32
    %dma_start3A_71 = tpu.memref_slice %arg2[%dma_start3A_70, %mul3A_2] : memref<200x16384xi32, #tpu.memory_space<hbm>> -> memref<24x512xi32, #tpu.memory_space<hbm>>
    tpu.enqueue_dma source(%dma_start3A_71 : memref<24x512xi32, #tpu.memory_space<hbm>>) target(%dma_start3A_69 : memref<24x512xi32, #tpu.memory_space<vmem>>) target_semaphore(%arg19 : memref<!tpu.dma_semaphore, #tpu.memory_space<semaphore_mem>>)
    %dma_start3A_72 = arith.constant 0 : i32
    %dma_start3A_73 = arith.constant 0 : i32
    %dma_start3A_74 = tpu.memref_slice %arg14[%dma_start3A_72, %dma_start3A_73] : memref<24x512xi32, #tpu.memory_space<vmem>> -> memref<24x512xi32, #tpu.memory_space<vmem>>
    %dma_start3A_75 = arith.constant 48 : i32
    %dma_start3A_76 = tpu.memref_slice %arg3[%dma_start3A_75, %mul3A_2] : memref<200x16384xi32, #tpu.memory_space<hbm>> -> memref<24x512xi32, #tpu.memory_space<hbm>>
    %dma_start3A_77 = arith.constant 0 : i32
    %dma_start3A_78 = arith.constant 0 : i32
    %dma_start3A_79 = tpu.memref_slice %arg14[%dma_start3A_77, %dma_start3A_78] : memref<24x512xi32, #tpu.memory_space<vmem>> -> memref<24x512xi32, #tpu.memory_space<vmem>>
    %dma_start3A_80 = arith.constant 48 : i32
    %dma_start3A_81 = tpu.memref_slice %arg3[%dma_start3A_80, %mul3A_2] : memref<200x16384xi32, #tpu.memory_space<hbm>> -> memref<24x512xi32, #tpu.memory_space<hbm>>
    tpu.enqueue_dma source(%dma_start3A_81 : memref<24x512xi32, #tpu.memory_space<hbm>>) target(%dma_start3A_79 : memref<24x512xi32, #tpu.memory_space<vmem>>) target_semaphore(%arg19 : memref<!tpu.dma_semaphore, #tpu.memory_space<semaphore_mem>>)
    tpu.wait_dma2 semaphore(%arg22 : memref<!tpu.dma_semaphore, #tpu.memory_space<semaphore_mem>>) src(%arg4 : memref<64xf32, #tpu.memory_space<hbm>>) dst(%arg7 : memref<64xf32, #tpu.memory_space<vmem>>)
    tpu.wait_dma2 semaphore(%arg22 : memref<!tpu.dma_semaphore, #tpu.memory_space<semaphore_mem>>) src(%arg5 : memref<1024xf32, #tpu.memory_space<hbm>>) dst(%arg8 : memref<1024xf32, #tpu.memory_space<vmem>>)
    %dma_wait3A = arith.constant 0 : i32
    %dma_wait3A_82 = arith.constant 0 : i32
    %dma_wait3A_83 = tpu.memref_slice %arg9[%dma_wait3A, %dma_wait3A_82] : memref<24x512xi32, #tpu.memory_space<vmem>> -> memref<8x512xi32, #tpu.memory_space<vmem>>
    %dma_wait3A_84 = arith.constant 0 : i32
    %dma_wait3A_85 = tpu.memref_slice %arg2[%dma_wait3A_84, %mul3A_2] : memref<200x16384xi32, #tpu.memory_space<hbm>> -> memref<8x512xi32, #tpu.memory_space<hbm>>
    %dma_wait3A_86 = arith.constant 0 : i32
    %dma_wait3A_87 = arith.constant 0 : i32
    %dma_wait3A_88 = tpu.memref_slice %arg9[%dma_wait3A_86, %dma_wait3A_87] : memref<24x512xi32, #tpu.memory_space<vmem>> -> memref<8x512xi32, #tpu.memory_space<vmem>>
    %dma_wait3A_89 = arith.constant 0 : i32
    %dma_wait3A_90 = tpu.memref_slice %arg2[%dma_wait3A_89, %mul3A_2] : memref<200x16384xi32, #tpu.memory_space<hbm>> -> memref<8x512xi32, #tpu.memory_space<hbm>>
    tpu.wait_dma2 semaphore(%arg23 : memref<!tpu.dma_semaphore, #tpu.memory_space<semaphore_mem>>) src(%dma_wait3A_90 : memref<8x512xi32, #tpu.memory_space<hbm>>) dst(%dma_wait3A_88 : memref<8x512xi32, #tpu.memory_space<vmem>>)
    %dma_wait3A_91 = arith.constant 0 : i32
    %dma_wait3A_92 = arith.constant 0 : i32
    %dma_wait3A_93 = tpu.memref_slice %arg12[%dma_wait3A_91, %dma_wait3A_92] : memref<24x512xi32, #tpu.memory_space<vmem>> -> memref<8x512xi32, #tpu.memory_space<vmem>>
    %dma_wait3A_94 = arith.constant 0 : i32
    %dma_wait3A_95 = tpu.memref_slice %arg3[%dma_wait3A_94, %mul3A_2] : memref<200x16384xi32, #tpu.memory_space<hbm>> -> memref<8x512xi32, #tpu.memory_space<hbm>>
    %dma_wait3A_96 = arith.constant 0 : i32
    %dma_wait3A_97 = arith.constant 0 : i32
    %dma_wait3A_98 = tpu.memref_slice %arg12[%dma_wait3A_96, %dma_wait3A_97] : memref<24x512xi32, #tpu.memory_space<vmem>> -> memref<8x512xi32, #tpu.memory_space<vmem>>
    %dma_wait3A_99 = arith.constant 0 : i32
    %dma_wait3A_100 = tpu.memref_slice %arg3[%dma_wait3A_99, %mul3A_2] : memref<200x16384xi32, #tpu.memory_space<hbm>> -> memref<8x512xi32, #tpu.memory_space<hbm>>
    tpu.wait_dma2 semaphore(%arg23 : memref<!tpu.dma_semaphore, #tpu.memory_space<semaphore_mem>>) src(%dma_wait3A_100 : memref<8x512xi32, #tpu.memory_space<hbm>>) dst(%dma_wait3A_98 : memref<8x512xi32, #tpu.memory_space<vmem>>)
    %parallel_loop3A = arith.constant 0 : i32
    %parallel_loop3A_101 = arith.constant 256 : i32
    %parallel_loop3A_102 = arith.constant 1 : i32
    scf.for %parallel_loop3A_610 = %parallel_loop3A to %parallel_loop3A_101 step %parallel_loop3A_102  : i32 {
      %parallel_loop3A_611 = arith.constant 5 : i32
      %parallel_loop3A_612 = arith.shrui %parallel_loop3A_610, %parallel_loop3A_611 : i32
      %parallel_loop3A_613 = arith.constant 31 : i32
      %parallel_loop3A_614 = arith.andi %parallel_loop3A_610, %parallel_loop3A_613 : i32
      %parallel_loop3A_615 = arith.constant 4 : i32
      %parallel_loop3A_616 = arith.shli %parallel_loop3A_614, %parallel_loop3A_615 : i32
      %parallel_loop3A_617 = arith.index_cast %parallel_loop3A_612 : i32 to index
      %parallel_loop3A_618 = arith.index_cast %parallel_loop3A_616 : i32 to index
      %parallel_loop3A_619 = tpu.vector_load %arg9[%parallel_loop3A_617, %parallel_loop3A_618] {strides = array<i32>} : memref<24x512xi32, #tpu.memory_space<vmem>>, vector<16xi32>,
      %parallel_loop3A_620 = arith.constant 0 : i32
      %parallel_loop3A_621 = vector.broadcast %parallel_loop3A_620 : i32 to vector<16xi32>
      %parallel_loop3A_622 = arith.maxsi %parallel_loop3A_619, %parallel_loop3A_621 : vector<16xi32>
      %parallel_loop3A_623 = arith.constant 63 : i32
      %parallel_loop3A_624 = vector.broadcast %parallel_loop3A_623 : i32 to vector<16xi32>
      %parallel_loop3A_625 = arith.minsi %parallel_loop3A_622, %parallel_loop3A_624 : vector<16xi32>
      %parallel_loop3A_626 = arith.index_cast %parallel_loop3A_612 : i32 to index
      %parallel_loop3A_627 = arith.index_cast %parallel_loop3A_616 : i32 to index
      %parallel_loop3A_628 = tpu.vector_load %arg12[%parallel_loop3A_626, %parallel_loop3A_627] {strides = array<i32>} : memref<24x512xi32, #tpu.memory_space<vmem>>, vector<16xi32>,
      %parallel_loop3A_629 = arith.constant 0 : i32
      %parallel_loop3A_630 = vector.broadcast %parallel_loop3A_629 : i32 to vector<16xi32>
      %parallel_loop3A_631 = arith.maxsi %parallel_loop3A_628, %parallel_loop3A_630 : vector<16xi32>
      %parallel_loop3A_632 = arith.constant 1023 : i32
      %parallel_loop3A_633 = vector.broadcast %parallel_loop3A_632 : i32 to vector<16xi32>
      %parallel_loop3A_634 = arith.minsi %parallel_loop3A_631, %parallel_loop3A_633 : vector<16xi32>
      %parallel_loop3A_635 = tpu.vector_load_idx %arg7[%parallel_loop3A_625] : memref<64xf32, #tpu.memory_space<vmem>>[vector<16xi32>], vector<16xf32>,
      %parallel_loop3A_636 = tpu.vector_load_idx %arg8[%parallel_loop3A_634] : memref<1024xf32, #tpu.memory_space<vmem>>[vector<16xi32>], vector<16xf32>,
      %parallel_loop3A_637 = arith.mulf %parallel_loop3A_635, %parallel_loop3A_636 : vector<16xf32>
      %parallel_loop3A_638 = arith.index_cast %parallel_loop3A_612 : i32 to index
      %parallel_loop3A_639 = arith.index_cast %parallel_loop3A_616 : i32 to index
      %parallel_loop3A_640 = tpu.vector_load %arg15[%parallel_loop3A_638, %parallel_loop3A_639] {strides = array<i32>} : memref<24x512xf32, #tpu.memory_space<vmem>>, vector<16xf32>,
      tpu.vector_store %arg15[%parallel_loop3A_638, %parallel_loop3A_639], %parallel_loop3A_637 {strides = array<i32>} : memref<24x512xf32, #tpu.memory_space<vmem>>, vector<16xf32>,
    } {sc.loop_unroll_factor = 4 : i64, sc.parallel_access}
    %dma_wait3A_103 = arith.constant 8 : i32
    %dma_wait3A_104 = arith.constant 0 : i32
    %dma_wait3A_105 = tpu.memref_slice %arg9[%dma_wait3A_103, %dma_wait3A_104] : memref<24x512xi32, #tpu.memory_space<vmem>> -> memref<16x512xi32, #tpu.memory_space<vmem>>
    %dma_wait3A_106 = arith.constant 8 : i32
    %dma_wait3A_107 = tpu.memref_slice %arg2[%dma_wait3A_106, %mul3A_2] : memref<200x16384xi32, #tpu.memory_space<hbm>> -> memref<16x512xi32, #tpu.memory_space<hbm>>
    %dma_wait3A_108 = arith.constant 8 : i32
    %dma_wait3A_109 = arith.constant 0 : i32
    %dma_wait3A_110 = tpu.memref_slice %arg9[%dma_wait3A_108, %dma_wait3A_109] : memref<24x512xi32, #tpu.memory_space<vmem>> -> memref<16x512xi32, #tpu.memory_space<vmem>>
    %dma_wait3A_111 = arith.constant 8 : i32
    %dma_wait3A_112 = tpu.memref_slice %arg2[%dma_wait3A_111, %mul3A_2] : memref<200x16384xi32, #tpu.memory_space<hbm>> -> memref<16x512xi32, #tpu.memory_space<hbm>>
    tpu.wait_dma2 semaphore(%arg17 : memref<!tpu.dma_semaphore, #tpu.memory_space<semaphore_mem>>) src(%dma_wait3A_112 : memref<16x512xi32, #tpu.memory_space<hbm>>) dst(%dma_wait3A_110 : memref<16x512xi32, #tpu.memory_space<vmem>>)
    %dma_wait3A_113 = arith.constant 8 : i32
    %dma_wait3A_114 = arith.constant 0 : i32
    %dma_wait3A_115 = tpu.memref_slice %arg12[%dma_wait3A_113, %dma_wait3A_114] : memref<24x512xi32, #tpu.memory_space<vmem>> -> memref<16x512xi32, #tpu.memory_space<vmem>>
    %dma_wait3A_116 = arith.constant 8 : i32
    %dma_wait3A_117 = tpu.memref_slice %arg3[%dma_wait3A_116, %mul3A_2] : memref<200x16384xi32, #tpu.memory_space<hbm>> -> memref<16x512xi32, #tpu.memory_space<hbm>>
    %dma_wait3A_118 = arith.constant 8 : i32
    %dma_wait3A_119 = arith.constant 0 : i32
    %dma_wait3A_120 = tpu.memref_slice %arg12[%dma_wait3A_118, %dma_wait3A_119] : memref<24x512xi32, #tpu.memory_space<vmem>> -> memref<16x512xi32, #tpu.memory_space<vmem>>
    %dma_wait3A_121 = arith.constant 8 : i32
    %dma_wait3A_122 = tpu.memref_slice %arg3[%dma_wait3A_121, %mul3A_2] : memref<200x16384xi32, #tpu.memory_space<hbm>> -> memref<16x512xi32, #tpu.memory_space<hbm>>
    tpu.wait_dma2 semaphore(%arg17 : memref<!tpu.dma_semaphore, #tpu.memory_space<semaphore_mem>>) src(%dma_wait3A_122 : memref<16x512xi32, #tpu.memory_space<hbm>>) dst(%dma_wait3A_120 : memref<16x512xi32, #tpu.memory_space<vmem>>)
    %parallel_loop3A_123 = arith.constant 256 : i32
    %parallel_loop3A_124 = arith.constant 768 : i32
    %parallel_loop3A_125 = arith.constant 1 : i32
    scf.for %parallel_loop3A_610 = %parallel_loop3A_123 to %parallel_loop3A_124 step %parallel_loop3A_125  : i32 {
      %parallel_loop3A_611 = arith.constant 5 : i32
      %parallel_loop3A_612 = arith.shrui %parallel_loop3A_610, %parallel_loop3A_611 : i32
      %parallel_loop3A_613 = arith.constant 31 : i32
      %parallel_loop3A_614 = arith.andi %parallel_loop3A_610, %parallel_loop3A_613 : i32
      %parallel_loop3A_615 = arith.constant 4 : i32
      %parallel_loop3A_616 = arith.shli %parallel_loop3A_614, %parallel_loop3A_615 : i32
      %parallel_loop3A_617 = arith.index_cast %parallel_loop3A_612 : i32 to index
      %parallel_loop3A_618 = arith.index_cast %parallel_loop3A_616 : i32 to index
      %parallel_loop3A_619 = tpu.vector_load %arg9[%parallel_loop3A_617, %parallel_loop3A_618] {strides = array<i32>} : memref<24x512xi32, #tpu.memory_space<vmem>>, vector<16xi32>,
      %parallel_loop3A_620 = arith.constant 0 : i32
      %parallel_loop3A_621 = vector.broadcast %parallel_loop3A_620 : i32 to vector<16xi32>
      %parallel_loop3A_622 = arith.maxsi %parallel_loop3A_619, %parallel_loop3A_621 : vector<16xi32>
      %parallel_loop3A_623 = arith.constant 63 : i32
      %parallel_loop3A_624 = vector.broadcast %parallel_loop3A_623 : i32 to vector<16xi32>
      %parallel_loop3A_625 = arith.minsi %parallel_loop3A_622, %parallel_loop3A_624 : vector<16xi32>
      %parallel_loop3A_626 = arith.index_cast %parallel_loop3A_612 : i32 to index
      %parallel_loop3A_627 = arith.index_cast %parallel_loop3A_616 : i32 to index
      %parallel_loop3A_628 = tpu.vector_load %arg12[%parallel_loop3A_626, %parallel_loop3A_627] {strides = array<i32>} : memref<24x512xi32, #tpu.memory_space<vmem>>, vector<16xi32>,
      %parallel_loop3A_629 = arith.constant 0 : i32
      %parallel_loop3A_630 = vector.broadcast %parallel_loop3A_629 : i32 to vector<16xi32>
      %parallel_loop3A_631 = arith.maxsi %parallel_loop3A_628, %parallel_loop3A_630 : vector<16xi32>
      %parallel_loop3A_632 = arith.constant 1023 : i32
      %parallel_loop3A_633 = vector.broadcast %parallel_loop3A_632 : i32 to vector<16xi32>
      %parallel_loop3A_634 = arith.minsi %parallel_loop3A_631, %parallel_loop3A_633 : vector<16xi32>
      %parallel_loop3A_635 = tpu.vector_load_idx %arg7[%parallel_loop3A_625] : memref<64xf32, #tpu.memory_space<vmem>>[vector<16xi32>], vector<16xf32>,
      %parallel_loop3A_636 = tpu.vector_load_idx %arg8[%parallel_loop3A_634] : memref<1024xf32, #tpu.memory_space<vmem>>[vector<16xi32>], vector<16xf32>,
      %parallel_loop3A_637 = arith.mulf %parallel_loop3A_635, %parallel_loop3A_636 : vector<16xf32>
      %parallel_loop3A_638 = arith.index_cast %parallel_loop3A_612 : i32 to index
      %parallel_loop3A_639 = arith.index_cast %parallel_loop3A_616 : i32 to index
      %parallel_loop3A_640 = tpu.vector_load %arg15[%parallel_loop3A_638, %parallel_loop3A_639] {strides = array<i32>} : memref<24x512xf32, #tpu.memory_space<vmem>>, vector<16xf32>,
      tpu.vector_store %arg15[%parallel_loop3A_638, %parallel_loop3A_639], %parallel_loop3A_637 {strides = array<i32>} : memref<24x512xf32, #tpu.memory_space<vmem>>, vector<16xf32>,
    } {sc.loop_unroll_factor = 4 : i64, sc.parallel_access}
    %dma_start3A_126 = arith.constant 0 : i32
    %dma_start3A_127 = arith.constant 0 : i32
    %dma_start3A_128 = tpu.memref_slice %arg15[%dma_start3A_126, %dma_start3A_127] : memref<24x512xf32, #tpu.memory_space<vmem>> -> memref<24x512xf32, #tpu.memory_space<vmem>>
    %dma_start3A_129 = arith.constant 0 : i32
    %dma_start3A_130 = tpu.memref_slice %arg6[%dma_start3A_129, %mul3A_2] : memref<200x16384xf32, #tpu.memory_space<hbm>> -> memref<24x512xf32, #tpu.memory_space<hbm>>
    %dma_start3A_131 = arith.constant 0 : i32
    %dma_start3A_132 = tpu.memref_slice %arg6[%dma_start3A_131, %mul3A_2] : memref<200x16384xf32, #tpu.memory_space<hbm>> -> memref<24x512xf32, #tpu.memory_space<hbm>>
    %dma_start3A_133 = arith.constant 0 : i32
    %dma_start3A_134 = arith.constant 0 : i32
    %dma_start3A_135 = tpu.memref_slice %arg15[%dma_start3A_133, %dma_start3A_134] : memref<24x512xf32, #tpu.memory_space<vmem>> -> memref<24x512xf32, #tpu.memory_space<vmem>>
    tpu.enqueue_dma source(%dma_start3A_135 : memref<24x512xf32, #tpu.memory_space<vmem>>) target(%dma_start3A_132 : memref<24x512xf32, #tpu.memory_space<hbm>>) target_semaphore(%arg20 : memref<!tpu.dma_semaphore, #tpu.memory_space<semaphore_mem>>)
    %dma_start3A_136 = arith.constant 0 : i32
    %dma_start3A_137 = arith.constant 0 : i32
    %dma_start3A_138 = tpu.memref_slice %arg9[%dma_start3A_136, %dma_start3A_137] : memref<24x512xi32, #tpu.memory_space<vmem>> -> memref<24x512xi32, #tpu.memory_space<vmem>>
    %dma_start3A_139 = arith.constant 72 : i32
    %dma_start3A_140 = tpu.memref_slice %arg2[%dma_start3A_139, %mul3A_2] : memref<200x16384xi32, #tpu.memory_space<hbm>> -> memref<24x512xi32, #tpu.memory_space<hbm>>
    %dma_start3A_141 = arith.constant 0 : i32
    %dma_start3A_142 = arith.constant 0 : i32
    %dma_start3A_143 = tpu.memref_slice %arg9[%dma_start3A_141, %dma_start3A_142] : memref<24x512xi32, #tpu.memory_space<vmem>> -> memref<24x512xi32, #tpu.memory_space<vmem>>
    %dma_start3A_144 = arith.constant 72 : i32
    %dma_start3A_145 = tpu.memref_slice %arg2[%dma_start3A_144, %mul3A_2] : memref<200x16384xi32, #tpu.memory_space<hbm>> -> memref<24x512xi32, #tpu.memory_space<hbm>>
    tpu.enqueue_dma source(%dma_start3A_145 : memref<24x512xi32, #tpu.memory_space<hbm>>) target(%dma_start3A_143 : memref<24x512xi32, #tpu.memory_space<vmem>>) target_semaphore(%arg17 : memref<!tpu.dma_semaphore, #tpu.memory_space<semaphore_mem>>)
    %dma_start3A_146 = arith.constant 0 : i32
    %dma_start3A_147 = arith.constant 0 : i32
    %dma_start3A_148 = tpu.memref_slice %arg12[%dma_start3A_146, %dma_start3A_147] : memref<24x512xi32, #tpu.memory_space<vmem>> -> memref<24x512xi32, #tpu.memory_space<vmem>>
    %dma_start3A_149 = arith.constant 72 : i32
    %dma_start3A_150 = tpu.memref_slice %arg3[%dma_start3A_149, %mul3A_2] : memref<200x16384xi32, #tpu.memory_space<hbm>> -> memref<24x512xi32, #tpu.memory_space<hbm>>
    %dma_start3A_151 = arith.constant 0 : i32
    %dma_start3A_152 = arith.constant 0 : i32
    %dma_start3A_153 = tpu.memref_slice %arg12[%dma_start3A_151, %dma_start3A_152] : memref<24x512xi32, #tpu.memory_space<vmem>> -> memref<24x512xi32, #tpu.memory_space<vmem>>
    %dma_start3A_154 = arith.constant 72 : i32
    %dma_start3A_155 = tpu.memref_slice %arg3[%dma_start3A_154, %mul3A_2] : memref<200x16384xi32, #tpu.memory_space<hbm>> -> memref<24x512xi32, #tpu.memory_space<hbm>>
    tpu.enqueue_dma source(%dma_start3A_155 : memref<24x512xi32, #tpu.memory_space<hbm>>) target(%dma_start3A_153 : memref<24x512xi32, #tpu.memory_space<vmem>>) target_semaphore(%arg17 : memref<!tpu.dma_semaphore, #tpu.memory_space<semaphore_mem>>)
    %dma_wait3A_156 = arith.constant 0 : i32
    %dma_wait3A_157 = arith.constant 0 : i32
    %dma_wait3A_158 = tpu.memref_slice %arg10[%dma_wait3A_156, %dma_wait3A_157] : memref<24x512xi32, #tpu.memory_space<vmem>> -> memref<24x512xi32, #tpu.memory_space<vmem>>
    %dma_wait3A_159 = arith.constant 24 : i32
    %dma_wait3A_160 = tpu.memref_slice %arg2[%dma_wait3A_159, %mul3A_2] : memref<200x16384xi32, #tpu.memory_space<hbm>> -> memref<24x512xi32, #tpu.memory_space<hbm>>
    %dma_wait3A_161 = arith.constant 0 : i32
    %dma_wait3A_162 = arith.constant 0 : i32
    %dma_wait3A_163 = tpu.memref_slice %arg10[%dma_wait3A_161, %dma_wait3A_162] : memref<24x512xi32, #tpu.memory_space<vmem>> -> memref<24x512xi32, #tpu.memory_space<vmem>>
    %dma_wait3A_164 = arith.constant 24 : i32
    %dma_wait3A_165 = tpu.memref_slice %arg2[%dma_wait3A_164, %mul3A_2] : memref<200x16384xi32, #tpu.memory_space<hbm>> -> memref<24x512xi32, #tpu.memory_space<hbm>>
    tpu.wait_dma2 semaphore(%arg18 : memref<!tpu.dma_semaphore, #tpu.memory_space<semaphore_mem>>) src(%dma_wait3A_165 : memref<24x512xi32, #tpu.memory_space<hbm>>) dst(%dma_wait3A_163 : memref<24x512xi32, #tpu.memory_space<vmem>>)
    %dma_wait3A_166 = arith.constant 0 : i32
    %dma_wait3A_167 = arith.constant 0 : i32
    %dma_wait3A_168 = tpu.memref_slice %arg13[%dma_wait3A_166, %dma_wait3A_167] : memref<24x512xi32, #tpu.memory_space<vmem>> -> memref<24x512xi32, #tpu.memory_space<vmem>>
    %dma_wait3A_169 = arith.constant 24 : i32
    %dma_wait3A_170 = tpu.memref_slice %arg3[%dma_wait3A_169, %mul3A_2] : memref<200x16384xi32, #tpu.memory_space<hbm>> -> memref<24x512xi32, #tpu.memory_space<hbm>>
    %dma_wait3A_171 = arith.constant 0 : i32
    %dma_wait3A_172 = arith.constant 0 : i32
    %dma_wait3A_173 = tpu.memref_slice %arg13[%dma_wait3A_171, %dma_wait3A_172] : memref<24x512xi32, #tpu.memory_space<vmem>> -> memref<24x512xi32, #tpu.memory_space<vmem>>
    %dma_wait3A_174 = arith.constant 24 : i32
    %dma_wait3A_175 = tpu.memref_slice %arg3[%dma_wait3A_174, %mul3A_2] : memref<200x16384xi32, #tpu.memory_space<hbm>> -> memref<24x512xi32, #tpu.memory_space<hbm>>
    tpu.wait_dma2 semaphore(%arg18 : memref<!tpu.dma_semaphore, #tpu.memory_space<semaphore_mem>>) src(%dma_wait3A_175 : memref<24x512xi32, #tpu.memory_space<hbm>>) dst(%dma_wait3A_173 : memref<24x512xi32, #tpu.memory_space<vmem>>)
    %parallel_loop3A_176 = arith.constant 0 : i32
    %parallel_loop3A_177 = arith.constant 768 : i32
    %parallel_loop3A_178 = arith.constant 1 : i32
    scf.for %parallel_loop3A_610 = %parallel_loop3A_176 to %parallel_loop3A_177 step %parallel_loop3A_178  : i32 {
      %parallel_loop3A_611 = arith.constant 5 : i32
      %parallel_loop3A_612 = arith.shrui %parallel_loop3A_610, %parallel_loop3A_611 : i32
      %parallel_loop3A_613 = arith.constant 31 : i32
      %parallel_loop3A_614 = arith.andi %parallel_loop3A_610, %parallel_loop3A_613 : i32
      %parallel_loop3A_615 = arith.constant 4 : i32
      %parallel_loop3A_616 = arith.shli %parallel_loop3A_614, %parallel_loop3A_615 : i32
      %parallel_loop3A_617 = arith.index_cast %parallel_loop3A_612 : i32 to index
      %parallel_loop3A_618 = arith.index_cast %parallel_loop3A_616 : i32 to index
      %parallel_loop3A_619 = tpu.vector_load %arg10[%parallel_loop3A_617, %parallel_loop3A_618] {strides = array<i32>} : memref<24x512xi32, #tpu.memory_space<vmem>>, vector<16xi32>,
      %parallel_loop3A_620 = arith.constant 0 : i32
      %parallel_loop3A_621 = vector.broadcast %parallel_loop3A_620 : i32 to vector<16xi32>
      %parallel_loop3A_622 = arith.maxsi %parallel_loop3A_619, %parallel_loop3A_621 : vector<16xi32>
      %parallel_loop3A_623 = arith.constant 63 : i32
      %parallel_loop3A_624 = vector.broadcast %parallel_loop3A_623 : i32 to vector<16xi32>
      %parallel_loop3A_625 = arith.minsi %parallel_loop3A_622, %parallel_loop3A_624 : vector<16xi32>
      %parallel_loop3A_626 = arith.index_cast %parallel_loop3A_612 : i32 to index
      %parallel_loop3A_627 = arith.index_cast %parallel_loop3A_616 : i32 to index
      %parallel_loop3A_628 = tpu.vector_load %arg13[%parallel_loop3A_626, %parallel_loop3A_627] {strides = array<i32>} : memref<24x512xi32, #tpu.memory_space<vmem>>, vector<16xi32>,
      %parallel_loop3A_629 = arith.constant 0 : i32
      %parallel_loop3A_630 = vector.broadcast %parallel_loop3A_629 : i32 to vector<16xi32>
      %parallel_loop3A_631 = arith.maxsi %parallel_loop3A_628, %parallel_loop3A_630 : vector<16xi32>
      %parallel_loop3A_632 = arith.constant 1023 : i32
      %parallel_loop3A_633 = vector.broadcast %parallel_loop3A_632 : i32 to vector<16xi32>
      %parallel_loop3A_634 = arith.minsi %parallel_loop3A_631, %parallel_loop3A_633 : vector<16xi32>
      %parallel_loop3A_635 = tpu.vector_load_idx %arg7[%parallel_loop3A_625] : memref<64xf32, #tpu.memory_space<vmem>>[vector<16xi32>], vector<16xf32>,
      %parallel_loop3A_636 = tpu.vector_load_idx %arg8[%parallel_loop3A_634] : memref<1024xf32, #tpu.memory_space<vmem>>[vector<16xi32>], vector<16xf32>,
      %parallel_loop3A_637 = arith.mulf %parallel_loop3A_635, %parallel_loop3A_636 : vector<16xf32>
      %parallel_loop3A_638 = arith.index_cast %parallel_loop3A_612 : i32 to index
      %parallel_loop3A_639 = arith.index_cast %parallel_loop3A_616 : i32 to index
      %parallel_loop3A_640 = tpu.vector_load %arg16[%parallel_loop3A_638, %parallel_loop3A_639] {strides = array<i32>} : memref<24x512xf32, #tpu.memory_space<vmem>>, vector<16xf32>,
      tpu.vector_store %arg16[%parallel_loop3A_638, %parallel_loop3A_639], %parallel_loop3A_637 {strides = array<i32>} : memref<24x512xf32, #tpu.memory_space<vmem>>, vector<16xf32>,
    } {sc.loop_unroll_factor = 4 : i64, sc.parallel_access}
    %dma_start3A_179 = arith.constant 0 : i32
    %dma_start3A_180 = arith.constant 0 : i32
    %dma_start3A_181 = tpu.memref_slice %arg16[%dma_start3A_179, %dma_start3A_180] : memref<24x512xf32, #tpu.memory_space<vmem>> -> memref<24x512xf32, #tpu.memory_space<vmem>>
    %dma_start3A_182 = arith.constant 24 : i32
    %dma_start3A_183 = tpu.memref_slice %arg6[%dma_start3A_182, %mul3A_2] : memref<200x16384xf32, #tpu.memory_space<hbm>> -> memref<24x512xf32, #tpu.memory_space<hbm>>
    %dma_start3A_184 = arith.constant 24 : i32
    %dma_start3A_185 = tpu.memref_slice %arg6[%dma_start3A_184, %mul3A_2] : memref<200x16384xf32, #tpu.memory_space<hbm>> -> memref<24x512xf32, #tpu.memory_space<hbm>>
    %dma_start3A_186 = arith.constant 0 : i32
    %dma_start3A_187 = arith.constant 0 : i32
    %dma_start3A_188 = tpu.memref_slice %arg16[%dma_start3A_186, %dma_start3A_187] : memref<24x512xf32, #tpu.memory_space<vmem>> -> memref<24x512xf32, #tpu.memory_space<vmem>>
    tpu.enqueue_dma source(%dma_start3A_188 : memref<24x512xf32, #tpu.memory_space<vmem>>) target(%dma_start3A_185 : memref<24x512xf32, #tpu.memory_space<hbm>>) target_semaphore(%arg21 : memref<!tpu.dma_semaphore, #tpu.memory_space<semaphore_mem>>)
    %dma_start3A_189 = arith.constant 0 : i32
    %dma_start3A_190 = arith.constant 0 : i32
    %dma_start3A_191 = tpu.memref_slice %arg10[%dma_start3A_189, %dma_start3A_190] : memref<24x512xi32, #tpu.memory_space<vmem>> -> memref<24x512xi32, #tpu.memory_space<vmem>>
    %dma_start3A_192 = arith.constant 96 : i32
    %dma_start3A_193 = tpu.memref_slice %arg2[%dma_start3A_192, %mul3A_2] : memref<200x16384xi32, #tpu.memory_space<hbm>> -> memref<24x512xi32, #tpu.memory_space<hbm>>
    %dma_start3A_194 = arith.constant 0 : i32
    %dma_start3A_195 = arith.constant 0 : i32
    %dma_start3A_196 = tpu.memref_slice %arg10[%dma_start3A_194, %dma_start3A_195] : memref<24x512xi32, #tpu.memory_space<vmem>> -> memref<24x512xi32, #tpu.memory_space<vmem>>
    %dma_start3A_197 = arith.constant 96 : i32
    %dma_start3A_198 = tpu.memref_slice %arg2[%dma_start3A_197, %mul3A_2] : memref<200x16384xi32, #tpu.memory_space<hbm>> -> memref<24x512xi32, #tpu.memory_space<hbm>>
    tpu.enqueue_dma source(%dma_start3A_198 : memref<24x512xi32, #tpu.memory_space<hbm>>) target(%dma_start3A_196 : memref<24x512xi32, #tpu.memory_space<vmem>>) target_semaphore(%arg18 : memref<!tpu.dma_semaphore, #tpu.memory_space<semaphore_mem>>)
    %dma_start3A_199 = arith.constant 0 : i32
    %dma_start3A_200 = arith.constant 0 : i32
    %dma_start3A_201 = tpu.memref_slice %arg13[%dma_start3A_199, %dma_start3A_200] : memref<24x512xi32, #tpu.memory_space<vmem>> -> memref<24x512xi32, #tpu.memory_space<vmem>>
    %dma_start3A_202 = arith.constant 96 : i32
    %dma_start3A_203 = tpu.memref_slice %arg3[%dma_start3A_202, %mul3A_2] : memref<200x16384xi32, #tpu.memory_space<hbm>> -> memref<24x512xi32, #tpu.memory_space<hbm>>
    %dma_start3A_204 = arith.constant 0 : i32
    %dma_start3A_205 = arith.constant 0 : i32
    %dma_start3A_206 = tpu.memref_slice %arg13[%dma_start3A_204, %dma_start3A_205] : memref<24x512xi32, #tpu.memory_space<vmem>> -> memref<24x512xi32, #tpu.memory_space<vmem>>
    %dma_start3A_207 = arith.constant 96 : i32
    %dma_start3A_208 = tpu.memref_slice %arg3[%dma_start3A_207, %mul3A_2] : memref<200x16384xi32, #tpu.memory_space<hbm>> -> memref<24x512xi32, #tpu.memory_space<hbm>>
    tpu.enqueue_dma source(%dma_start3A_208 : memref<24x512xi32, #tpu.memory_space<hbm>>) target(%dma_start3A_206 : memref<24x512xi32, #tpu.memory_space<vmem>>) target_semaphore(%arg18 : memref<!tpu.dma_semaphore, #tpu.memory_space<semaphore_mem>>)
    %dma_wait3A_209 = arith.constant 0 : i32
    %dma_wait3A_210 = arith.constant 0 : i32
    %dma_wait3A_211 = tpu.memref_slice %arg11[%dma_wait3A_209, %dma_wait3A_210] : memref<24x512xi32, #tpu.memory_space<vmem>> -> memref<24x512xi32, #tpu.memory_space<vmem>>
    %dma_wait3A_212 = arith.constant 48 : i32
    %dma_wait3A_213 = tpu.memref_slice %arg2[%dma_wait3A_212, %mul3A_2] : memref<200x16384xi32, #tpu.memory_space<hbm>> -> memref<24x512xi32, #tpu.memory_space<hbm>>
    %dma_wait3A_214 = arith.constant 0 : i32
    %dma_wait3A_215 = arith.constant 0 : i32
    %dma_wait3A_216 = tpu.memref_slice %arg11[%dma_wait3A_214, %dma_wait3A_215] : memref<24x512xi32, #tpu.memory_space<vmem>> -> memref<24x512xi32, #tpu.memory_space<vmem>>
    %dma_wait3A_217 = arith.constant 48 : i32
    %dma_wait3A_218 = tpu.memref_slice %arg2[%dma_wait3A_217, %mul3A_2] : memref<200x16384xi32, #tpu.memory_space<hbm>> -> memref<24x512xi32, #tpu.memory_space<hbm>>
    tpu.wait_dma2 semaphore(%arg19 : memref<!tpu.dma_semaphore, #tpu.memory_space<semaphore_mem>>) src(%dma_wait3A_218 : memref<24x512xi32, #tpu.memory_space<hbm>>) dst(%dma_wait3A_216 : memref<24x512xi32, #tpu.memory_space<vmem>>)
    %dma_wait3A_219 = arith.constant 0 : i32
    %dma_wait3A_220 = arith.constant 0 : i32
    %dma_wait3A_221 = tpu.memref_slice %arg14[%dma_wait3A_219, %dma_wait3A_220] : memref<24x512xi32, #tpu.memory_space<vmem>> -> memref<24x512xi32, #tpu.memory_space<vmem>>
    %dma_wait3A_222 = arith.constant 48 : i32
    %dma_wait3A_223 = tpu.memref_slice %arg3[%dma_wait3A_222, %mul3A_2] : memref<200x16384xi32, #tpu.memory_space<hbm>> -> memref<24x512xi32, #tpu.memory_space<hbm>>
    %dma_wait3A_224 = arith.constant 0 : i32
    %dma_wait3A_225 = arith.constant 0 : i32
    %dma_wait3A_226 = tpu.memref_slice %arg14[%dma_wait3A_224, %dma_wait3A_225] : memref<24x512xi32, #tpu.memory_space<vmem>> -> memref<24x512xi32, #tpu.memory_space<vmem>>
    %dma_wait3A_227 = arith.constant 48 : i32
    %dma_wait3A_228 = tpu.memref_slice %arg3[%dma_wait3A_227, %mul3A_2] : memref<200x16384xi32, #tpu.memory_space<hbm>> -> memref<24x512xi32, #tpu.memory_space<hbm>>
    tpu.wait_dma2 semaphore(%arg19 : memref<!tpu.dma_semaphore, #tpu.memory_space<semaphore_mem>>) src(%dma_wait3A_228 : memref<24x512xi32, #tpu.memory_space<hbm>>) dst(%dma_wait3A_226 : memref<24x512xi32, #tpu.memory_space<vmem>>)
    %dma_wait3A_229 = arith.constant 0 : i32
    %dma_wait3A_230 = arith.constant 0 : i32
    %dma_wait3A_231 = tpu.memref_slice %arg15[%dma_wait3A_229, %dma_wait3A_230] : memref<24x512xf32, #tpu.memory_space<vmem>> -> memref<24x512xf32, #tpu.memory_space<vmem>>
    %dma_wait3A_232 = arith.constant 0 : i32
    %dma_wait3A_233 = tpu.memref_slice %arg6[%dma_wait3A_232, %mul3A_2] : memref<200x16384xf32, #tpu.memory_space<hbm>> -> memref<24x512xf32, #tpu.memory_space<hbm>>
    %dma_wait3A_234 = arith.constant 0 : i32
    %dma_wait3A_235 = tpu.memref_slice %arg6[%dma_wait3A_234, %mul3A_2] : memref<200x16384xf32, #tpu.memory_space<hbm>> -> memref<24x512xf32, #tpu.memory_space<hbm>>
    %dma_wait3A_236 = arith.constant 0 : i32
    %dma_wait3A_237 = arith.constant 0 : i32
    %dma_wait3A_238 = tpu.memref_slice %arg15[%dma_wait3A_236, %dma_wait3A_237] : memref<24x512xf32, #tpu.memory_space<vmem>> -> memref<24x512xf32, #tpu.memory_space<vmem>>
    tpu.wait_dma2 semaphore(%arg20 : memref<!tpu.dma_semaphore, #tpu.memory_space<semaphore_mem>>) src(%dma_wait3A_238 : memref<24x512xf32, #tpu.memory_space<vmem>>) dst(%dma_wait3A_235 : memref<24x512xf32, #tpu.memory_space<hbm>>)
    %parallel_loop3A_239 = arith.constant 0 : i32
    %parallel_loop3A_240 = arith.constant 768 : i32
    %parallel_loop3A_241 = arith.constant 1 : i32
    scf.for %parallel_loop3A_610 = %parallel_loop3A_239 to %parallel_loop3A_240 step %parallel_loop3A_241  : i32 {
      %parallel_loop3A_611 = arith.constant 5 : i32
      %parallel_loop3A_612 = arith.shrui %parallel_loop3A_610, %parallel_loop3A_611 : i32
      %parallel_loop3A_613 = arith.constant 31 : i32
      %parallel_loop3A_614 = arith.andi %parallel_loop3A_610, %parallel_loop3A_613 : i32
      %parallel_loop3A_615 = arith.constant 4 : i32
      %parallel_loop3A_616 = arith.shli %parallel_loop3A_614, %parallel_loop3A_615 : i32
      %parallel_loop3A_617 = arith.index_cast %parallel_loop3A_612 : i32 to index
      %parallel_loop3A_618 = arith.index_cast %parallel_loop3A_616 : i32 to index
      %parallel_loop3A_619 = tpu.vector_load %arg11[%parallel_loop3A_617, %parallel_loop3A_618] {strides = array<i32>} : memref<24x512xi32, #tpu.memory_space<vmem>>, vector<16xi32>,
      %parallel_loop3A_620 = arith.constant 0 : i32
      %parallel_loop3A_621 = vector.broadcast %parallel_loop3A_620 : i32 to vector<16xi32>
      %parallel_loop3A_622 = arith.maxsi %parallel_loop3A_619, %parallel_loop3A_621 : vector<16xi32>
      %parallel_loop3A_623 = arith.constant 63 : i32
      %parallel_loop3A_624 = vector.broadcast %parallel_loop3A_623 : i32 to vector<16xi32>
      %parallel_loop3A_625 = arith.minsi %parallel_loop3A_622, %parallel_loop3A_624 : vector<16xi32>
      %parallel_loop3A_626 = arith.index_cast %parallel_loop3A_612 : i32 to index
      %parallel_loop3A_627 = arith.index_cast %parallel_loop3A_616 : i32 to index
      %parallel_loop3A_628 = tpu.vector_load %arg14[%parallel_loop3A_626, %parallel_loop3A_627] {strides = array<i32>} : memref<24x512xi32, #tpu.memory_space<vmem>>, vector<16xi32>,
      %parallel_loop3A_629 = arith.constant 0 : i32
      %parallel_loop3A_630 = vector.broadcast %parallel_loop3A_629 : i32 to vector<16xi32>
      %parallel_loop3A_631 = arith.maxsi %parallel_loop3A_628, %parallel_loop3A_630 : vector<16xi32>
      %parallel_loop3A_632 = arith.constant 1023 : i32
      %parallel_loop3A_633 = vector.broadcast %parallel_loop3A_632 : i32 to vector<16xi32>
      %parallel_loop3A_634 = arith.minsi %parallel_loop3A_631, %parallel_loop3A_633 : vector<16xi32>
      %parallel_loop3A_635 = tpu.vector_load_idx %arg7[%parallel_loop3A_625] : memref<64xf32, #tpu.memory_space<vmem>>[vector<16xi32>], vector<16xf32>,
      %parallel_loop3A_636 = tpu.vector_load_idx %arg8[%parallel_loop3A_634] : memref<1024xf32, #tpu.memory_space<vmem>>[vector<16xi32>], vector<16xf32>,
      %parallel_loop3A_637 = arith.mulf %parallel_loop3A_635, %parallel_loop3A_636 : vector<16xf32>
      %parallel_loop3A_638 = arith.index_cast %parallel_loop3A_612 : i32 to index
      %parallel_loop3A_639 = arith.index_cast %parallel_loop3A_616 : i32 to index
      %parallel_loop3A_640 = tpu.vector_load %arg15[%parallel_loop3A_638, %parallel_loop3A_639] {strides = array<i32>} : memref<24x512xf32, #tpu.memory_space<vmem>>, vector<16xf32>,
      tpu.vector_store %arg15[%parallel_loop3A_638, %parallel_loop3A_639], %parallel_loop3A_637 {strides = array<i32>} : memref<24x512xf32, #tpu.memory_space<vmem>>, vector<16xf32>,
    } {sc.loop_unroll_factor = 4 : i64, sc.parallel_access}
    %dma_start3A_242 = arith.constant 0 : i32
    %dma_start3A_243 = arith.constant 0 : i32
    %dma_start3A_244 = tpu.memref_slice %arg15[%dma_start3A_242, %dma_start3A_243] : memref<24x512xf32, #tpu.memory_space<vmem>> -> memref<24x512xf32, #tpu.memory_space<vmem>>
    %dma_start3A_245 = arith.constant 48 : i32
    %dma_start3A_246 = tpu.memref_slice %arg6[%dma_start3A_245, %mul3A_2] : memref<200x16384xf32, #tpu.memory_space<hbm>> -> memref<24x512xf32, #tpu.memory_space<hbm>>
    %dma_start3A_247 = arith.constant 48 : i32
    %dma_start3A_248 = tpu.memref_slice %arg6[%dma_start3A_247, %mul3A_2] : memref<200x16384xf32, #tpu.memory_space<hbm>> -> memref<24x512xf32, #tpu.memory_space<hbm>>
    %dma_start3A_249 = arith.constant 0 : i32
    %dma_start3A_250 = arith.constant 0 : i32
    %dma_start3A_251 = tpu.memref_slice %arg15[%dma_start3A_249, %dma_start3A_250] : memref<24x512xf32, #tpu.memory_space<vmem>> -> memref<24x512xf32, #tpu.memory_space<vmem>>
    tpu.enqueue_dma source(%dma_start3A_251 : memref<24x512xf32, #tpu.memory_space<vmem>>) target(%dma_start3A_248 : memref<24x512xf32, #tpu.memory_space<hbm>>) target_semaphore(%arg20 : memref<!tpu.dma_semaphore, #tpu.memory_space<semaphore_mem>>)
    %dma_start3A_252 = arith.constant 0 : i32
    %dma_start3A_253 = arith.constant 0 : i32
    %dma_start3A_254 = tpu.memref_slice %arg11[%dma_start3A_252, %dma_start3A_253] : memref<24x512xi32, #tpu.memory_space<vmem>> -> memref<24x512xi32, #tpu.memory_space<vmem>>
    %dma_start3A_255 = arith.constant 120 : i32
    %dma_start3A_256 = tpu.memref_slice %arg2[%dma_start3A_255, %mul3A_2] : memref<200x16384xi32, #tpu.memory_space<hbm>> -> memref<24x512xi32, #tpu.memory_space<hbm>>
    %dma_start3A_257 = arith.constant 0 : i32
    %dma_start3A_258 = arith.constant 0 : i32
    %dma_start3A_259 = tpu.memref_slice %arg11[%dma_start3A_257, %dma_start3A_258] : memref<24x512xi32, #tpu.memory_space<vmem>> -> memref<24x512xi32, #tpu.memory_space<vmem>>
    %dma_start3A_260 = arith.constant 120 : i32
    %dma_start3A_261 = tpu.memref_slice %arg2[%dma_start3A_260, %mul3A_2] : memref<200x16384xi32, #tpu.memory_space<hbm>> -> memref<24x512xi32, #tpu.memory_space<hbm>>
    tpu.enqueue_dma source(%dma_start3A_261 : memref<24x512xi32, #tpu.memory_space<hbm>>) target(%dma_start3A_259 : memref<24x512xi32, #tpu.memory_space<vmem>>) target_semaphore(%arg19 : memref<!tpu.dma_semaphore, #tpu.memory_space<semaphore_mem>>)
    %dma_start3A_262 = arith.constant 0 : i32
    %dma_start3A_263 = arith.constant 0 : i32
    %dma_start3A_264 = tpu.memref_slice %arg14[%dma_start3A_262, %dma_start3A_263] : memref<24x512xi32, #tpu.memory_space<vmem>> -> memref<24x512xi32, #tpu.memory_space<vmem>>
    %dma_start3A_265 = arith.constant 120 : i32
    %dma_start3A_266 = tpu.memref_slice %arg3[%dma_start3A_265, %mul3A_2] : memref<200x16384xi32, #tpu.memory_space<hbm>> -> memref<24x512xi32, #tpu.memory_space<hbm>>
    %dma_start3A_267 = arith.constant 0 : i32
    %dma_start3A_268 = arith.constant 0 : i32
    %dma_start3A_269 = tpu.memref_slice %arg14[%dma_start3A_267, %dma_start3A_268] : memref<24x512xi32, #tpu.memory_space<vmem>> -> memref<24x512xi32, #tpu.memory_space<vmem>>
    %dma_start3A_270 = arith.constant 120 : i32
    %dma_start3A_271 = tpu.memref_slice %arg3[%dma_start3A_270, %mul3A_2] : memref<200x16384xi32, #tpu.memory_space<hbm>> -> memref<24x512xi32, #tpu.memory_space<hbm>>
    tpu.enqueue_dma source(%dma_start3A_271 : memref<24x512xi32, #tpu.memory_space<hbm>>) target(%dma_start3A_269 : memref<24x512xi32, #tpu.memory_space<vmem>>) target_semaphore(%arg19 : memref<!tpu.dma_semaphore, #tpu.memory_space<semaphore_mem>>)
    %dma_wait3A_272 = arith.constant 0 : i32
    %dma_wait3A_273 = arith.constant 0 : i32
    %dma_wait3A_274 = tpu.memref_slice %arg9[%dma_wait3A_272, %dma_wait3A_273] : memref<24x512xi32, #tpu.memory_space<vmem>> -> memref<24x512xi32, #tpu.memory_space<vmem>>
    %dma_wait3A_275 = arith.constant 72 : i32
    %dma_wait3A_276 = tpu.memref_slice %arg2[%dma_wait3A_275, %mul3A_2] : memref<200x16384xi32, #tpu.memory_space<hbm>> -> memref<24x512xi32, #tpu.memory_space<hbm>>
    %dma_wait3A_277 = arith.constant 0 : i32
    %dma_wait3A_278 = arith.constant 0 : i32
    %dma_wait3A_279 = tpu.memref_slice %arg9[%dma_wait3A_277, %dma_wait3A_278] : memref<24x512xi32, #tpu.memory_space<vmem>> -> memref<24x512xi32, #tpu.memory_space<vmem>>
    %dma_wait3A_280 = arith.constant 72 : i32
    %dma_wait3A_281 = tpu.memref_slice %arg2[%dma_wait3A_280, %mul3A_2] : memref<200x16384xi32, #tpu.memory_space<hbm>> -> memref<24x512xi32, #tpu.memory_space<hbm>>
    tpu.wait_dma2 semaphore(%arg17 : memref<!tpu.dma_semaphore, #tpu.memory_space<semaphore_mem>>) src(%dma_wait3A_281 : memref<24x512xi32, #tpu.memory_space<hbm>>) dst(%dma_wait3A_279 : memref<24x512xi32, #tpu.memory_space<vmem>>)
    %dma_wait3A_282 = arith.constant 0 : i32
    %dma_wait3A_283 = arith.constant 0 : i32
    %dma_wait3A_284 = tpu.memref_slice %arg12[%dma_wait3A_282, %dma_wait3A_283] : memref<24x512xi32, #tpu.memory_space<vmem>> -> memref<24x512xi32, #tpu.memory_space<vmem>>
    %dma_wait3A_285 = arith.constant 72 : i32
    %dma_wait3A_286 = tpu.memref_slice %arg3[%dma_wait3A_285, %mul3A_2] : memref<200x16384xi32, #tpu.memory_space<hbm>> -> memref<24x512xi32, #tpu.memory_space<hbm>>
    %dma_wait3A_287 = arith.constant 0 : i32
    %dma_wait3A_288 = arith.constant 0 : i32
    %dma_wait3A_289 = tpu.memref_slice %arg12[%dma_wait3A_287, %dma_wait3A_288] : memref<24x512xi32, #tpu.memory_space<vmem>> -> memref<24x512xi32, #tpu.memory_space<vmem>>
    %dma_wait3A_290 = arith.constant 72 : i32
    %dma_wait3A_291 = tpu.memref_slice %arg3[%dma_wait3A_290, %mul3A_2] : memref<200x16384xi32, #tpu.memory_space<hbm>> -> memref<24x512xi32, #tpu.memory_space<hbm>>
    tpu.wait_dma2 semaphore(%arg17 : memref<!tpu.dma_semaphore, #tpu.memory_space<semaphore_mem>>) src(%dma_wait3A_291 : memref<24x512xi32, #tpu.memory_space<hbm>>) dst(%dma_wait3A_289 : memref<24x512xi32, #tpu.memory_space<vmem>>)
    %dma_wait3A_292 = arith.constant 0 : i32
    %dma_wait3A_293 = arith.constant 0 : i32
    %dma_wait3A_294 = tpu.memref_slice %arg16[%dma_wait3A_292, %dma_wait3A_293] : memref<24x512xf32, #tpu.memory_space<vmem>> -> memref<24x512xf32, #tpu.memory_space<vmem>>
    %dma_wait3A_295 = arith.constant 24 : i32
    %dma_wait3A_296 = tpu.memref_slice %arg6[%dma_wait3A_295, %mul3A_2] : memref<200x16384xf32, #tpu.memory_space<hbm>> -> memref<24x512xf32, #tpu.memory_space<hbm>>
    %dma_wait3A_297 = arith.constant 24 : i32
    %dma_wait3A_298 = tpu.memref_slice %arg6[%dma_wait3A_297, %mul3A_2] : memref<200x16384xf32, #tpu.memory_space<hbm>> -> memref<24x512xf32, #tpu.memory_space<hbm>>
    %dma_wait3A_299 = arith.constant 0 : i32
    %dma_wait3A_300 = arith.constant 0 : i32
    %dma_wait3A_301 = tpu.memref_slice %arg16[%dma_wait3A_299, %dma_wait3A_300] : memref<24x512xf32, #tpu.memory_space<vmem>> -> memref<24x512xf32, #tpu.memory_space<vmem>>
    tpu.wait_dma2 semaphore(%arg21 : memref<!tpu.dma_semaphore, #tpu.memory_space<semaphore_mem>>) src(%dma_wait3A_301 : memref<24x512xf32, #tpu.memory_space<vmem>>) dst(%dma_wait3A_298 : memref<24x512xf32, #tpu.memory_space<hbm>>)
    %parallel_loop3A_302 = arith.constant 0 : i32
    %parallel_loop3A_303 = arith.constant 768 : i32
    %parallel_loop3A_304 = arith.constant 1 : i32
    scf.for %parallel_loop3A_610 = %parallel_loop3A_302 to %parallel_loop3A_303 step %parallel_loop3A_304  : i32 {
      %parallel_loop3A_611 = arith.constant 5 : i32
      %parallel_loop3A_612 = arith.shrui %parallel_loop3A_610, %parallel_loop3A_611 : i32
      %parallel_loop3A_613 = arith.constant 31 : i32
      %parallel_loop3A_614 = arith.andi %parallel_loop3A_610, %parallel_loop3A_613 : i32
      %parallel_loop3A_615 = arith.constant 4 : i32
      %parallel_loop3A_616 = arith.shli %parallel_loop3A_614, %parallel_loop3A_615 : i32
      %parallel_loop3A_617 = arith.index_cast %parallel_loop3A_612 : i32 to index
      %parallel_loop3A_618 = arith.index_cast %parallel_loop3A_616 : i32 to index
      %parallel_loop3A_619 = tpu.vector_load %arg9[%parallel_loop3A_617, %parallel_loop3A_618] {strides = array<i32>} : memref<24x512xi32, #tpu.memory_space<vmem>>, vector<16xi32>,
      %parallel_loop3A_620 = arith.constant 0 : i32
      %parallel_loop3A_621 = vector.broadcast %parallel_loop3A_620 : i32 to vector<16xi32>
      %parallel_loop3A_622 = arith.maxsi %parallel_loop3A_619, %parallel_loop3A_621 : vector<16xi32>
      %parallel_loop3A_623 = arith.constant 63 : i32
      %parallel_loop3A_624 = vector.broadcast %parallel_loop3A_623 : i32 to vector<16xi32>
      %parallel_loop3A_625 = arith.minsi %parallel_loop3A_622, %parallel_loop3A_624 : vector<16xi32>
      %parallel_loop3A_626 = arith.index_cast %parallel_loop3A_612 : i32 to index
      %parallel_loop3A_627 = arith.index_cast %parallel_loop3A_616 : i32 to index
      %parallel_loop3A_628 = tpu.vector_load %arg12[%parallel_loop3A_626, %parallel_loop3A_627] {strides = array<i32>} : memref<24x512xi32, #tpu.memory_space<vmem>>, vector<16xi32>,
      %parallel_loop3A_629 = arith.constant 0 : i32
      %parallel_loop3A_630 = vector.broadcast %parallel_loop3A_629 : i32 to vector<16xi32>
      %parallel_loop3A_631 = arith.maxsi %parallel_loop3A_628, %parallel_loop3A_630 : vector<16xi32>
      %parallel_loop3A_632 = arith.constant 1023 : i32
      %parallel_loop3A_633 = vector.broadcast %parallel_loop3A_632 : i32 to vector<16xi32>
      %parallel_loop3A_634 = arith.minsi %parallel_loop3A_631, %parallel_loop3A_633 : vector<16xi32>
      %parallel_loop3A_635 = tpu.vector_load_idx %arg7[%parallel_loop3A_625] : memref<64xf32, #tpu.memory_space<vmem>>[vector<16xi32>], vector<16xf32>,
      %parallel_loop3A_636 = tpu.vector_load_idx %arg8[%parallel_loop3A_634] : memref<1024xf32, #tpu.memory_space<vmem>>[vector<16xi32>], vector<16xf32>,
      %parallel_loop3A_637 = arith.mulf %parallel_loop3A_635, %parallel_loop3A_636 : vector<16xf32>
      %parallel_loop3A_638 = arith.index_cast %parallel_loop3A_612 : i32 to index
      %parallel_loop3A_639 = arith.index_cast %parallel_loop3A_616 : i32 to index
      %parallel_loop3A_640 = tpu.vector_load %arg16[%parallel_loop3A_638, %parallel_loop3A_639] {strides = array<i32>} : memref<24x512xf32, #tpu.memory_space<vmem>>, vector<16xf32>,
      tpu.vector_store %arg16[%parallel_loop3A_638, %parallel_loop3A_639], %parallel_loop3A_637 {strides = array<i32>} : memref<24x512xf32, #tpu.memory_space<vmem>>, vector<16xf32>,
    } {sc.loop_unroll_factor = 4 : i64, sc.parallel_access}
    %dma_start3A_305 = arith.constant 0 : i32
    %dma_start3A_306 = arith.constant 0 : i32
    %dma_start3A_307 = tpu.memref_slice %arg16[%dma_start3A_305, %dma_start3A_306] : memref<24x512xf32, #tpu.memory_space<vmem>> -> memref<24x512xf32, #tpu.memory_space<vmem>>
    %dma_start3A_308 = arith.constant 72 : i32
    %dma_start3A_309 = tpu.memref_slice %arg6[%dma_start3A_308, %mul3A_2] : memref<200x16384xf32, #tpu.memory_space<hbm>> -> memref<24x512xf32, #tpu.memory_space<hbm>>
    %dma_start3A_310 = arith.constant 72 : i32
    %dma_start3A_311 = tpu.memref_slice %arg6[%dma_start3A_310, %mul3A_2] : memref<200x16384xf32, #tpu.memory_space<hbm>> -> memref<24x512xf32, #tpu.memory_space<hbm>>
    %dma_start3A_312 = arith.constant 0 : i32
    %dma_start3A_313 = arith.constant 0 : i32
    %dma_start3A_314 = tpu.memref_slice %arg16[%dma_start3A_312, %dma_start3A_313] : memref<24x512xf32, #tpu.memory_space<vmem>> -> memref<24x512xf32, #tpu.memory_space<vmem>>
    tpu.enqueue_dma source(%dma_start3A_314 : memref<24x512xf32, #tpu.memory_space<vmem>>) target(%dma_start3A_311 : memref<24x512xf32, #tpu.memory_space<hbm>>) target_semaphore(%arg21 : memref<!tpu.dma_semaphore, #tpu.memory_space<semaphore_mem>>)
    %dma_start3A_315 = arith.constant 0 : i32
    %dma_start3A_316 = arith.constant 0 : i32
    %dma_start3A_317 = tpu.memref_slice %arg9[%dma_start3A_315, %dma_start3A_316] : memref<24x512xi32, #tpu.memory_space<vmem>> -> memref<24x512xi32, #tpu.memory_space<vmem>>
    %dma_start3A_318 = arith.constant 144 : i32
    %dma_start3A_319 = tpu.memref_slice %arg2[%dma_start3A_318, %mul3A_2] : memref<200x16384xi32, #tpu.memory_space<hbm>> -> memref<24x512xi32, #tpu.memory_space<hbm>>
    %dma_start3A_320 = arith.constant 0 : i32
    %dma_start3A_321 = arith.constant 0 : i32
    %dma_start3A_322 = tpu.memref_slice %arg9[%dma_start3A_320, %dma_start3A_321] : memref<24x512xi32, #tpu.memory_space<vmem>> -> memref<24x512xi32, #tpu.memory_space<vmem>>
    %dma_start3A_323 = arith.constant 144 : i32
    %dma_start3A_324 = tpu.memref_slice %arg2[%dma_start3A_323, %mul3A_2] : memref<200x16384xi32, #tpu.memory_space<hbm>> -> memref<24x512xi32, #tpu.memory_space<hbm>>
    tpu.enqueue_dma source(%dma_start3A_324 : memref<24x512xi32, #tpu.memory_space<hbm>>) target(%dma_start3A_322 : memref<24x512xi32, #tpu.memory_space<vmem>>) target_semaphore(%arg17 : memref<!tpu.dma_semaphore, #tpu.memory_space<semaphore_mem>>)
    %dma_start3A_325 = arith.constant 0 : i32
    %dma_start3A_326 = arith.constant 0 : i32
    %dma_start3A_327 = tpu.memref_slice %arg12[%dma_start3A_325, %dma_start3A_326] : memref<24x512xi32, #tpu.memory_space<vmem>> -> memref<24x512xi32, #tpu.memory_space<vmem>>
    %dma_start3A_328 = arith.constant 144 : i32
    %dma_start3A_329 = tpu.memref_slice %arg3[%dma_start3A_328, %mul3A_2] : memref<200x16384xi32, #tpu.memory_space<hbm>> -> memref<24x512xi32, #tpu.memory_space<hbm>>
    %dma_start3A_330 = arith.constant 0 : i32
    %dma_start3A_331 = arith.constant 0 : i32
    %dma_start3A_332 = tpu.memref_slice %arg12[%dma_start3A_330, %dma_start3A_331] : memref<24x512xi32, #tpu.memory_space<vmem>> -> memref<24x512xi32, #tpu.memory_space<vmem>>
    %dma_start3A_333 = arith.constant 144 : i32
    %dma_start3A_334 = tpu.memref_slice %arg3[%dma_start3A_333, %mul3A_2] : memref<200x16384xi32, #tpu.memory_space<hbm>> -> memref<24x512xi32, #tpu.memory_space<hbm>>
    tpu.enqueue_dma source(%dma_start3A_334 : memref<24x512xi32, #tpu.memory_space<hbm>>) target(%dma_start3A_332 : memref<24x512xi32, #tpu.memory_space<vmem>>) target_semaphore(%arg17 : memref<!tpu.dma_semaphore, #tpu.memory_space<semaphore_mem>>)
    %dma_wait3A_335 = arith.constant 0 : i32
    %dma_wait3A_336 = arith.constant 0 : i32
    %dma_wait3A_337 = tpu.memref_slice %arg10[%dma_wait3A_335, %dma_wait3A_336] : memref<24x512xi32, #tpu.memory_space<vmem>> -> memref<24x512xi32, #tpu.memory_space<vmem>>
    %dma_wait3A_338 = arith.constant 96 : i32
    %dma_wait3A_339 = tpu.memref_slice %arg2[%dma_wait3A_338, %mul3A_2] : memref<200x16384xi32, #tpu.memory_space<hbm>> -> memref<24x512xi32, #tpu.memory_space<hbm>>
    %dma_wait3A_340 = arith.constant 0 : i32
    %dma_wait3A_341 = arith.constant 0 : i32
    %dma_wait3A_342 = tpu.memref_slice %arg10[%dma_wait3A_340, %dma_wait3A_341] : memref<24x512xi32, #tpu.memory_space<vmem>> -> memref<24x512xi32, #tpu.memory_space<vmem>>
    %dma_wait3A_343 = arith.constant 96 : i32
    %dma_wait3A_344 = tpu.memref_slice %arg2[%dma_wait3A_343, %mul3A_2] : memref<200x16384xi32, #tpu.memory_space<hbm>> -> memref<24x512xi32, #tpu.memory_space<hbm>>
    tpu.wait_dma2 semaphore(%arg18 : memref<!tpu.dma_semaphore, #tpu.memory_space<semaphore_mem>>) src(%dma_wait3A_344 : memref<24x512xi32, #tpu.memory_space<hbm>>) dst(%dma_wait3A_342 : memref<24x512xi32, #tpu.memory_space<vmem>>)
    %dma_wait3A_345 = arith.constant 0 : i32
    %dma_wait3A_346 = arith.constant 0 : i32
    %dma_wait3A_347 = tpu.memref_slice %arg13[%dma_wait3A_345, %dma_wait3A_346] : memref<24x512xi32, #tpu.memory_space<vmem>> -> memref<24x512xi32, #tpu.memory_space<vmem>>
    %dma_wait3A_348 = arith.constant 96 : i32
    %dma_wait3A_349 = tpu.memref_slice %arg3[%dma_wait3A_348, %mul3A_2] : memref<200x16384xi32, #tpu.memory_space<hbm>> -> memref<24x512xi32, #tpu.memory_space<hbm>>
    %dma_wait3A_350 = arith.constant 0 : i32
    %dma_wait3A_351 = arith.constant 0 : i32
    %dma_wait3A_352 = tpu.memref_slice %arg13[%dma_wait3A_350, %dma_wait3A_351] : memref<24x512xi32, #tpu.memory_space<vmem>> -> memref<24x512xi32, #tpu.memory_space<vmem>>
    %dma_wait3A_353 = arith.constant 96 : i32
    %dma_wait3A_354 = tpu.memref_slice %arg3[%dma_wait3A_353, %mul3A_2] : memref<200x16384xi32, #tpu.memory_space<hbm>> -> memref<24x512xi32, #tpu.memory_space<hbm>>
    tpu.wait_dma2 semaphore(%arg18 : memref<!tpu.dma_semaphore, #tpu.memory_space<semaphore_mem>>) src(%dma_wait3A_354 : memref<24x512xi32, #tpu.memory_space<hbm>>) dst(%dma_wait3A_352 : memref<24x512xi32, #tpu.memory_space<vmem>>)
    %dma_wait3A_355 = arith.constant 0 : i32
    %dma_wait3A_356 = arith.constant 0 : i32
    %dma_wait3A_357 = tpu.memref_slice %arg15[%dma_wait3A_355, %dma_wait3A_356] : memref<24x512xf32, #tpu.memory_space<vmem>> -> memref<24x512xf32, #tpu.memory_space<vmem>>
    %dma_wait3A_358 = arith.constant 48 : i32
    %dma_wait3A_359 = tpu.memref_slice %arg6[%dma_wait3A_358, %mul3A_2] : memref<200x16384xf32, #tpu.memory_space<hbm>> -> memref<24x512xf32, #tpu.memory_space<hbm>>
    %dma_wait3A_360 = arith.constant 48 : i32
    %dma_wait3A_361 = tpu.memref_slice %arg6[%dma_wait3A_360, %mul3A_2] : memref<200x16384xf32, #tpu.memory_space<hbm>> -> memref<24x512xf32, #tpu.memory_space<hbm>>
    %dma_wait3A_362 = arith.constant 0 : i32
    %dma_wait3A_363 = arith.constant 0 : i32
    %dma_wait3A_364 = tpu.memref_slice %arg15[%dma_wait3A_362, %dma_wait3A_363] : memref<24x512xf32, #tpu.memory_space<vmem>> -> memref<24x512xf32, #tpu.memory_space<vmem>>
    tpu.wait_dma2 semaphore(%arg20 : memref<!tpu.dma_semaphore, #tpu.memory_space<semaphore_mem>>) src(%dma_wait3A_364 : memref<24x512xf32, #tpu.memory_space<vmem>>) dst(%dma_wait3A_361 : memref<24x512xf32, #tpu.memory_space<hbm>>)
    %parallel_loop3A_365 = arith.constant 0 : i32
    %parallel_loop3A_366 = arith.constant 768 : i32
    %parallel_loop3A_367 = arith.constant 1 : i32
    scf.for %parallel_loop3A_610 = %parallel_loop3A_365 to %parallel_loop3A_366 step %parallel_loop3A_367  : i32 {
      %parallel_loop3A_611 = arith.constant 5 : i32
      %parallel_loop3A_612 = arith.shrui %parallel_loop3A_610, %parallel_loop3A_611 : i32
      %parallel_loop3A_613 = arith.constant 31 : i32
      %parallel_loop3A_614 = arith.andi %parallel_loop3A_610, %parallel_loop3A_613 : i32
      %parallel_loop3A_615 = arith.constant 4 : i32
      %parallel_loop3A_616 = arith.shli %parallel_loop3A_614, %parallel_loop3A_615 : i32
      %parallel_loop3A_617 = arith.index_cast %parallel_loop3A_612 : i32 to index
      %parallel_loop3A_618 = arith.index_cast %parallel_loop3A_616 : i32 to index
      %parallel_loop3A_619 = tpu.vector_load %arg10[%parallel_loop3A_617, %parallel_loop3A_618] {strides = array<i32>} : memref<24x512xi32, #tpu.memory_space<vmem>>, vector<16xi32>,
      %parallel_loop3A_620 = arith.constant 0 : i32
      %parallel_loop3A_621 = vector.broadcast %parallel_loop3A_620 : i32 to vector<16xi32>
      %parallel_loop3A_622 = arith.maxsi %parallel_loop3A_619, %parallel_loop3A_621 : vector<16xi32>
      %parallel_loop3A_623 = arith.constant 63 : i32
      %parallel_loop3A_624 = vector.broadcast %parallel_loop3A_623 : i32 to vector<16xi32>
      %parallel_loop3A_625 = arith.minsi %parallel_loop3A_622, %parallel_loop3A_624 : vector<16xi32>
      %parallel_loop3A_626 = arith.index_cast %parallel_loop3A_612 : i32 to index
      %parallel_loop3A_627 = arith.index_cast %parallel_loop3A_616 : i32 to index
      %parallel_loop3A_628 = tpu.vector_load %arg13[%parallel_loop3A_626, %parallel_loop3A_627] {strides = array<i32>} : memref<24x512xi32, #tpu.memory_space<vmem>>, vector<16xi32>,
      %parallel_loop3A_629 = arith.constant 0 : i32
      %parallel_loop3A_630 = vector.broadcast %parallel_loop3A_629 : i32 to vector<16xi32>
      %parallel_loop3A_631 = arith.maxsi %parallel_loop3A_628, %parallel_loop3A_630 : vector<16xi32>
      %parallel_loop3A_632 = arith.constant 1023 : i32
      %parallel_loop3A_633 = vector.broadcast %parallel_loop3A_632 : i32 to vector<16xi32>
      %parallel_loop3A_634 = arith.minsi %parallel_loop3A_631, %parallel_loop3A_633 : vector<16xi32>
      %parallel_loop3A_635 = tpu.vector_load_idx %arg7[%parallel_loop3A_625] : memref<64xf32, #tpu.memory_space<vmem>>[vector<16xi32>], vector<16xf32>,
      %parallel_loop3A_636 = tpu.vector_load_idx %arg8[%parallel_loop3A_634] : memref<1024xf32, #tpu.memory_space<vmem>>[vector<16xi32>], vector<16xf32>,
      %parallel_loop3A_637 = arith.mulf %parallel_loop3A_635, %parallel_loop3A_636 : vector<16xf32>
      %parallel_loop3A_638 = arith.index_cast %parallel_loop3A_612 : i32 to index
      %parallel_loop3A_639 = arith.index_cast %parallel_loop3A_616 : i32 to index
      %parallel_loop3A_640 = tpu.vector_load %arg15[%parallel_loop3A_638, %parallel_loop3A_639] {strides = array<i32>} : memref<24x512xf32, #tpu.memory_space<vmem>>, vector<16xf32>,
      tpu.vector_store %arg15[%parallel_loop3A_638, %parallel_loop3A_639], %parallel_loop3A_637 {strides = array<i32>} : memref<24x512xf32, #tpu.memory_space<vmem>>, vector<16xf32>,
    } {sc.loop_unroll_factor = 4 : i64, sc.parallel_access}
    %dma_start3A_368 = arith.constant 0 : i32
    %dma_start3A_369 = arith.constant 0 : i32
    %dma_start3A_370 = tpu.memref_slice %arg15[%dma_start3A_368, %dma_start3A_369] : memref<24x512xf32, #tpu.memory_space<vmem>> -> memref<24x512xf32, #tpu.memory_space<vmem>>
    %dma_start3A_371 = arith.constant 96 : i32
    %dma_start3A_372 = tpu.memref_slice %arg6[%dma_start3A_371, %mul3A_2] : memref<200x16384xf32, #tpu.memory_space<hbm>> -> memref<24x512xf32, #tpu.memory_space<hbm>>
    %dma_start3A_373 = arith.constant 96 : i32
    %dma_start3A_374 = tpu.memref_slice %arg6[%dma_start3A_373, %mul3A_2] : memref<200x16384xf32, #tpu.memory_space<hbm>> -> memref<24x512xf32, #tpu.memory_space<hbm>>
    %dma_start3A_375 = arith.constant 0 : i32
    %dma_start3A_376 = arith.constant 0 : i32
    %dma_start3A_377 = tpu.memref_slice %arg15[%dma_start3A_375, %dma_start3A_376] : memref<24x512xf32, #tpu.memory_space<vmem>> -> memref<24x512xf32, #tpu.memory_space<vmem>>
    tpu.enqueue_dma source(%dma_start3A_377 : memref<24x512xf32, #tpu.memory_space<vmem>>) target(%dma_start3A_374 : memref<24x512xf32, #tpu.memory_space<hbm>>) target_semaphore(%arg20 : memref<!tpu.dma_semaphore, #tpu.memory_space<semaphore_mem>>)
    %dma_start3A_378 = arith.constant 0 : i32
    %dma_start3A_379 = arith.constant 0 : i32
    %dma_start3A_380 = tpu.memref_slice %arg10[%dma_start3A_378, %dma_start3A_379] : memref<24x512xi32, #tpu.memory_space<vmem>> -> memref<24x512xi32, #tpu.memory_space<vmem>>
    %dma_start3A_381 = arith.constant 168 : i32
    %dma_start3A_382 = tpu.memref_slice %arg2[%dma_start3A_381, %mul3A_2] : memref<200x16384xi32, #tpu.memory_space<hbm>> -> memref<24x512xi32, #tpu.memory_space<hbm>>
    %dma_start3A_383 = arith.constant 0 : i32
    %dma_start3A_384 = arith.constant 0 : i32
    %dma_start3A_385 = tpu.memref_slice %arg10[%dma_start3A_383, %dma_start3A_384] : memref<24x512xi32, #tpu.memory_space<vmem>> -> memref<24x512xi32, #tpu.memory_space<vmem>>
    %dma_start3A_386 = arith.constant 168 : i32
    %dma_start3A_387 = tpu.memref_slice %arg2[%dma_start3A_386, %mul3A_2] : memref<200x16384xi32, #tpu.memory_space<hbm>> -> memref<24x512xi32, #tpu.memory_space<hbm>>
    tpu.enqueue_dma source(%dma_start3A_387 : memref<24x512xi32, #tpu.memory_space<hbm>>) target(%dma_start3A_385 : memref<24x512xi32, #tpu.memory_space<vmem>>) target_semaphore(%arg18 : memref<!tpu.dma_semaphore, #tpu.memory_space<semaphore_mem>>)
    %dma_start3A_388 = arith.constant 0 : i32
    %dma_start3A_389 = arith.constant 0 : i32
    %dma_start3A_390 = tpu.memref_slice %arg13[%dma_start3A_388, %dma_start3A_389] : memref<24x512xi32, #tpu.memory_space<vmem>> -> memref<24x512xi32, #tpu.memory_space<vmem>>
    %dma_start3A_391 = arith.constant 168 : i32
    %dma_start3A_392 = tpu.memref_slice %arg3[%dma_start3A_391, %mul3A_2] : memref<200x16384xi32, #tpu.memory_space<hbm>> -> memref<24x512xi32, #tpu.memory_space<hbm>>
    %dma_start3A_393 = arith.constant 0 : i32
    %dma_start3A_394 = arith.constant 0 : i32
    %dma_start3A_395 = tpu.memref_slice %arg13[%dma_start3A_393, %dma_start3A_394] : memref<24x512xi32, #tpu.memory_space<vmem>> -> memref<24x512xi32, #tpu.memory_space<vmem>>
    %dma_start3A_396 = arith.constant 168 : i32
    %dma_start3A_397 = tpu.memref_slice %arg3[%dma_start3A_396, %mul3A_2] : memref<200x16384xi32, #tpu.memory_space<hbm>> -> memref<24x512xi32, #tpu.memory_space<hbm>>
    tpu.enqueue_dma source(%dma_start3A_397 : memref<24x512xi32, #tpu.memory_space<hbm>>) target(%dma_start3A_395 : memref<24x512xi32, #tpu.memory_space<vmem>>) target_semaphore(%arg18 : memref<!tpu.dma_semaphore, #tpu.memory_space<semaphore_mem>>)
    %dma_wait3A_398 = arith.constant 0 : i32
    %dma_wait3A_399 = arith.constant 0 : i32
    %dma_wait3A_400 = tpu.memref_slice %arg11[%dma_wait3A_398, %dma_wait3A_399] : memref<24x512xi32, #tpu.memory_space<vmem>> -> memref<24x512xi32, #tpu.memory_space<vmem>>
    %dma_wait3A_401 = arith.constant 120 : i32
    %dma_wait3A_402 = tpu.memref_slice %arg2[%dma_wait3A_401, %mul3A_2] : memref<200x16384xi32, #tpu.memory_space<hbm>> -> memref<24x512xi32, #tpu.memory_space<hbm>>
    %dma_wait3A_403 = arith.constant 0 : i32
    %dma_wait3A_404 = arith.constant 0 : i32
    %dma_wait3A_405 = tpu.memref_slice %arg11[%dma_wait3A_403, %dma_wait3A_404] : memref<24x512xi32, #tpu.memory_space<vmem>> -> memref<24x512xi32, #tpu.memory_space<vmem>>
    %dma_wait3A_406 = arith.constant 120 : i32
    %dma_wait3A_407 = tpu.memref_slice %arg2[%dma_wait3A_406, %mul3A_2] : memref<200x16384xi32, #tpu.memory_space<hbm>> -> memref<24x512xi32, #tpu.memory_space<hbm>>
    tpu.wait_dma2 semaphore(%arg19 : memref<!tpu.dma_semaphore, #tpu.memory_space<semaphore_mem>>) src(%dma_wait3A_407 : memref<24x512xi32, #tpu.memory_space<hbm>>) dst(%dma_wait3A_405 : memref<24x512xi32, #tpu.memory_space<vmem>>)
    %dma_wait3A_408 = arith.constant 0 : i32
    %dma_wait3A_409 = arith.constant 0 : i32
    %dma_wait3A_410 = tpu.memref_slice %arg14[%dma_wait3A_408, %dma_wait3A_409] : memref<24x512xi32, #tpu.memory_space<vmem>> -> memref<24x512xi32, #tpu.memory_space<vmem>>
    %dma_wait3A_411 = arith.constant 120 : i32
    %dma_wait3A_412 = tpu.memref_slice %arg3[%dma_wait3A_411, %mul3A_2] : memref<200x16384xi32, #tpu.memory_space<hbm>> -> memref<24x512xi32, #tpu.memory_space<hbm>>
    %dma_wait3A_413 = arith.constant 0 : i32
    %dma_wait3A_414 = arith.constant 0 : i32
    %dma_wait3A_415 = tpu.memref_slice %arg14[%dma_wait3A_413, %dma_wait3A_414] : memref<24x512xi32, #tpu.memory_space<vmem>> -> memref<24x512xi32, #tpu.memory_space<vmem>>
    %dma_wait3A_416 = arith.constant 120 : i32
    %dma_wait3A_417 = tpu.memref_slice %arg3[%dma_wait3A_416, %mul3A_2] : memref<200x16384xi32, #tpu.memory_space<hbm>> -> memref<24x512xi32, #tpu.memory_space<hbm>>
    tpu.wait_dma2 semaphore(%arg19 : memref<!tpu.dma_semaphore, #tpu.memory_space<semaphore_mem>>) src(%dma_wait3A_417 : memref<24x512xi32, #tpu.memory_space<hbm>>) dst(%dma_wait3A_415 : memref<24x512xi32, #tpu.memory_space<vmem>>)
    %dma_wait3A_418 = arith.constant 0 : i32
    %dma_wait3A_419 = arith.constant 0 : i32
    %dma_wait3A_420 = tpu.memref_slice %arg16[%dma_wait3A_418, %dma_wait3A_419] : memref<24x512xf32, #tpu.memory_space<vmem>> -> memref<24x512xf32, #tpu.memory_space<vmem>>
    %dma_wait3A_421 = arith.constant 72 : i32
    %dma_wait3A_422 = tpu.memref_slice %arg6[%dma_wait3A_421, %mul3A_2] : memref<200x16384xf32, #tpu.memory_space<hbm>> -> memref<24x512xf32, #tpu.memory_space<hbm>>
    %dma_wait3A_423 = arith.constant 72 : i32
    %dma_wait3A_424 = tpu.memref_slice %arg6[%dma_wait3A_423, %mul3A_2] : memref<200x16384xf32, #tpu.memory_space<hbm>> -> memref<24x512xf32, #tpu.memory_space<hbm>>
    %dma_wait3A_425 = arith.constant 0 : i32
    %dma_wait3A_426 = arith.constant 0 : i32
    %dma_wait3A_427 = tpu.memref_slice %arg16[%dma_wait3A_425, %dma_wait3A_426] : memref<24x512xf32, #tpu.memory_space<vmem>> -> memref<24x512xf32, #tpu.memory_space<vmem>>
    tpu.wait_dma2 semaphore(%arg21 : memref<!tpu.dma_semaphore, #tpu.memory_space<semaphore_mem>>) src(%dma_wait3A_427 : memref<24x512xf32, #tpu.memory_space<vmem>>) dst(%dma_wait3A_424 : memref<24x512xf32, #tpu.memory_space<hbm>>)
    %parallel_loop3A_428 = arith.constant 0 : i32
    %parallel_loop3A_429 = arith.constant 768 : i32
    %parallel_loop3A_430 = arith.constant 1 : i32
    scf.for %parallel_loop3A_610 = %parallel_loop3A_428 to %parallel_loop3A_429 step %parallel_loop3A_430  : i32 {
      %parallel_loop3A_611 = arith.constant 5 : i32
      %parallel_loop3A_612 = arith.shrui %parallel_loop3A_610, %parallel_loop3A_611 : i32
      %parallel_loop3A_613 = arith.constant 31 : i32
      %parallel_loop3A_614 = arith.andi %parallel_loop3A_610, %parallel_loop3A_613 : i32
      %parallel_loop3A_615 = arith.constant 4 : i32
      %parallel_loop3A_616 = arith.shli %parallel_loop3A_614, %parallel_loop3A_615 : i32
      %parallel_loop3A_617 = arith.index_cast %parallel_loop3A_612 : i32 to index
      %parallel_loop3A_618 = arith.index_cast %parallel_loop3A_616 : i32 to index
      %parallel_loop3A_619 = tpu.vector_load %arg11[%parallel_loop3A_617, %parallel_loop3A_618] {strides = array<i32>} : memref<24x512xi32, #tpu.memory_space<vmem>>, vector<16xi32>,
      %parallel_loop3A_620 = arith.constant 0 : i32
      %parallel_loop3A_621 = vector.broadcast %parallel_loop3A_620 : i32 to vector<16xi32>
      %parallel_loop3A_622 = arith.maxsi %parallel_loop3A_619, %parallel_loop3A_621 : vector<16xi32>
      %parallel_loop3A_623 = arith.constant 63 : i32
      %parallel_loop3A_624 = vector.broadcast %parallel_loop3A_623 : i32 to vector<16xi32>
      %parallel_loop3A_625 = arith.minsi %parallel_loop3A_622, %parallel_loop3A_624 : vector<16xi32>
      %parallel_loop3A_626 = arith.index_cast %parallel_loop3A_612 : i32 to index
      %parallel_loop3A_627 = arith.index_cast %parallel_loop3A_616 : i32 to index
      %parallel_loop3A_628 = tpu.vector_load %arg14[%parallel_loop3A_626, %parallel_loop3A_627] {strides = array<i32>} : memref<24x512xi32, #tpu.memory_space<vmem>>, vector<16xi32>,
      %parallel_loop3A_629 = arith.constant 0 : i32
      %parallel_loop3A_630 = vector.broadcast %parallel_loop3A_629 : i32 to vector<16xi32>
      %parallel_loop3A_631 = arith.maxsi %parallel_loop3A_628, %parallel_loop3A_630 : vector<16xi32>
      %parallel_loop3A_632 = arith.constant 1023 : i32
      %parallel_loop3A_633 = vector.broadcast %parallel_loop3A_632 : i32 to vector<16xi32>
      %parallel_loop3A_634 = arith.minsi %parallel_loop3A_631, %parallel_loop3A_633 : vector<16xi32>
      %parallel_loop3A_635 = tpu.vector_load_idx %arg7[%parallel_loop3A_625] : memref<64xf32, #tpu.memory_space<vmem>>[vector<16xi32>], vector<16xf32>,
      %parallel_loop3A_636 = tpu.vector_load_idx %arg8[%parallel_loop3A_634] : memref<1024xf32, #tpu.memory_space<vmem>>[vector<16xi32>], vector<16xf32>,
      %parallel_loop3A_637 = arith.mulf %parallel_loop3A_635, %parallel_loop3A_636 : vector<16xf32>
      %parallel_loop3A_638 = arith.index_cast %parallel_loop3A_612 : i32 to index
      %parallel_loop3A_639 = arith.index_cast %parallel_loop3A_616 : i32 to index
      %parallel_loop3A_640 = tpu.vector_load %arg16[%parallel_loop3A_638, %parallel_loop3A_639] {strides = array<i32>} : memref<24x512xf32, #tpu.memory_space<vmem>>, vector<16xf32>,
      tpu.vector_store %arg16[%parallel_loop3A_638, %parallel_loop3A_639], %parallel_loop3A_637 {strides = array<i32>} : memref<24x512xf32, #tpu.memory_space<vmem>>, vector<16xf32>,
    } {sc.loop_unroll_factor = 4 : i64, sc.parallel_access}
    %dma_start3A_431 = arith.constant 0 : i32
    %dma_start3A_432 = arith.constant 0 : i32
    %dma_start3A_433 = tpu.memref_slice %arg16[%dma_start3A_431, %dma_start3A_432] : memref<24x512xf32, #tpu.memory_space<vmem>> -> memref<24x512xf32, #tpu.memory_space<vmem>>
    %dma_start3A_434 = arith.constant 120 : i32
    %dma_start3A_435 = tpu.memref_slice %arg6[%dma_start3A_434, %mul3A_2] : memref<200x16384xf32, #tpu.memory_space<hbm>> -> memref<24x512xf32, #tpu.memory_space<hbm>>
    %dma_start3A_436 = arith.constant 120 : i32
    %dma_start3A_437 = tpu.memref_slice %arg6[%dma_start3A_436, %mul3A_2] : memref<200x16384xf32, #tpu.memory_space<hbm>> -> memref<24x512xf32, #tpu.memory_space<hbm>>
    %dma_start3A_438 = arith.constant 0 : i32
    %dma_start3A_439 = arith.constant 0 : i32
    %dma_start3A_440 = tpu.memref_slice %arg16[%dma_start3A_438, %dma_start3A_439] : memref<24x512xf32, #tpu.memory_space<vmem>> -> memref<24x512xf32, #tpu.memory_space<vmem>>
    tpu.enqueue_dma source(%dma_start3A_440 : memref<24x512xf32, #tpu.memory_space<vmem>>) target(%dma_start3A_437 : memref<24x512xf32, #tpu.memory_space<hbm>>) target_semaphore(%arg21 : memref<!tpu.dma_semaphore, #tpu.memory_space<semaphore_mem>>)
    %dma_start3A_441 = arith.constant 0 : i32
    %dma_start3A_442 = arith.constant 0 : i32
    %dma_start3A_443 = tpu.memref_slice %arg11[%dma_start3A_441, %dma_start3A_442] : memref<24x512xi32, #tpu.memory_space<vmem>> -> memref<8x512xi32, #tpu.memory_space<vmem>>
    %dma_start3A_444 = arith.constant 192 : i32
    %dma_start3A_445 = tpu.memref_slice %arg2[%dma_start3A_444, %mul3A_2] : memref<200x16384xi32, #tpu.memory_space<hbm>> -> memref<8x512xi32, #tpu.memory_space<hbm>>
    %dma_start3A_446 = arith.constant 0 : i32
    %dma_start3A_447 = arith.constant 0 : i32
    %dma_start3A_448 = tpu.memref_slice %arg11[%dma_start3A_446, %dma_start3A_447] : memref<24x512xi32, #tpu.memory_space<vmem>> -> memref<8x512xi32, #tpu.memory_space<vmem>>
    %dma_start3A_449 = arith.constant 192 : i32
    %dma_start3A_450 = tpu.memref_slice %arg2[%dma_start3A_449, %mul3A_2] : memref<200x16384xi32, #tpu.memory_space<hbm>> -> memref<8x512xi32, #tpu.memory_space<hbm>>
    tpu.enqueue_dma source(%dma_start3A_450 : memref<8x512xi32, #tpu.memory_space<hbm>>) target(%dma_start3A_448 : memref<8x512xi32, #tpu.memory_space<vmem>>) target_semaphore(%arg19 : memref<!tpu.dma_semaphore, #tpu.memory_space<semaphore_mem>>)
    %dma_start3A_451 = arith.constant 0 : i32
    %dma_start3A_452 = arith.constant 0 : i32
    %dma_start3A_453 = tpu.memref_slice %arg14[%dma_start3A_451, %dma_start3A_452] : memref<24x512xi32, #tpu.memory_space<vmem>> -> memref<8x512xi32, #tpu.memory_space<vmem>>
    %dma_start3A_454 = arith.constant 192 : i32
    %dma_start3A_455 = tpu.memref_slice %arg3[%dma_start3A_454, %mul3A_2] : memref<200x16384xi32, #tpu.memory_space<hbm>> -> memref<8x512xi32, #tpu.memory_space<hbm>>
    %dma_start3A_456 = arith.constant 0 : i32
    %dma_start3A_457 = arith.constant 0 : i32
    %dma_start3A_458 = tpu.memref_slice %arg14[%dma_start3A_456, %dma_start3A_457] : memref<24x512xi32, #tpu.memory_space<vmem>> -> memref<8x512xi32, #tpu.memory_space<vmem>>
    %dma_start3A_459 = arith.constant 192 : i32
    %dma_start3A_460 = tpu.memref_slice %arg3[%dma_start3A_459, %mul3A_2] : memref<200x16384xi32, #tpu.memory_space<hbm>> -> memref<8x512xi32, #tpu.memory_space<hbm>>
    tpu.enqueue_dma source(%dma_start3A_460 : memref<8x512xi32, #tpu.memory_space<hbm>>) target(%dma_start3A_458 : memref<8x512xi32, #tpu.memory_space<vmem>>) target_semaphore(%arg19 : memref<!tpu.dma_semaphore, #tpu.memory_space<semaphore_mem>>)
    %dma_wait3A_461 = arith.constant 0 : i32
    %dma_wait3A_462 = arith.constant 0 : i32
    %dma_wait3A_463 = tpu.memref_slice %arg9[%dma_wait3A_461, %dma_wait3A_462] : memref<24x512xi32, #tpu.memory_space<vmem>> -> memref<24x512xi32, #tpu.memory_space<vmem>>
    %dma_wait3A_464 = arith.constant 144 : i32
    %dma_wait3A_465 = tpu.memref_slice %arg2[%dma_wait3A_464, %mul3A_2] : memref<200x16384xi32, #tpu.memory_space<hbm>> -> memref<24x512xi32, #tpu.memory_space<hbm>>
    %dma_wait3A_466 = arith.constant 0 : i32
    %dma_wait3A_467 = arith.constant 0 : i32
    %dma_wait3A_468 = tpu.memref_slice %arg9[%dma_wait3A_466, %dma_wait3A_467] : memref<24x512xi32, #tpu.memory_space<vmem>> -> memref<24x512xi32, #tpu.memory_space<vmem>>
    %dma_wait3A_469 = arith.constant 144 : i32
    %dma_wait3A_470 = tpu.memref_slice %arg2[%dma_wait3A_469, %mul3A_2] : memref<200x16384xi32, #tpu.memory_space<hbm>> -> memref<24x512xi32, #tpu.memory_space<hbm>>
    tpu.wait_dma2 semaphore(%arg17 : memref<!tpu.dma_semaphore, #tpu.memory_space<semaphore_mem>>) src(%dma_wait3A_470 : memref<24x512xi32, #tpu.memory_space<hbm>>) dst(%dma_wait3A_468 : memref<24x512xi32, #tpu.memory_space<vmem>>)
    %dma_wait3A_471 = arith.constant 0 : i32
    %dma_wait3A_472 = arith.constant 0 : i32
    %dma_wait3A_473 = tpu.memref_slice %arg12[%dma_wait3A_471, %dma_wait3A_472] : memref<24x512xi32, #tpu.memory_space<vmem>> -> memref<24x512xi32, #tpu.memory_space<vmem>>
    %dma_wait3A_474 = arith.constant 144 : i32
    %dma_wait3A_475 = tpu.memref_slice %arg3[%dma_wait3A_474, %mul3A_2] : memref<200x16384xi32, #tpu.memory_space<hbm>> -> memref<24x512xi32, #tpu.memory_space<hbm>>
    %dma_wait3A_476 = arith.constant 0 : i32
    %dma_wait3A_477 = arith.constant 0 : i32
    %dma_wait3A_478 = tpu.memref_slice %arg12[%dma_wait3A_476, %dma_wait3A_477] : memref<24x512xi32, #tpu.memory_space<vmem>> -> memref<24x512xi32, #tpu.memory_space<vmem>>
    %dma_wait3A_479 = arith.constant 144 : i32
    %dma_wait3A_480 = tpu.memref_slice %arg3[%dma_wait3A_479, %mul3A_2] : memref<200x16384xi32, #tpu.memory_space<hbm>> -> memref<24x512xi32, #tpu.memory_space<hbm>>
    tpu.wait_dma2 semaphore(%arg17 : memref<!tpu.dma_semaphore, #tpu.memory_space<semaphore_mem>>) src(%dma_wait3A_480 : memref<24x512xi32, #tpu.memory_space<hbm>>) dst(%dma_wait3A_478 : memref<24x512xi32, #tpu.memory_space<vmem>>)
    %dma_wait3A_481 = arith.constant 0 : i32
    %dma_wait3A_482 = arith.constant 0 : i32
    %dma_wait3A_483 = tpu.memref_slice %arg15[%dma_wait3A_481, %dma_wait3A_482] : memref<24x512xf32, #tpu.memory_space<vmem>> -> memref<24x512xf32, #tpu.memory_space<vmem>>
    %dma_wait3A_484 = arith.constant 96 : i32
    %dma_wait3A_485 = tpu.memref_slice %arg6[%dma_wait3A_484, %mul3A_2] : memref<200x16384xf32, #tpu.memory_space<hbm>> -> memref<24x512xf32, #tpu.memory_space<hbm>>
    %dma_wait3A_486 = arith.constant 96 : i32
    %dma_wait3A_487 = tpu.memref_slice %arg6[%dma_wait3A_486, %mul3A_2] : memref<200x16384xf32, #tpu.memory_space<hbm>> -> memref<24x512xf32, #tpu.memory_space<hbm>>
    %dma_wait3A_488 = arith.constant 0 : i32
    %dma_wait3A_489 = arith.constant 0 : i32
    %dma_wait3A_490 = tpu.memref_slice %arg15[%dma_wait3A_488, %dma_wait3A_489] : memref<24x512xf32, #tpu.memory_space<vmem>> -> memref<24x512xf32, #tpu.memory_space<vmem>>
    tpu.wait_dma2 semaphore(%arg20 : memref<!tpu.dma_semaphore, #tpu.memory_space<semaphore_mem>>) src(%dma_wait3A_490 : memref<24x512xf32, #tpu.memory_space<vmem>>) dst(%dma_wait3A_487 : memref<24x512xf32, #tpu.memory_space<hbm>>)
    %parallel_loop3A_491 = arith.constant 0 : i32
    %parallel_loop3A_492 = arith.constant 768 : i32
    %parallel_loop3A_493 = arith.constant 1 : i32
    scf.for %parallel_loop3A_610 = %parallel_loop3A_491 to %parallel_loop3A_492 step %parallel_loop3A_493  : i32 {
      %parallel_loop3A_611 = arith.constant 5 : i32
      %parallel_loop3A_612 = arith.shrui %parallel_loop3A_610, %parallel_loop3A_611 : i32
      %parallel_loop3A_613 = arith.constant 31 : i32
      %parallel_loop3A_614 = arith.andi %parallel_loop3A_610, %parallel_loop3A_613 : i32
      %parallel_loop3A_615 = arith.constant 4 : i32
      %parallel_loop3A_616 = arith.shli %parallel_loop3A_614, %parallel_loop3A_615 : i32
      %parallel_loop3A_617 = arith.index_cast %parallel_loop3A_612 : i32 to index
      %parallel_loop3A_618 = arith.index_cast %parallel_loop3A_616 : i32 to index
      %parallel_loop3A_619 = tpu.vector_load %arg9[%parallel_loop3A_617, %parallel_loop3A_618] {strides = array<i32>} : memref<24x512xi32, #tpu.memory_space<vmem>>, vector<16xi32>,
      %parallel_loop3A_620 = arith.constant 0 : i32
      %parallel_loop3A_621 = vector.broadcast %parallel_loop3A_620 : i32 to vector<16xi32>
      %parallel_loop3A_622 = arith.maxsi %parallel_loop3A_619, %parallel_loop3A_621 : vector<16xi32>
      %parallel_loop3A_623 = arith.constant 63 : i32
      %parallel_loop3A_624 = vector.broadcast %parallel_loop3A_623 : i32 to vector<16xi32>
      %parallel_loop3A_625 = arith.minsi %parallel_loop3A_622, %parallel_loop3A_624 : vector<16xi32>
      %parallel_loop3A_626 = arith.index_cast %parallel_loop3A_612 : i32 to index
      %parallel_loop3A_627 = arith.index_cast %parallel_loop3A_616 : i32 to index
      %parallel_loop3A_628 = tpu.vector_load %arg12[%parallel_loop3A_626, %parallel_loop3A_627] {strides = array<i32>} : memref<24x512xi32, #tpu.memory_space<vmem>>, vector<16xi32>,
      %parallel_loop3A_629 = arith.constant 0 : i32
      %parallel_loop3A_630 = vector.broadcast %parallel_loop3A_629 : i32 to vector<16xi32>
      %parallel_loop3A_631 = arith.maxsi %parallel_loop3A_628, %parallel_loop3A_630 : vector<16xi32>
      %parallel_loop3A_632 = arith.constant 1023 : i32
      %parallel_loop3A_633 = vector.broadcast %parallel_loop3A_632 : i32 to vector<16xi32>
      %parallel_loop3A_634 = arith.minsi %parallel_loop3A_631, %parallel_loop3A_633 : vector<16xi32>
      %parallel_loop3A_635 = tpu.vector_load_idx %arg7[%parallel_loop3A_625] : memref<64xf32, #tpu.memory_space<vmem>>[vector<16xi32>], vector<16xf32>,
      %parallel_loop3A_636 = tpu.vector_load_idx %arg8[%parallel_loop3A_634] : memref<1024xf32, #tpu.memory_space<vmem>>[vector<16xi32>], vector<16xf32>,
      %parallel_loop3A_637 = arith.mulf %parallel_loop3A_635, %parallel_loop3A_636 : vector<16xf32>
      %parallel_loop3A_638 = arith.index_cast %parallel_loop3A_612 : i32 to index
      %parallel_loop3A_639 = arith.index_cast %parallel_loop3A_616 : i32 to index
      %parallel_loop3A_640 = tpu.vector_load %arg15[%parallel_loop3A_638, %parallel_loop3A_639] {strides = array<i32>} : memref<24x512xf32, #tpu.memory_space<vmem>>, vector<16xf32>,
      tpu.vector_store %arg15[%parallel_loop3A_638, %parallel_loop3A_639], %parallel_loop3A_637 {strides = array<i32>} : memref<24x512xf32, #tpu.memory_space<vmem>>, vector<16xf32>,
    } {sc.loop_unroll_factor = 4 : i64, sc.parallel_access}
    %dma_start3A_494 = arith.constant 0 : i32
    %dma_start3A_495 = arith.constant 0 : i32
    %dma_start3A_496 = tpu.memref_slice %arg15[%dma_start3A_494, %dma_start3A_495] : memref<24x512xf32, #tpu.memory_space<vmem>> -> memref<24x512xf32, #tpu.memory_space<vmem>>
    %dma_start3A_497 = arith.constant 144 : i32
    %dma_start3A_498 = tpu.memref_slice %arg6[%dma_start3A_497, %mul3A_2] : memref<200x16384xf32, #tpu.memory_space<hbm>> -> memref<24x512xf32, #tpu.memory_space<hbm>>
    %dma_start3A_499 = arith.constant 144 : i32
    %dma_start3A_500 = tpu.memref_slice %arg6[%dma_start3A_499, %mul3A_2] : memref<200x16384xf32, #tpu.memory_space<hbm>> -> memref<24x512xf32, #tpu.memory_space<hbm>>
    %dma_start3A_501 = arith.constant 0 : i32
    %dma_start3A_502 = arith.constant 0 : i32
    %dma_start3A_503 = tpu.memref_slice %arg15[%dma_start3A_501, %dma_start3A_502] : memref<24x512xf32, #tpu.memory_space<vmem>> -> memref<24x512xf32, #tpu.memory_space<vmem>>
    tpu.enqueue_dma source(%dma_start3A_503 : memref<24x512xf32, #tpu.memory_space<vmem>>) target(%dma_start3A_500 : memref<24x512xf32, #tpu.memory_space<hbm>>) target_semaphore(%arg20 : memref<!tpu.dma_semaphore, #tpu.memory_space<semaphore_mem>>)
    %dma_wait3A_504 = arith.constant 0 : i32
    %dma_wait3A_505 = arith.constant 0 : i32
    %dma_wait3A_506 = tpu.memref_slice %arg10[%dma_wait3A_504, %dma_wait3A_505] : memref<24x512xi32, #tpu.memory_space<vmem>> -> memref<24x512xi32, #tpu.memory_space<vmem>>
    %dma_wait3A_507 = arith.constant 168 : i32
    %dma_wait3A_508 = tpu.memref_slice %arg2[%dma_wait3A_507, %mul3A_2] : memref<200x16384xi32, #tpu.memory_space<hbm>> -> memref<24x512xi32, #tpu.memory_space<hbm>>
    %dma_wait3A_509 = arith.constant 0 : i32
    %dma_wait3A_510 = arith.constant 0 : i32
    %dma_wait3A_511 = tpu.memref_slice %arg10[%dma_wait3A_509, %dma_wait3A_510] : memref<24x512xi32, #tpu.memory_space<vmem>> -> memref<24x512xi32, #tpu.memory_space<vmem>>
    %dma_wait3A_512 = arith.constant 168 : i32
    %dma_wait3A_513 = tpu.memref_slice %arg2[%dma_wait3A_512, %mul3A_2] : memref<200x16384xi32, #tpu.memory_space<hbm>> -> memref<24x512xi32, #tpu.memory_space<hbm>>
    tpu.wait_dma2 semaphore(%arg18 : memref<!tpu.dma_semaphore, #tpu.memory_space<semaphore_mem>>) src(%dma_wait3A_513 : memref<24x512xi32, #tpu.memory_space<hbm>>) dst(%dma_wait3A_511 : memref<24x512xi32, #tpu.memory_space<vmem>>)
    %dma_wait3A_514 = arith.constant 0 : i32
    %dma_wait3A_515 = arith.constant 0 : i32
    %dma_wait3A_516 = tpu.memref_slice %arg13[%dma_wait3A_514, %dma_wait3A_515] : memref<24x512xi32, #tpu.memory_space<vmem>> -> memref<24x512xi32, #tpu.memory_space<vmem>>
    %dma_wait3A_517 = arith.constant 168 : i32
    %dma_wait3A_518 = tpu.memref_slice %arg3[%dma_wait3A_517, %mul3A_2] : memref<200x16384xi32, #tpu.memory_space<hbm>> -> memref<24x512xi32, #tpu.memory_space<hbm>>
    %dma_wait3A_519 = arith.constant 0 : i32
    %dma_wait3A_520 = arith.constant 0 : i32
    %dma_wait3A_521 = tpu.memref_slice %arg13[%dma_wait3A_519, %dma_wait3A_520] : memref<24x512xi32, #tpu.memory_space<vmem>> -> memref<24x512xi32, #tpu.memory_space<vmem>>
    %dma_wait3A_522 = arith.constant 168 : i32
    %dma_wait3A_523 = tpu.memref_slice %arg3[%dma_wait3A_522, %mul3A_2] : memref<200x16384xi32, #tpu.memory_space<hbm>> -> memref<24x512xi32, #tpu.memory_space<hbm>>
    tpu.wait_dma2 semaphore(%arg18 : memref<!tpu.dma_semaphore, #tpu.memory_space<semaphore_mem>>) src(%dma_wait3A_523 : memref<24x512xi32, #tpu.memory_space<hbm>>) dst(%dma_wait3A_521 : memref<24x512xi32, #tpu.memory_space<vmem>>)
    %dma_wait3A_524 = arith.constant 0 : i32
    %dma_wait3A_525 = arith.constant 0 : i32
    %dma_wait3A_526 = tpu.memref_slice %arg16[%dma_wait3A_524, %dma_wait3A_525] : memref<24x512xf32, #tpu.memory_space<vmem>> -> memref<24x512xf32, #tpu.memory_space<vmem>>
    %dma_wait3A_527 = arith.constant 120 : i32
    %dma_wait3A_528 = tpu.memref_slice %arg6[%dma_wait3A_527, %mul3A_2] : memref<200x16384xf32, #tpu.memory_space<hbm>> -> memref<24x512xf32, #tpu.memory_space<hbm>>
    %dma_wait3A_529 = arith.constant 120 : i32
    %dma_wait3A_530 = tpu.memref_slice %arg6[%dma_wait3A_529, %mul3A_2] : memref<200x16384xf32, #tpu.memory_space<hbm>> -> memref<24x512xf32, #tpu.memory_space<hbm>>
    %dma_wait3A_531 = arith.constant 0 : i32
    %dma_wait3A_532 = arith.constant 0 : i32
    %dma_wait3A_533 = tpu.memref_slice %arg16[%dma_wait3A_531, %dma_wait3A_532] : memref<24x512xf32, #tpu.memory_space<vmem>> -> memref<24x512xf32, #tpu.memory_space<vmem>>
    tpu.wait_dma2 semaphore(%arg21 : memref<!tpu.dma_semaphore, #tpu.memory_space<semaphore_mem>>) src(%dma_wait3A_533 : memref<24x512xf32, #tpu.memory_space<vmem>>) dst(%dma_wait3A_530 : memref<24x512xf32, #tpu.memory_space<hbm>>)
    %parallel_loop3A_534 = arith.constant 0 : i32
    %parallel_loop3A_535 = arith.constant 768 : i32
    %parallel_loop3A_536 = arith.constant 1 : i32
    scf.for %parallel_loop3A_610 = %parallel_loop3A_534 to %parallel_loop3A_535 step %parallel_loop3A_536  : i32 {
      %parallel_loop3A_611 = arith.constant 5 : i32
      %parallel_loop3A_612 = arith.shrui %parallel_loop3A_610, %parallel_loop3A_611 : i32
      %parallel_loop3A_613 = arith.constant 31 : i32
      %parallel_loop3A_614 = arith.andi %parallel_loop3A_610, %parallel_loop3A_613 : i32
      %parallel_loop3A_615 = arith.constant 4 : i32
      %parallel_loop3A_616 = arith.shli %parallel_loop3A_614, %parallel_loop3A_615 : i32
      %parallel_loop3A_617 = arith.index_cast %parallel_loop3A_612 : i32 to index
      %parallel_loop3A_618 = arith.index_cast %parallel_loop3A_616 : i32 to index
      %parallel_loop3A_619 = tpu.vector_load %arg10[%parallel_loop3A_617, %parallel_loop3A_618] {strides = array<i32>} : memref<24x512xi32, #tpu.memory_space<vmem>>, vector<16xi32>,
      %parallel_loop3A_620 = arith.constant 0 : i32
      %parallel_loop3A_621 = vector.broadcast %parallel_loop3A_620 : i32 to vector<16xi32>
      %parallel_loop3A_622 = arith.maxsi %parallel_loop3A_619, %parallel_loop3A_621 : vector<16xi32>
      %parallel_loop3A_623 = arith.constant 63 : i32
      %parallel_loop3A_624 = vector.broadcast %parallel_loop3A_623 : i32 to vector<16xi32>
      %parallel_loop3A_625 = arith.minsi %parallel_loop3A_622, %parallel_loop3A_624 : vector<16xi32>
      %parallel_loop3A_626 = arith.index_cast %parallel_loop3A_612 : i32 to index
      %parallel_loop3A_627 = arith.index_cast %parallel_loop3A_616 : i32 to index
      %parallel_loop3A_628 = tpu.vector_load %arg13[%parallel_loop3A_626, %parallel_loop3A_627] {strides = array<i32>} : memref<24x512xi32, #tpu.memory_space<vmem>>, vector<16xi32>,
      %parallel_loop3A_629 = arith.constant 0 : i32
      %parallel_loop3A_630 = vector.broadcast %parallel_loop3A_629 : i32 to vector<16xi32>
      %parallel_loop3A_631 = arith.maxsi %parallel_loop3A_628, %parallel_loop3A_630 : vector<16xi32>
      %parallel_loop3A_632 = arith.constant 1023 : i32
      %parallel_loop3A_633 = vector.broadcast %parallel_loop3A_632 : i32 to vector<16xi32>
      %parallel_loop3A_634 = arith.minsi %parallel_loop3A_631, %parallel_loop3A_633 : vector<16xi32>
      %parallel_loop3A_635 = tpu.vector_load_idx %arg7[%parallel_loop3A_625] : memref<64xf32, #tpu.memory_space<vmem>>[vector<16xi32>], vector<16xf32>,
      %parallel_loop3A_636 = tpu.vector_load_idx %arg8[%parallel_loop3A_634] : memref<1024xf32, #tpu.memory_space<vmem>>[vector<16xi32>], vector<16xf32>,
      %parallel_loop3A_637 = arith.mulf %parallel_loop3A_635, %parallel_loop3A_636 : vector<16xf32>
      %parallel_loop3A_638 = arith.index_cast %parallel_loop3A_612 : i32 to index
      %parallel_loop3A_639 = arith.index_cast %parallel_loop3A_616 : i32 to index
      %parallel_loop3A_640 = tpu.vector_load %arg16[%parallel_loop3A_638, %parallel_loop3A_639] {strides = array<i32>} : memref<24x512xf32, #tpu.memory_space<vmem>>, vector<16xf32>,
      tpu.vector_store %arg16[%parallel_loop3A_638, %parallel_loop3A_639], %parallel_loop3A_637 {strides = array<i32>} : memref<24x512xf32, #tpu.memory_space<vmem>>, vector<16xf32>,
    } {sc.loop_unroll_factor = 4 : i64, sc.parallel_access}
    %dma_start3A_537 = arith.constant 0 : i32
    %dma_start3A_538 = arith.constant 0 : i32
    %dma_start3A_539 = tpu.memref_slice %arg16[%dma_start3A_537, %dma_start3A_538] : memref<24x512xf32, #tpu.memory_space<vmem>> -> memref<24x512xf32, #tpu.memory_space<vmem>>
    %dma_start3A_540 = arith.constant 168 : i32
    %dma_start3A_541 = tpu.memref_slice %arg6[%dma_start3A_540, %mul3A_2] : memref<200x16384xf32, #tpu.memory_space<hbm>> -> memref<24x512xf32, #tpu.memory_space<hbm>>
    %dma_start3A_542 = arith.constant 168 : i32
    %dma_start3A_543 = tpu.memref_slice %arg6[%dma_start3A_542, %mul3A_2] : memref<200x16384xf32, #tpu.memory_space<hbm>> -> memref<24x512xf32, #tpu.memory_space<hbm>>
    %dma_start3A_544 = arith.constant 0 : i32
    %dma_start3A_545 = arith.constant 0 : i32
    %dma_start3A_546 = tpu.memref_slice %arg16[%dma_start3A_544, %dma_start3A_545] : memref<24x512xf32, #tpu.memory_space<vmem>> -> memref<24x512xf32, #tpu.memory_space<vmem>>
    tpu.enqueue_dma source(%dma_start3A_546 : memref<24x512xf32, #tpu.memory_space<vmem>>) target(%dma_start3A_543 : memref<24x512xf32, #tpu.memory_space<hbm>>) target_semaphore(%arg21 : memref<!tpu.dma_semaphore, #tpu.memory_space<semaphore_mem>>)
    %dma_wait3A_547 = arith.constant 0 : i32
    %dma_wait3A_548 = arith.constant 0 : i32
    %dma_wait3A_549 = tpu.memref_slice %arg11[%dma_wait3A_547, %dma_wait3A_548] : memref<24x512xi32, #tpu.memory_space<vmem>> -> memref<8x512xi32, #tpu.memory_space<vmem>>
    %dma_wait3A_550 = arith.constant 192 : i32
    %dma_wait3A_551 = tpu.memref_slice %arg2[%dma_wait3A_550, %mul3A_2] : memref<200x16384xi32, #tpu.memory_space<hbm>> -> memref<8x512xi32, #tpu.memory_space<hbm>>
    %dma_wait3A_552 = arith.constant 0 : i32
    %dma_wait3A_553 = arith.constant 0 : i32
    %dma_wait3A_554 = tpu.memref_slice %arg11[%dma_wait3A_552, %dma_wait3A_553] : memref<24x512xi32, #tpu.memory_space<vmem>> -> memref<8x512xi32, #tpu.memory_space<vmem>>
    %dma_wait3A_555 = arith.constant 192 : i32
    %dma_wait3A_556 = tpu.memref_slice %arg2[%dma_wait3A_555, %mul3A_2] : memref<200x16384xi32, #tpu.memory_space<hbm>> -> memref<8x512xi32, #tpu.memory_space<hbm>>
    tpu.wait_dma2 semaphore(%arg19 : memref<!tpu.dma_semaphore, #tpu.memory_space<semaphore_mem>>) src(%dma_wait3A_556 : memref<8x512xi32, #tpu.memory_space<hbm>>) dst(%dma_wait3A_554 : memref<8x512xi32, #tpu.memory_space<vmem>>)
    %dma_wait3A_557 = arith.constant 0 : i32
    %dma_wait3A_558 = arith.constant 0 : i32
    %dma_wait3A_559 = tpu.memref_slice %arg14[%dma_wait3A_557, %dma_wait3A_558] : memref<24x512xi32, #tpu.memory_space<vmem>> -> memref<8x512xi32, #tpu.memory_space<vmem>>
    %dma_wait3A_560 = arith.constant 192 : i32
    %dma_wait3A_561 = tpu.memref_slice %arg3[%dma_wait3A_560, %mul3A_2] : memref<200x16384xi32, #tpu.memory_space<hbm>> -> memref<8x512xi32, #tpu.memory_space<hbm>>
    %dma_wait3A_562 = arith.constant 0 : i32
    %dma_wait3A_563 = arith.constant 0 : i32
    %dma_wait3A_564 = tpu.memref_slice %arg14[%dma_wait3A_562, %dma_wait3A_563] : memref<24x512xi32, #tpu.memory_space<vmem>> -> memref<8x512xi32, #tpu.memory_space<vmem>>
    %dma_wait3A_565 = arith.constant 192 : i32
    %dma_wait3A_566 = tpu.memref_slice %arg3[%dma_wait3A_565, %mul3A_2] : memref<200x16384xi32, #tpu.memory_space<hbm>> -> memref<8x512xi32, #tpu.memory_space<hbm>>
    tpu.wait_dma2 semaphore(%arg19 : memref<!tpu.dma_semaphore, #tpu.memory_space<semaphore_mem>>) src(%dma_wait3A_566 : memref<8x512xi32, #tpu.memory_space<hbm>>) dst(%dma_wait3A_564 : memref<8x512xi32, #tpu.memory_space<vmem>>)
    %dma_wait3A_567 = arith.constant 0 : i32
    %dma_wait3A_568 = arith.constant 0 : i32
    %dma_wait3A_569 = tpu.memref_slice %arg15[%dma_wait3A_567, %dma_wait3A_568] : memref<24x512xf32, #tpu.memory_space<vmem>> -> memref<24x512xf32, #tpu.memory_space<vmem>>
    %dma_wait3A_570 = arith.constant 144 : i32
    %dma_wait3A_571 = tpu.memref_slice %arg6[%dma_wait3A_570, %mul3A_2] : memref<200x16384xf32, #tpu.memory_space<hbm>> -> memref<24x512xf32, #tpu.memory_space<hbm>>
    %dma_wait3A_572 = arith.constant 144 : i32
    %dma_wait3A_573 = tpu.memref_slice %arg6[%dma_wait3A_572, %mul3A_2] : memref<200x16384xf32, #tpu.memory_space<hbm>> -> memref<24x512xf32, #tpu.memory_space<hbm>>
    %dma_wait3A_574 = arith.constant 0 : i32
    %dma_wait3A_575 = arith.constant 0 : i32
    %dma_wait3A_576 = tpu.memref_slice %arg15[%dma_wait3A_574, %dma_wait3A_575] : memref<24x512xf32, #tpu.memory_space<vmem>> -> memref<24x512xf32, #tpu.memory_space<vmem>>
    tpu.wait_dma2 semaphore(%arg20 : memref<!tpu.dma_semaphore, #tpu.memory_space<semaphore_mem>>) src(%dma_wait3A_576 : memref<24x512xf32, #tpu.memory_space<vmem>>) dst(%dma_wait3A_573 : memref<24x512xf32, #tpu.memory_space<hbm>>)
    %parallel_loop3A_577 = arith.constant 0 : i32
    %parallel_loop3A_578 = arith.constant 256 : i32
    %parallel_loop3A_579 = arith.constant 1 : i32
    scf.for %parallel_loop3A_610 = %parallel_loop3A_577 to %parallel_loop3A_578 step %parallel_loop3A_579  : i32 {
      %parallel_loop3A_611 = arith.constant 5 : i32
      %parallel_loop3A_612 = arith.shrui %parallel_loop3A_610, %parallel_loop3A_611 : i32
      %parallel_loop3A_613 = arith.constant 31 : i32
      %parallel_loop3A_614 = arith.andi %parallel_loop3A_610, %parallel_loop3A_613 : i32
      %parallel_loop3A_615 = arith.constant 4 : i32
      %parallel_loop3A_616 = arith.shli %parallel_loop3A_614, %parallel_loop3A_615 : i32
      %parallel_loop3A_617 = arith.index_cast %parallel_loop3A_612 : i32 to index
      %parallel_loop3A_618 = arith.index_cast %parallel_loop3A_616 : i32 to index
      %parallel_loop3A_619 = tpu.vector_load %arg11[%parallel_loop3A_617, %parallel_loop3A_618] {strides = array<i32>} : memref<24x512xi32, #tpu.memory_space<vmem>>, vector<16xi32>,
      %parallel_loop3A_620 = arith.constant 0 : i32
      %parallel_loop3A_621 = vector.broadcast %parallel_loop3A_620 : i32 to vector<16xi32>
      %parallel_loop3A_622 = arith.maxsi %parallel_loop3A_619, %parallel_loop3A_621 : vector<16xi32>
      %parallel_loop3A_623 = arith.constant 63 : i32
      %parallel_loop3A_624 = vector.broadcast %parallel_loop3A_623 : i32 to vector<16xi32>
      %parallel_loop3A_625 = arith.minsi %parallel_loop3A_622, %parallel_loop3A_624 : vector<16xi32>
      %parallel_loop3A_626 = arith.index_cast %parallel_loop3A_612 : i32 to index
      %parallel_loop3A_627 = arith.index_cast %parallel_loop3A_616 : i32 to index
      %parallel_loop3A_628 = tpu.vector_load %arg14[%parallel_loop3A_626, %parallel_loop3A_627] {strides = array<i32>} : memref<24x512xi32, #tpu.memory_space<vmem>>, vector<16xi32>,
      %parallel_loop3A_629 = arith.constant 0 : i32
      %parallel_loop3A_630 = vector.broadcast %parallel_loop3A_629 : i32 to vector<16xi32>
      %parallel_loop3A_631 = arith.maxsi %parallel_loop3A_628, %parallel_loop3A_630 : vector<16xi32>
      %parallel_loop3A_632 = arith.constant 1023 : i32
      %parallel_loop3A_633 = vector.broadcast %parallel_loop3A_632 : i32 to vector<16xi32>
      %parallel_loop3A_634 = arith.minsi %parallel_loop3A_631, %parallel_loop3A_633 : vector<16xi32>
      %parallel_loop3A_635 = tpu.vector_load_idx %arg7[%parallel_loop3A_625] : memref<64xf32, #tpu.memory_space<vmem>>[vector<16xi32>], vector<16xf32>,
      %parallel_loop3A_636 = tpu.vector_load_idx %arg8[%parallel_loop3A_634] : memref<1024xf32, #tpu.memory_space<vmem>>[vector<16xi32>], vector<16xf32>,
      %parallel_loop3A_637 = arith.mulf %parallel_loop3A_635, %parallel_loop3A_636 : vector<16xf32>
      %parallel_loop3A_638 = arith.index_cast %parallel_loop3A_612 : i32 to index
      %parallel_loop3A_639 = arith.index_cast %parallel_loop3A_616 : i32 to index
      %parallel_loop3A_640 = tpu.vector_load %arg15[%parallel_loop3A_638, %parallel_loop3A_639] {strides = array<i32>} : memref<24x512xf32, #tpu.memory_space<vmem>>, vector<16xf32>,
      tpu.vector_store %arg15[%parallel_loop3A_638, %parallel_loop3A_639], %parallel_loop3A_637 {strides = array<i32>} : memref<24x512xf32, #tpu.memory_space<vmem>>, vector<16xf32>,
    } {sc.loop_unroll_factor = 4 : i64, sc.parallel_access}
    %dma_start3A_580 = arith.constant 0 : i32
    %dma_start3A_581 = arith.constant 0 : i32
    %dma_start3A_582 = tpu.memref_slice %arg15[%dma_start3A_580, %dma_start3A_581] : memref<24x512xf32, #tpu.memory_space<vmem>> -> memref<8x512xf32, #tpu.memory_space<vmem>>
    %dma_start3A_583 = arith.constant 192 : i32
    %dma_start3A_584 = tpu.memref_slice %arg6[%dma_start3A_583, %mul3A_2] : memref<200x16384xf32, #tpu.memory_space<hbm>> -> memref<8x512xf32, #tpu.memory_space<hbm>>
    %dma_start3A_585 = arith.constant 192 : i32
    %dma_start3A_586 = tpu.memref_slice %arg6[%dma_start3A_585, %mul3A_2] : memref<200x16384xf32, #tpu.memory_space<hbm>> -> memref<8x512xf32, #tpu.memory_space<hbm>>
    %dma_start3A_587 = arith.constant 0 : i32
    %dma_start3A_588 = arith.constant 0 : i32
    %dma_start3A_589 = tpu.memref_slice %arg15[%dma_start3A_587, %dma_start3A_588] : memref<24x512xf32, #tpu.memory_space<vmem>> -> memref<8x512xf32, #tpu.memory_space<vmem>>
    tpu.enqueue_dma source(%dma_start3A_589 : memref<8x512xf32, #tpu.memory_space<vmem>>) target(%dma_start3A_586 : memref<8x512xf32, #tpu.memory_space<hbm>>) target_semaphore(%arg20 : memref<!tpu.dma_semaphore, #tpu.memory_space<semaphore_mem>>)
    %dma_wait3A_590 = arith.constant 0 : i32
    %dma_wait3A_591 = arith.constant 0 : i32
    %dma_wait3A_592 = tpu.memref_slice %arg15[%dma_wait3A_590, %dma_wait3A_591] : memref<24x512xf32, #tpu.memory_space<vmem>> -> memref<8x512xf32, #tpu.memory_space<vmem>>
    %dma_wait3A_593 = arith.constant 192 : i32
    %dma_wait3A_594 = tpu.memref_slice %arg6[%dma_wait3A_593, %mul3A_2] : memref<200x16384xf32, #tpu.memory_space<hbm>> -> memref<8x512xf32, #tpu.memory_space<hbm>>
    %dma_wait3A_595 = arith.constant 192 : i32
    %dma_wait3A_596 = tpu.memref_slice %arg6[%dma_wait3A_595, %mul3A_2] : memref<200x16384xf32, #tpu.memory_space<hbm>> -> memref<8x512xf32, #tpu.memory_space<hbm>>
    %dma_wait3A_597 = arith.constant 0 : i32
    %dma_wait3A_598 = arith.constant 0 : i32
    %dma_wait3A_599 = tpu.memref_slice %arg15[%dma_wait3A_597, %dma_wait3A_598] : memref<24x512xf32, #tpu.memory_space<vmem>> -> memref<8x512xf32, #tpu.memory_space<vmem>>
    tpu.wait_dma2 semaphore(%arg20 : memref<!tpu.dma_semaphore, #tpu.memory_space<semaphore_mem>>) src(%dma_wait3A_599 : memref<8x512xf32, #tpu.memory_space<vmem>>) dst(%dma_wait3A_596 : memref<8x512xf32, #tpu.memory_space<hbm>>)
    %dma_wait3A_600 = arith.constant 0 : i32
    %dma_wait3A_601 = arith.constant 0 : i32
    %dma_wait3A_602 = tpu.memref_slice %arg16[%dma_wait3A_600, %dma_wait3A_601] : memref<24x512xf32, #tpu.memory_space<vmem>> -> memref<24x512xf32, #tpu.memory_space<vmem>>
    %dma_wait3A_603 = arith.constant 168 : i32
    %dma_wait3A_604 = tpu.memref_slice %arg6[%dma_wait3A_603, %mul3A_2] : memref<200x16384xf32, #tpu.memory_space<hbm>> -> memref<24x512xf32, #tpu.memory_space<hbm>>
    %dma_wait3A_605 = arith.constant 168 : i32
    %dma_wait3A_606 = tpu.memref_slice %arg6[%dma_wait3A_605, %mul3A_2] : memref<200x16384xf32, #tpu.memory_space<hbm>> -> memref<24x512xf32, #tpu.memory_space<hbm>>
    %dma_wait3A_607 = arith.constant 0 : i32
    %dma_wait3A_608 = arith.constant 0 : i32
    %dma_wait3A_609 = tpu.memref_slice %arg16[%dma_wait3A_607, %dma_wait3A_608] : memref<24x512xf32, #tpu.memory_space<vmem>> -> memref<24x512xf32, #tpu.memory_space<vmem>>
    tpu.wait_dma2 semaphore(%arg21 : memref<!tpu.dma_semaphore, #tpu.memory_space<semaphore_mem>>) src(%dma_wait3A_609 : memref<24x512xf32, #tpu.memory_space<vmem>>) dst(%dma_wait3A_606 : memref<24x512xf32, #tpu.memory_space<hbm>>)
    return
  }
}

</mosaic_0001>

<sc_bundles>
// kernel: kernel.3.cloned.1.call-start
scs
__scs_entry_jumppad:
0x0: {  	(pc) =	sbr.rel $0x88, $3  }
0x1: {  	(tag) =	ssettag $0x0;
	lr =	simm.s32 $0x1  }
0x2: {  	[smem:$0x3F9D] =	sst lr;
	_ =	strace $0xD0000000  }
0x3: {  	_ = 	snop  }
0x4: {  	_ = 	snop  }
0x5: {  	_ = 	snop  }
0x6: {  	_ = 	snop  }
0x7: {  	_ = 	snop  }
__scs_overlays_trampoline_lowered:
0x8: {  	[smem:$0x3FAC] =	sst s0  }
0x9: {  	[smem:$0x3FAD] =	sst s1  }
0xa: {  	[smem:$0x3FAE] =	sst s2  }
0xb: {  	[smem:$0x3FAF] =	sst s3  }
0xc: {  	[smem:$0x3FB0] =	sst s4  }
0xd: {  	[smem:$0x3FB1] =	sst s5  }
0xe: {  	[smem:$0x3FB2] =	sst s6  }
0xf: {  	[smem:$0x3FB3] =	sst s7  }
0x10: {  	[smem:$0x3FB4] =	sst s8  }
0x11: {  	[smem:$0x3FB5] =	sst s9;
	s0 =	simm.s32 @!p0 $0x0  }
0x12: {  	s1 =	sld [smem:$0x3F9B];
	s0 =	simm.s32 @p0 $0x1  }
0x13: {  	[smem:$0x3FB6] =	sst s0;
	s0 =	simm.s32 @!p1 $0x0  }
0x14: {  	s2 =	sld [smem:$0x3F9A];
	s0 =	simm.s32 @p1 $0x1  }
0x15: {  	[smem:$0x3FB7] =	sst s0;
	s0 =	simm.s32 @!p2 $0x0  }
0x16: {  	s3 =	sld [smem:$0x3FDB];
	s0 =	simm.s32 @p2 $0x1  }
0x17: {  	s4 =	simm.s32 $0x1BF5;
	[smem:$0x3FB9] =	sst s0  }
0x18: {  	s0 =	sld [smem:$0x3F9C];
	_ =	swait.ge [sflag:s4], $0x0  }
0x19: {  	s7 =	sld [smem:$0x3F9D]  }
0x1a: {  	s8 =	sadd.s32 $0xFFFFE003, lr  }
0x1b: {  	s9 =	sadd.s32 $0xFFFFFEF7, lr;
	s5 =	simm.s32 $0xFFFFFFFF;
	p2 =	slt.u32 s8, $0xFFFFF086  }
0x1c: {  	p1 =	slt.u32 s9, $0xF7A;
	s5 =	simm.s32 @!p2 $0x0  }
0x1d: {  	s5 =	simm.s32 @p1 $0x1;
	p0 =	seq.s32 s7, s2  }
0x1e: {  	s7 =	smul.u32 @!p0 $0xF7A, s2;
	p2 =	seq.s32 @!p0 s5, $0x0  }
0x1f: {  	s9 =	smul.u32 $0xF7A, s1;
	s8 =	simm.s32 @!p0 $0x1BF5;
	p2 =	por !p2, p0  }
0x20: {  	[sflag:s8] =	ssyncset.s32 @!p0 $0xFFFFF086;
	s6 =	sadd.s32 @!p0 s3, s7;
	s7 =	simm.s32 @!p0 $0x108  }
0x21: {  	s3 =	sadd.s32 s3, s9;
	s6 =	sadd.s32 @!p0 $0x88, s6;
	s7 =	simm.s32 @p2 $0x1082  }
0x22: {  	[simem:s7], [sflag:s8] =	dma.local @!p0 [hbm:s6], $0xF7A  }
0x23: {  	s9 =	sor.u32 $0xD0000000, s2;
	s6 =	simm.s32 $0x108;
	_ =	swait.ge @!p0 [sflag:s8], $0x0  }
0x24: {  	s3 =	sadd.s32 $0x88, s3;
	s6 =	simm.s32 @!p1 $0x1082;
	[sflag:s4] =	ssyncset.s32 $0xFFFFF086  }
0x25: {  	[simem:s6], [sflag:s4] =	dma.local [hbm:s3], $0xF7A  }
0x26: {  	[smem:$0x3F9D] =	sst s1;
	(tag) =	ssettag s2;
	_ =	strace s9  }
0x27: {  	s1 =	sld [smem:$0x3FAD]  }
0x28: {  	s2 =	sld [smem:$0x3FAE]  }
0x29: {  	s4 =	sld [smem:$0x3FB0]  }
0x2a: {  	p0 =	seq.s32 s5, $0x0;
	s5 =	sld [smem:$0x3FB1]  }
0x2b: {  	s6 =	sld [smem:$0x3FB2]  }
0x2c: {  	s7 =	sld [smem:$0x3FB3]  }
0x2d: {  	s3 =	simm.s32 $0x108;
	s8 =	sld [smem:$0x3FB4]  }
0x2e: {  	s3 =	simm.s32 @!p0 $0x1082;
	s9 =	sld [smem:$0x3FB5]  }
0x2f: {  	lr =	sadd.s32 s0, s3;
	s0 =	sld [smem:$0x3FAC]  }
0x30: {  	s3 =	sld [smem:$0x3FAF]  }
0x31: {  	[smem:$0x3FB8] =	sst s10  }
0x32: {  	s10 =	sld [smem:$0x3FB6];
	_ =	sdelay $0x3  }
0x33: {  	p0 =	seq.s32 s10, $0x1;
	s10 =	sld [smem:$0x3FB8];
	_ =	sdelay $0x3  }
0x34: {  	[smem:$0x3FB8] =	sst s10  }
0x35: {  	s10 =	sld [smem:$0x3FB7];
	_ =	sdelay $0x3  }
0x36: {  	p1 =	seq.s32 s10, $0x1;
	s10 =	sld [smem:$0x3FB8];
	_ =	sdelay $0x3  }
0x37: {  	[smem:$0x3FB8] =	sst s10  }
0x38: {  	s10 =	sld [smem:$0x3FB9]  }
0x39: {  	_ = 	snop;
	(pc) =	sbr.ind lr, $3  }
0x3a: {  	_ = 	snop  }
0x3b: {  	_ = 	snop  }
0x3c: {  	p2 =	seq.s32 s10, $0x1;
	s10 =	sld [smem:$0x3FB8]  }
0x3d: {  	_ =	shalt  }
0x3e: {  	_ =	shalt  }
0x3f: {  	_ =	shalt  }
0x40: {  	_ =	shalt  }
0x41: {  	_ =	shalt  }
0x42: {  	_ =	shalt  }
0x43: {  	_ =	shalt  }
0x44: {  	_ =	shalt  }
0x45: {  	_ =	shalt  }
0x46: {  	_ =	shalt  }
0x47: {  	_ =	shalt  }
0x48: {  	_ =	shalt  }
0x49: {  	_ =	shalt  }
0x4a: {  	_ =	shalt  }
0x4b: {  	_ =	shalt  }
0x4c: {  	_ =	shalt  }
0x4d: {  	_ =	shalt  }
0x4e: {  	_ =	shalt  }
0x4f: {  	_ =	shalt  }
0x50: {  	_ =	shalt  }
0x51: {  	_ =	shalt  }
0x52: {  	_ =	shalt  }
0x53: {  	_ =	shalt  }
0x54: {  	_ =	shalt  }
0x55: {  	_ =	shalt  }
0x56: {  	_ =	shalt  }
0x57: {  	_ =	shalt  }
0x58: {  	_ =	shalt  }
0x59: {  	_ =	shalt  }
0x5a: {  	_ =	shalt  }
0x5b: {  	_ =	shalt  }
0x5c: {  	_ =	shalt  }
0x5d: {  	_ =	shalt  }
0x5e: {  	_ =	shalt  }
0x5f: {  	_ =	shalt  }
0x60: {  	_ =	shalt  }
0x61: {  	_ =	shalt  }
0x62: {  	_ =	shalt  }
0x63: {  	_ =	shalt  }
0x64: {  	_ =	shalt  }
0x65: {  	_ =	shalt  }
0x66: {  	_ =	shalt  }
0x67: {  	_ =	shalt  }
0x68: {  	_ =	shalt  }
0x69: {  	_ =	shalt  }
0x6a: {  	_ =	shalt  }
0x6b: {  	_ =	shalt  }
0x6c: {  	_ =	shalt  }
0x6d: {  	_ =	shalt  }
0x6e: {  	_ =	shalt  }
0x6f: {  	_ =	shalt  }
0x70: {  	_ =	shalt  }
0x71: {  	_ =	shalt  }
0x72: {  	_ =	shalt  }
0x73: {  	_ =	shalt  }
0x74: {  	_ =	shalt  }
0x75: {  	_ =	shalt  }
0x76: {  	_ =	shalt  }
0x77: {  	_ =	shalt  }
0x78: {  	_ =	shalt  }
0x79: {  	_ =	shalt  }
0x7a: {  	_ =	shalt  }
0x7b: {  	_ =	shalt  }
0x7c: {  	_ =	shalt  }
0x7d: {  	_ =	shalt  }
0x7e: {  	_ =	shalt  }
0x7f: {  	_ =	shalt  }
0x80: {  	_ =	shalt  }
0x81: {  	_ =	shalt  }
0x82: {  	_ =	shalt  }
0x83: {  	_ =	shalt  }
0x84: {  	_ =	shalt  }
0x85: {  	_ =	shalt  }
0x86: {  	_ =	shalt  }
0x87: {  	_ =	shalt  }
.Lfunc_end0:
.L_simem_size_0:
called_computation_lowered:
.L_overlay_start_0:
0x88: {  	s2 =	sld [smem:$0x3FD9]  }
0x89: {  	s3 =	sld [smem:$0x3FFE];
	_ =	sdelay $0x1  }
0x8a: {  	s1 =	srdreg.scid  }
0x8b: {  	s0 =	sand.u32 $0x1, s1  }
0x8c: {  	s18 =	sshll.u32 s0, $0xA;
	s2 =	sadd.s32 s3, s2  }
0x8d: {  	s2 =	sadd.s32 s2, s18  }
0x8e: {  	[smem:$0x3FC4] =	sst s2  }
0x8f: {  	_ = 	snop  }
0x90: {  	s2 =	sld [smem:$0x3FC9]  }
0x91: {  	s19 =	sld [smem:$0x3FC8]  }
0x92: {  	s4 =	sld [smem:$0x3FC7]  }
0x93: {  	s5 =	sld [smem:$0x3FC6]  }
0x94: {  	s6 =	sld [smem:$0x3FD0];
	(tm) =	ssettm $0x1  }
0x95: {  	s7 =	sld [smem:$0x3FFB];
	_ =	sdelay $0x3  }
0x96: {  	_ =	strace s7  }
0x97: {  	s7 =	sld [smem:$0x3FFC];
	_ =	sdelay $0x3  }
0x98: {  	_ =	strace s7  }
0x99: {  	s7 =	sld [smem:$0x3FFD];
	_ =	sdelay $0x3  }
0x9a: {  	_ =	strace s7  }
0x9b: {  	_ =	strace $0x8FFFFFFF  }
0x9c: {  	s20 =	sld [smem:$0x3FDB];
	_ =	sdelay $0x1  }
0x9d: {  	s8 =	simm.s32 $_scs_section_size  }
0x9e: {  	s9 =	simm.s32 $_size__tile_overlayer_lowered;
	s10 =	simm.s32 $_tile_overlayer_lowered  }
0x9f: {  	s23 =	simm.s32 $0x1BFF;
	s22 =	sshll.u32 s10, $0x1;
	s7 =	sadd.s32 s8, s20  }
0xa0: {  	s11 =	simm.s32 $0x0;
	s21 =	sshll.u32 s9, $0x1;
	s9 =	sadd.s32 s22, s7  }
0xa1: {  	[timem:s11], [sflag:s23] =	dma.local [hbm:s9], s21  }
0xa2: {  	_ =	swait.ge [sflag:s23], s21  }
0xa3: {  	s8 =	ssub.s32 $0x0, s21;
	[sflag:s23] =	ssyncset.done $0x0  }
0xa4: {  	[sflag:s23] =	ssyncadd.s32 s8;
	_ =	sdelay $0x1  }
0xa5: {  	s24 =	simm.s32 $0x1B8B  }
0xa6: {  	_ =	swait.ge [sflag:s24], $0x1  }
0xa7: {  	[sflag:s24] =	ssyncset.done $0x0  }
0xa8: {  	s25 =	simm.s32 $0x1B8E;
	[sflag:s24] =	ssyncadd.s32 $0xFFFFFFFF  }
0xa9: {  	s26 =	simm.s32 $execute0_lowered;
	[smem:$0x3FD2] =	sst s25  }
0xaa: {  	s8 =	sshll.u32 s26, $0x1;
	_ =	strace $0x80000046;
	[dreg:$0x1] =	wrdreg $0xFFFFFFFF  }
0xab: {  	s28 =	simm.s32 $_size_execute0_lowered;
	s7 =	sadd.s32 s7, s8;
	[dreg:$0x0] =	wrdreg $0x0  }
0xac: {  	s8 =	sshll.u32 s28, $0x1;
	[dreg:$0x2] =	wrdreg s7  }
0xad: {  	[dreg:$0x3] =	wrdreg s8  }
0xae: {  	[dreg:$0x4] =	wrdreg $0xC0  }
0xaf: {  	_ =	task [dreg:s11], $0x5FFFF  }
0xb0: {  	[dreg:$0x1] =	wrdreg $0xFFFFFFFF  }
0xb1: {  	[dreg:$0x0] =	wrdreg $0x60  }
0xb2: {  	[dreg:$0x2] =	wrdreg s2  }
0xb3: {  	[dreg:$0x3] =	wrdreg s19  }
0xb4: {  	[dreg:$0x4] =	wrdreg s4  }
0xb5: {  	[dreg:$0x5] =	wrdreg s5  }
0xb6: {  	[dreg:$0x6] =	wrdreg s6  }
0xb7: {  	[dreg:$0x7] =	wrdreg $0x9  }
0xb8: {  	_ =	task.clear_ibuf [dreg:s11], $0x8FFFF;
	_ =	strace $0x90000046  }
0xb9: {  	s29 =	simm.s32 $0x9;
	_ =	strace $0x80000048  }
0xba: {  	_ =	swait.ge [sflag:s29], $0x1  }
0xbb: {  	[sflag:s29] =	ssyncadd.s32 $0xFFFFFFFF  }
0xbc: {  	_ =	strace $0x90000048  }
0xbd: {  	_ =	sfence  }
0xbe: {  	s30 =	sld [smem:$0x0];
	_ =	sdelay $0x2  }
0xbf: {  	s31 =	sshll.u32 s1, $0xD;
	s1 =	sshrl.u32 s1, $0x2  }
0xc0: {  	s3 =	sand.u32 $0x4000, s31;
	s1 =	sadd.s32 s1, s30  }
0xc1: {  	s0 =	sor.u32 s3, s0;
	s1 =	sshll.u32 s1, $0x11  }
0xc2: {  	s0 =	sor.u32 s1, s0  }
0xc3: {  	s0 =	sadd.s32 $0x8F2B, s0  }
0xc4: {  	[sflag:s0] =	ssyncadd.remote.s32 $0x1  }
0xc5: {  	_ =	sfence.sel $0xFFFF  }
0xc6: {  	[dreg:$0x0] =	wrdreg $0xFFFFFFFF;
	(pc) =	sbr.abs _section_cstart, $3  }
0xc7: {  	[dreg:$0x1] =	wrdreg $0xFFFFFFFF  }
0xc8: {  	_ =	task.clear_ibuf [dreg:s11], $0x2FFFF;
	_ =	strace $0x9FFFFFFF  }
0xc9: {  	(tm) =	ssettm $0x7FFFFFFF  }
tec
execute0_lowered:
.L_overlay_start_1:
0x0: {  	(tag) =	ssettag $0x1  }
0x1: {  	s0 =	rddreg [dreg:$0x0];
	s1 =	srdreg.scid  }
0x2: {  	s2 =	rddreg [dreg:$0x1];
	s5 =	stileid.u32;
	s1 =	sand.u32 $0x1, s1  }
0x3: {  	s3 =	rddreg [dreg:$0x4];
	s5 =	sshll.u32 s5, $0xA;
	s6 =	sshll.u32 s1, $0x9  }
0x4: {  	s4 =	ssub.s32 $0x2, s1;
	s1 =	simm.s32 $0x0;
	s5 =	sor.u32 s6, s5  }
0x5: {  	[smem:$0x7FF] =	sst s1;
	s6 =	sadd.s32 s0, s5  }
0x6: {  	s21 =	sadd.s32 s2, s5;
	[dreg:$0x6] =	wrdreg s6  }
0x7: {  	s22 =	sor.u32 $0x4000, s5;
	s20 =	sadd.s32 s3, s5;
	[dreg:$0x7] =	wrdreg s21  }
0x8: {  	s8 =	sadd.s32 s0, s22;
	[dreg:$0x19] =	wrdreg s20  }
0x9: {  	s23 =	sor.u32 $0xC000, s5;
	s6 =	sadd.s32 s2, s22;
	[dreg:$0x8] =	wrdreg s8  }
0xa: {  	s7 =	sshrl.u32 s4, $0x1;
	s24 =	sadd.s32 s0, s23;
	[dreg:$0x9] =	wrdreg s6  }
0xb: {  	s26 =	sor.u32 $0x18000, s5;
	s25 =	sadd.s32 s2, s23;
	[dreg:$0xa] =	wrdreg s24  }
0xc: {  	s4 =	ssub.s32 s4, s7;
	s9 =	sadd.s32 s0, s26;
	[dreg:$0xb] =	wrdreg s25  }
0xd: {  	s28 =	sor.u32 $0x24000, s5;
	s29 =	sadd.s32 s2, s26;
	[dreg:$0xc] =	wrdreg s9  }
0xe: {  	s11 =	sor.u32 $0x30000, s5;
	s30 =	sadd.s32 s0, s28;
	[dreg:$0xd] =	wrdreg s29  }
0xf: {  	s14 =	sor.u32 $0x3C000, s5;
	s10 =	sadd.s32 s2, s28;
	[dreg:$0xe] =	wrdreg s30  }
0x10: {  	s7 =	sadd.s32 s3, s23;
	s12 =	sadd.s32 s0, s11;
	[dreg:$0xf] =	wrdreg s10  }
0x11: {  	s13 =	sadd.s32 s2, s11;
	s15 =	sadd.s32 s0, s14;
	[dreg:$0x10] =	wrdreg s7  }
0x12: {  	s16 =	sadd.s32 s2, s14;
	s17 =	sadd.s32 s3, s28;
	[dreg:$0x11] =	wrdreg s12  }
0x13: {  	s18 =	sadd.s32 s3, s11;
	s19 =	sadd.s32 s3, s14;
	[dreg:$0x12] =	wrdreg s13  }
0x14: {  	s21 =	sor.u32 $0x48000, s5;
	s22 =	sor.u32 $0x54000, s5;
	[dreg:$0x14] =	wrdreg s15  }
0x15: {  	s5 =	sor.u32 $0x60000, s5;
	s31 =	smax.u32 s4, $0x1;
	[dreg:$0x15] =	wrdreg s16  }
0x16: {  	s4 =	simm.s32 $0x9480;
	s11 =	simm.s32 $0x6;
	[dreg:$0x16] =	wrdreg s17  }
0x17: {  	s14 =	simm.s32 $0x12480;
	s20 =	simm.s32 $0x0;
	[dreg:$0x17] =	wrdreg s18  }
0x18: {  	s6 =	sadd.s32 s3, s26;
	[dreg:$0x18] =	wrdreg s19;
	s23 =	sadd.s32 s0, s21  }
0x19: {  	s24 =	sadd.s32 s0, s22;
	s0 =	sadd.s32 s0, s5;
	s25 =	sadd.s32 s2, s21  }
0x1a: {  	s26 =	sadd.s32 s2, s22;
	s28 =	sadd.s32 s2, s5;
	[dreg:$0x13] =	wrdreg s6  }
0x1b: {  	s29 =	sadd.s32 s3, s21;
	s30 =	sadd.s32 s3, s22;
	[dreg:$0x1a] =	wrdreg s23  }
0x1c: {  	s2 =	simm.s32 $0x80;
	s7 =	simm.s32 $0x3480;
	[dreg:$0x1b] =	wrdreg s24  }
0x1d: {  	s8 =	simm.s32 $0xC480;
	s9 =	simm.s32 $0x6480;
	[dreg:$0x1c] =	wrdreg s0  }
0x1e: {  	s10 =	simm.s32 $0xF480;
	s12 =	simm.s32 $0x7;
	[dreg:$0x1d] =	wrdreg s25  }
0x1f: {  	s13 =	simm.s32 $0x1;
	s15 =	simm.s32 $0x2;
	[dreg:$0x1e] =	wrdreg s26  }
0x20: {  	s16 =	simm.s32 $0x15480;
	s17 =	simm.s32 $0x3;
	[dreg:$0x1f] =	wrdreg s28  }
0x21: {  	s18 =	simm.s32 $0x4;
	s19 =	simm.s32 $0x5;
	[smem:$0x7FC] =	sst s29  }
0x22: {  	[smem:$0x7FD] =	sst s30;
	s25 =	sadd.s32 s3, s5;
	s3 =	simm.s32 $0x480  }
0x23: {  	s5 =	simm.s32 $0x1000;
	s6 =	simm.s32 $0x20000;
	_ =	strace $0x80000047  }
.LBB2_1:
0x24: {  	s0 =	rddreg [dreg:$0x2]  }
0x25: {  	[tilespmem:s1], [sflag:$0x6] =	stream.linear.gather [hbm4b:s0+s1], $0x80, $0x38;
	[tilespmem:$0x18480] =	vst v63  }
0x26: {  	s30 =	rddreg [dreg:$0x3]  }
0x27: {  	[tilespmem:s2], [sflag:$0x6] =	stream.linear.gather [hbm4b:s30+s1], $0x400, $0x38;
	[tilespmem:$0x18480] =	vst v63  }
0x28: {  	s21 =	rddreg [dreg:$0x6]  }
0x29: {  	[tilespmem:s3], [sflag:$0x7] =	stream.linear.gather [hbm4b:s21+s1], $0x1000, $0x38;
	[tilespmem:$0x18480] =	vst v63  }
0x2a: {  	s22 =	rddreg [dreg:$0x7]  }
0x2b: {  	[tilespmem:s4], [sflag:$0x7] =	stream.linear.gather [hbm4b:s22+s1], $0x1000, $0x38;
	[tilespmem:$0x18480] =	vst v63  }
0x2c: {  	s23 =	rddreg [dreg:$0x8];
	s21 =	simm.s32 $0x1480  }
0x2d: {  	[tilespmem:s21], [sflag:$0x1] =	stream.strided.gather [hbm4b:s23+s5], $0x2000, s6, s5, $0x38;
	[tilespmem:$0x18480] =	vst v63  }
0x2e: {  	s24 =	rddreg [dreg:$0x9];
	s26 =	simm.s32 $0xA480  }
0x2f: {  	[tilespmem:s26], [sflag:$0x1] =	stream.strided.gather [hbm4b:s24+s5], $0x2000, s6, s5, $0x38;
	[tilespmem:$0x18480] =	vst v63  }
0x30: {  	s30 =	rddreg [dreg:$0xa]  }
0x31: {  	[tilespmem:s7], [sflag:$0x2] =	stream.strided.gather [hbm4b:s30+s5], $0x3000, s6, s5, $0x38;
	[tilespmem:$0x18480] =	vst v63  }
0x32: {  	s21 =	rddreg [dreg:$0xb]  }
0x33: {  	[tilespmem:s8], [sflag:$0x2] =	stream.strided.gather [hbm4b:s21+s5], $0x3000, s6, s5, $0x38;
	[tilespmem:$0x18480] =	vst v63  }
0x34: {  	s22 =	rddreg [dreg:$0xc]  }
0x35: {  	[tilespmem:s9], [sflag:$0x3] =	stream.strided.gather [hbm4b:s22+s5], $0x3000, s6, s5, $0x38;
	[tilespmem:$0x18480] =	vst v63  }
0x36: {  	s23 =	rddreg [dreg:$0xd]  }
0x37: {  	[tilespmem:s10], [sflag:$0x3] =	stream.strided.gather [hbm4b:s23+s5], $0x3000, s6, s5, $0x38;
	[tilespmem:$0x18480] =	vst v63  }
0x38: {  	_ =	swait.ge [sflag:s11], $0x80  }
0x39: {  	[sflag:s11] =	ssyncset.done $0x0  }
0x3a: {  	[sflag:s11] =	ssyncadd.s32 $0xFFFFFF80  }
0x3b: {  	_ =	swait.ge [sflag:s11], $0x400  }
0x3c: {  	[sflag:s11] =	ssyncset.done $0x0  }
0x3d: {  	[sflag:s11] =	ssyncadd.s32 $0xFFFFFC00  }
0x3e: {  	_ =	swait.ge [sflag:s12], $0x1000  }
0x3f: {  	[sflag:s12] =	ssyncset.done $0x0  }
0x40: {  	[sflag:s12] =	ssyncadd.s32 $0xFFFFF000  }
0x41: {  	s24 =	sand.u32 $0xC00, s1;
	s22 =	sand.u32 $0x380, s1;
	_ =	swait.ge [sflag:s12], $0x1000  }
0x42: {  	s21 =	sor.u32 s22, s24;
	s23 =	sand.u32 $0x40, s1;
	[sflag:s12] =	ssyncset.done $0x0  }
0x43: {  	s21 =	sor.u32 s23, s21;
	[sflag:s12] =	ssyncadd.s32 $0xFFFFF000  }
0x44: {  	v0 =	vld [tilespmem:s21+$0x4B0]  }
0x45: {  	v2 =	vld [tilespmem:s21+$0x480]  }
0x46: {  	v1 =	vld [tilespmem:s21+$0x94B0]  }
0x47: {  	v3 =	vld [tilespmem:s21+$0x9480];
	_ =	sdelay $0x1  }
0x48: {  	vm0 =	vgt.s32 v0, $0x0  }
0x49: {  	s26 =	simm.s32 $0x10;
	s30 =	simm.s32 $0x200;
	v4 =	vld [tilespmem:s21+$0x490];
	vm1 =	vgt.s32 v2, $0x0;
	v0 =	vnsel vm0, $0x0, v0  }
0x4a: {  	s24 =	sand.u32 $0xC00, s30;
	s22 =	sand.u32 $0x380, s26;
	s23 =	simm.s32 $0x40;
	v5 =	vld [tilespmem:s21+$0x9490];
	vm0 =	vgt.s32 v1, $0x0;
	v2 =	vnsel vm1, $0x0, v2;
	v0 =	vmin.u32 v0, $0x3F  }
0x4b: {  	s22 =	sor.u32 s22, s24;
	s28 =	sand.u32 $0x40, s23;
	v6 =	vld [tilespmem:s21+$0x4A0];
	v1 =	vnsel vm0, $0x0, v1;
	vm0 =	vgt.s32 v3, $0x0;
	v2 =	vmin.u32 v2, $0x3F  }
0x4c: {  	s22 =	sor.u32 s28, s22;
	v7 =	vld [tilespmem:s21+$0x94A0];
	v1 =	vmin.u32 v1, $0x3FF;
	v3 =	vnsel vm0, $0x0, v3  }
0x4d: {  	v8 =	vld [tilespmem:s22+$0x4B0];
	v3 =	vmin.u32 v3, $0x3FF  }
0x4e: {  	v9 =	vld [tilespmem:s22+$0x94B0]  }
0x4f: {  	v0 =	vld.idx.msk [tilespmem:v0+s1+$0x0], $0xffff  }
0x50: {  	v2 =	vld.idx.msk [tilespmem:v2+s1+$0x0], $0xffff  }
0x51: {  	v1 =	vld.idx.msk [tilespmem:v1+s2+$0x0], $0xffff  }
0x52: {  	vm1 =	vgt.s32 v6, $0x0;
	vm0 =	vgt.s32 v4, $0x0;
	v3 =	vld.idx.msk [tilespmem:v3+s2+$0x0], $0xffff  }
0x53: {  	v10 =	vld [tilespmem:s22+$0x480];
	v6 =	vnsel vm1, $0x0, v6;
	v4 =	vnsel vm0, $0x0, v4;
	vm0 =	vgt.s32 v5, $0x0  }
0x54: {  	v11 =	vld [tilespmem:s22+$0x9480];
	v4 =	vmin.u32 v4, $0x3F;
	v5 =	vnsel vm0, $0x0, v5;
	vm0 =	vgt.s32 v7, $0x0  }
0x55: {  	v13 =	vld [tilespmem:s22+$0x490];
	v12 =	vmin.u32 v6, $0x3F;
	v5 =	vmin.u32 v5, $0x3FF;
	v6 =	vnsel vm0, $0x0, v7  }
0x56: {  	vm0 =	vgt.s32 v8, $0x0;
	v14 =	vmin.u32 v6, $0x3FF;
	v0 =	vmul.f32 v1, v0;
	v1 =	vld [tilespmem:s22+$0x9490]  }
0x57: {  	v16 =	vld [tilespmem:s22+$0x4A0];
	v15 =	vmul.f32 v3, v2;
	v2 =	vnsel vm0, $0x0, v8;
	vm0 =	vgt.s32 v9, $0x0  }
0x58: {  	vm1 =	vgt.s32 v10, $0x0;
	v3 =	vld [tilespmem:s22+$0x94A0];
	v6 =	vnsel vm0, $0x0, v9;
	v17 =	vmin.u32 v2, $0x3F  }
0x59: {  	v8 =	vnsel vm1, $0x0, v10;
	vm0 =	vgt.s32 v11, $0x0;
	v2 =	vld.idx.msk [tilespmem:v4+s1+$0x0], $0xffff;
	v7 =	vmin.u32 v6, $0x3FF  }
0x5a: {  	v4 =	vld.idx.msk [tilespmem:v5+s2+$0x0], $0xffff;
	v6 =	vmin.u32 v8, $0x3F;
	v8 =	vnsel vm0, $0x0, v11;
	vm0 =	vgt.s32 v13, $0x0  }
0x5b: {  	v5 =	vld.idx.msk [tilespmem:v12+s1+$0x0], $0xffff;
	v8 =	vmin.u32 v8, $0x3FF;
	v9 =	vnsel vm0, $0x0, v13;
	vm0 =	vgt.s32 v1, $0x0  }
0x5c: {  	[tilespmem:s21+$0x124B0] =	vst v0;
	v0 =	vmin.u32 v9, $0x3F;
	v9 =	vld.idx.msk [tilespmem:v14+s2+$0x0], $0xffff;
	v1 =	vnsel vm0, $0x0, v1;
	vm0 =	vgt.s32 v16, $0x0  }
0x5d: {  	s29 =	simm.s32 $0x400;
	s24 =	simm.s32 $0x4;
	s28 =	simm.s32 $0x20;
	[tilespmem:s21+$0x12480] =	vst v15;
	v1 =	vmin.u32 v1, $0x3FF;
	v11 =	vnsel vm0, $0x0, v16;
	vm0 =	vgt.s32 v3, $0x0;
	v10 =	vld.idx.msk [tilespmem:v17+s1+$0x0], $0xffff  }
.LBB2_2:
0x5e: {  	s30 =	sand.u32 $0xC00, s29;
	s26 =	sand.u32 $0x380, s28;
	v11 =	vmin.u32 v11, $0x3F;
	v3 =	vnsel vm0, $0x0, v3;
	v7 =	vld.idx.msk [tilespmem:v7+s2+$0x0], $0xffff;
	s23 =	sadd.s32 $0x40, s23  }
0x5f: {  	s24 =	sadd.s32 $0x4, s24;
	s0 =	sand.u32 $0x40, s23;
	s26 =	sor.u32 s26, s30;
	v6 =	vld.idx.msk [tilespmem:v6+s1+$0x0], $0xffff;
	v12 =	vmin.u32 v3, $0x3FF  }
0x60: {  	p0 =	slt.u32 s24, $0xFC;
	v2 =	vmul.f32 v4, v2;
	s0 =	sor.u32 s0, s26;
	v3 =	vld.idx.msk [tilespmem:v8+s2+$0x0], $0xffff  }
0x61: {  	v4 =	vld [tilespmem:s0+$0x4B0]  }
0x62: {  	v8 =	vld [tilespmem:s0+$0x94B0];
	[tilespmem:s21+$0x12490] =	vst v2;
	v2 =	vmul.f32 v9, v5  }
0x63: {  	v5 =	vld [tilespmem:s0+$0x480]  }
0x64: {  	v7 =	vmul.f32 v7, v10;
	v9 =	vld [tilespmem:s0+$0x9480];
	[tilespmem:s21+$0x124A0] =	vst v2;
	s21 =	smov.u32 s22;
	s22 =	smov.u32 s0  }
0x65: {  	v10 =	vld [tilespmem:s22+$0x490]  }
0x66: {  	v2 =	vmul.f32 v3, v6;
	v13 =	vld [tilespmem:s22+$0x9490];
	vm0 =	vgt.s32 v4, $0x0;
	[tilespmem:s21+$0x124B0] =	vst v7  }
0x67: {  	v14 =	vld [tilespmem:s22+$0x4A0];
	v4 =	vnsel vm0, $0x0, v4;
	vm0 =	vgt.s32 v8, $0x0  }
0x68: {  	vm1 =	vgt.s32 v5, $0x0;
	v3 =	vld [tilespmem:s22+$0x94A0];
	v15 =	vmin.u32 v4, $0x3F;
	v4 =	vnsel vm0, $0x0, v8;
	[tilespmem:s21+$0x12480] =	vst v2  }
.Ltmp0:
0x69: {  	v5 =	vnsel vm1, $0x0, v5;
	vm0 =	vgt.s32 v9, $0x0;
	v7 =	vmin.u32 v4, $0x3FF;
	v2 =	vld.idx.msk [tilespmem:v0+s1+$0x0], $0xffff;
	(pc) =	sbr.rel @p0 .LBB2_2-.Ltmp0, $4  }
0x6a: {  	v6 =	vmin.u32 v5, $0x3F;
	v0 =	vnsel vm0, $0x0, v9;
	vm0 =	vgt.s32 v10, $0x0;
	v4 =	vld.idx.msk [tilespmem:v1+s2+$0x0], $0xffff  }
0x6b: {  	v8 =	vmin.u32 v0, $0x3FF;
	v0 =	vnsel vm0, $0x0, v10;
	vm0 =	vgt.s32 v13, $0x0;
	v5 =	vld.idx.msk [tilespmem:v11+s1+$0x0], $0xffff  }
0x6c: {  	v0 =	vmin.u32 v0, $0x3F;
	v1 =	vnsel vm0, $0x0, v13;
	vm0 =	vgt.s32 v14, $0x0;
	v9 =	vld.idx.msk [tilespmem:v12+s2+$0x0], $0xffff  }
0x6d: {  	s28 =	sadd.s32 $0x10, s28;
	s29 =	sadd.s32 $0x200, s29;
	v1 =	vmin.u32 v1, $0x3FF;
	v11 =	vnsel vm0, $0x0, v14;
	vm0 =	vgt.s32 v3, $0x0;
	v10 =	vld.idx.msk [tilespmem:v15+s1+$0x0], $0xffff  }
0x6e: {  	_ =	sdelay $0x3  }
0x6f: {  	v11 =	vmin.u32 v11, $0x3F;
	v3 =	vnsel vm0, $0x0, v3;
	v7 =	vld.idx.msk [tilespmem:v7+s2+$0x0], $0xffff  }
0x70: {  	v6 =	vld.idx.msk [tilespmem:v6+s1+$0x0], $0xffff;
	v3 =	vmin.u32 v3, $0x3FF  }
0x71: {  	v8 =	vld.idx.msk [tilespmem:v8+s2+$0x0], $0xffff  }
0x72: {  	v0 =	vld.idx.msk [tilespmem:v0+s1+$0x0], $0xffff  }
0x73: {  	v1 =	vld.idx.msk [tilespmem:v1+s2+$0x0], $0xffff  }
0x74: {  	v11 =	vld.idx.msk [tilespmem:v11+s1+$0x0], $0xffff  }
0x75: {  	v2 =	vmul.f32 v4, v2;
	v3 =	vld.idx.msk [tilespmem:v3+s2+$0x0], $0xffff  }
0x76: {  	v4 =	vmul.f32 v9, v5  }
0x77: {  	[tilespmem:s21+$0x12490] =	vst v2;
	v2 =	vmul.f32 v7, v10  }
0x78: {  	[tilespmem:s21+$0x124A0] =	vst v4;
	v4 =	vmul.f32 v8, v6  }
0x79: {  	v0 =	vmul.f32 v1, v0;
	[tilespmem:s22+$0x124B0] =	vst v2  }
0x7a: {  	[tilespmem:s22+$0x12480] =	vst v4;
	v1 =	vmul.f32 v3, v11  }
0x7b: {  	[tilespmem:s22+$0x12490] =	vst v0  }
0x7c: {  	[tilespmem:s22+$0x124A0] =	vst v1  }
0x7d: {  	s0 =	simm.s32 $0x8000;
	_ =	swait.ge [sflag:s13], $0x2000  }
0x7e: {  	s26 =	simm.s32 $0x1000;
	s30 =	simm.s32 $0x400;
	[sflag:s13] =	ssyncset.done $0x0  }
0x7f: {  	s23 =	sand.u32 $0x3000, s26;
	s0 =	sand.u32 $0xC00, s0;
	[sflag:s13] =	ssyncadd.s32 $0xFFFFE000  }
0x80: {  	s0 =	sor.u32 s0, s23;
	s22 =	sand.u32 $0x380, s30;
	_ =	swait.ge [sflag:s13], $0x2000  }
0x81: {  	s21 =	sand.u32 $0x40, s26;
	s0 =	sor.u32 s22, s0;
	[sflag:s13] =	ssyncset.done $0x0  }
0x82: {  	s21 =	sor.u32 s21, s0;
	[sflag:s13] =	ssyncadd.s32 $0xFFFFE000  }
0x83: {  	v0 =	vld [tilespmem:s21+$0x4B0]  }
0x84: {  	v2 =	vld [tilespmem:s21+$0x480]  }
0x85: {  	v1 =	vld [tilespmem:s21+$0x94B0]  }
0x86: {  	v3 =	vld [tilespmem:s21+$0x9480];
	_ =	sdelay $0x1  }
0x87: {  	s23 =	simm.s32 $0x8200;
	s26 =	simm.s32 $0x1040;
	vm0 =	vgt.s32 v0, $0x0  }
0x88: {  	s24 =	sand.u32 $0x3000, s26;
	s0 =	sand.u32 $0xC00, s23;
	s23 =	simm.s32 $0x410;
	v4 =	vld [tilespmem:s21+$0x490];
	vm1 =	vgt.s32 v2, $0x0;
	v0 =	vnsel vm0, $0x0, v0  }
0x89: {  	s0 =	sor.u32 s0, s24;
	s30 =	sand.u32 $0x380, s23;
	v5 =	vld [tilespmem:s21+$0x9490];
	vm0 =	vgt.s32 v1, $0x0;
	v2 =	vnsel vm1, $0x0, v2;
	v0 =	vmin.u32 v0, $0x3F  }
0x8a: {  	s22 =	sand.u32 $0x40, s26;
	s0 =	sor.u32 s30, s0;
	v6 =	vld [tilespmem:s21+$0x4A0];
	v1 =	vnsel vm0, $0x0, v1;
	vm0 =	vgt.s32 v3, $0x0;
	v2 =	vmin.u32 v2, $0x3F  }
0x8b: {  	s22 =	sor.u32 s22, s0;
	v7 =	vld [tilespmem:s21+$0x94A0];
	v1 =	vmin.u32 v1, $0x3FF;
	v3 =	vnsel vm0, $0x0, v3  }
0x8c: {  	v8 =	vld [tilespmem:s22+$0x4B0];
	v3 =	vmin.u32 v3, $0x3FF  }
0x8d: {  	v9 =	vld [tilespmem:s22+$0x94B0]  }
0x8e: {  	v0 =	vld.idx.msk [tilespmem:v0+s1+$0x0], $0xffff  }
0x8f: {  	v2 =	vld.idx.msk [tilespmem:v2+s1+$0x0], $0xffff  }
0x90: {  	v1 =	vld.idx.msk [tilespmem:v1+s2+$0x0], $0xffff  }
0x91: {  	vm1 =	vgt.s32 v6, $0x0;
	vm0 =	vgt.s32 v4, $0x0;
	v3 =	vld.idx.msk [tilespmem:v3+s2+$0x0], $0xffff  }
0x92: {  	v10 =	vld [tilespmem:s22+$0x480];
	v6 =	vnsel vm1, $0x0, v6;
	v4 =	vnsel vm0, $0x0, v4;
	vm0 =	vgt.s32 v5, $0x0  }
0x93: {  	v11 =	vld [tilespmem:s22+$0x9480];
	v4 =	vmin.u32 v4, $0x3F;
	v5 =	vnsel vm0, $0x0, v5;
	vm0 =	vgt.s32 v7, $0x0  }
0x94: {  	v13 =	vld [tilespmem:s22+$0x490];
	v12 =	vmin.u32 v6, $0x3F;
	v5 =	vmin.u32 v5, $0x3FF;
	v6 =	vnsel vm0, $0x0, v7  }
0x95: {  	v15 =	vld [tilespmem:s22+$0x9490];
	vm0 =	vgt.s32 v8, $0x0;
	v14 =	vmin.u32 v6, $0x3FF;
	v0 =	vmul.f32 v1, v0  }
0x96: {  	v1 =	vnsel vm0, $0x0, v8;
	vm0 =	vgt.s32 v9, $0x0;
	v16 =	vmul.f32 v3, v2;
	v3 =	vld [tilespmem:s22+$0x4A0]  }
0x97: {  	vm1 =	vgt.s32 v10, $0x0;
	v6 =	vnsel vm0, $0x0, v9;
	v2 =	vld [tilespmem:s22+$0x94A0];
	v8 =	vmin.u32 v1, $0x3F  }
0x98: {  	v9 =	vnsel vm1, $0x0, v10;
	vm0 =	vgt.s32 v11, $0x0;
	v1 =	vld.idx.msk [tilespmem:v4+s1+$0x0], $0xffff;
	v7 =	vmin.u32 v6, $0x3FF  }
0x99: {  	v4 =	vld.idx.msk [tilespmem:v5+s2+$0x0], $0xffff;
	v6 =	vmin.u32 v9, $0x3F;
	v9 =	vnsel vm0, $0x0, v11;
	vm0 =	vgt.s32 v13, $0x0  }
0x9a: {  	v5 =	vld.idx.msk [tilespmem:v12+s1+$0x0], $0xffff;
	[tilespmem:s21+$0x124B0] =	vst v0;
	v9 =	vmin.u32 v9, $0x3FF;
	v0 =	vnsel vm0, $0x0, v13;
	vm0 =	vgt.s32 v15, $0x0  }
0x9b: {  	s28 =	simm.s32 $0x8400;
	s29 =	simm.s32 $0x1080;
	s24 =	simm.s32 $0x104;
	v10 =	vld.idx.msk [tilespmem:v14+s2+$0x0], $0xffff;
	[tilespmem:s21+$0x12480] =	vst v16;
	v0 =	vmin.u32 v0, $0x3F;
	v11 =	vnsel vm0, $0x0, v15;
	vm0 =	vgt.s32 v3, $0x0  }
.LBB2_4:
0x9c: {  	s0 =	sand.u32 $0x3000, s29;
	s26 =	sand.u32 $0xC00, s28;
	v11 =	vmin.u32 v11, $0x3FF;
	v3 =	vnsel vm0, $0x0, v3;
	vm0 =	vgt.s32 v2, $0x0;
	v8 =	vld.idx.msk [tilespmem:v8+s1+$0x0], $0xffff;
	s23 =	sadd.s32 $0x10, s23  }
0x9d: {  	s24 =	sadd.s32 $0x4, s24;
	s0 =	sor.u32 s26, s0;
	s26 =	sand.u32 $0x380, s23;
	v12 =	vmin.u32 v3, $0x3F;
	v2 =	vnsel vm0, $0x0, v2;
	v3 =	vld.idx.msk [tilespmem:v7+s2+$0x0], $0xffff  }
0x9e: {  	s30 =	sand.u32 $0x40, s29;
	p0 =	slt.u32 s24, $0x2FC;
	s0 =	sor.u32 s26, s0;
	v6 =	vld.idx.msk [tilespmem:v6+s1+$0x0], $0xffff;
	v13 =	vmin.u32 v2, $0x3FF  }
0x9f: {  	v1 =	vmul.f32 v4, v1;
	s0 =	sor.u32 s30, s0;
	v2 =	vld.idx.msk [tilespmem:v9+s2+$0x0], $0xffff  }
0xa0: {  	v4 =	vld [tilespmem:s0+$0x4B0]  }
0xa1: {  	v7 =	vld [tilespmem:s0+$0x94B0];
	[tilespmem:s21+$0x12490] =	vst v1;
	v1 =	vmul.f32 v10, v5  }
0xa2: {  	v5 =	vld [tilespmem:s0+$0x480]  }
0xa3: {  	v3 =	vmul.f32 v3, v8;
	v9 =	vld [tilespmem:s0+$0x9480];
	[tilespmem:s21+$0x124A0] =	vst v1;
	s21 =	smov.u32 s22;
	s22 =	smov.u32 s0  }
0xa4: {  	v10 =	vld [tilespmem:s22+$0x490]  }
0xa5: {  	v1 =	vmul.f32 v2, v6;
	v14 =	vld [tilespmem:s22+$0x9490];
	vm0 =	vgt.s32 v4, $0x0;
	[tilespmem:s21+$0x124B0] =	vst v3  }
0xa6: {  	v3 =	vld [tilespmem:s22+$0x4A0];
	v4 =	vnsel vm0, $0x0, v4;
	vm0 =	vgt.s32 v7, $0x0  }
.Ltmp1:
0xa7: {  	vm1 =	vgt.s32 v5, $0x0;
	v2 =	vld [tilespmem:s22+$0x94A0];
	v8 =	vmin.u32 v4, $0x3F;
	v4 =	vnsel vm0, $0x0, v7;
	[tilespmem:s21+$0x12480] =	vst v1;
	(pc) =	sbr.rel @p0 .LBB2_4-.Ltmp1, $4  }
0xa8: {  	v5 =	vnsel vm1, $0x0, v5;
	vm0 =	vgt.s32 v9, $0x0;
	v7 =	vmin.u32 v4, $0x3FF;
	v1 =	vld.idx.msk [tilespmem:v0+s1+$0x0], $0xffff  }
0xa9: {  	v6 =	vmin.u32 v5, $0x3F;
	v0 =	vnsel vm0, $0x0, v9;
	vm0 =	vgt.s32 v10, $0x0;
	v4 =	vld.idx.msk [tilespmem:v11+s2+$0x0], $0xffff  }
0xaa: {  	v9 =	vmin.u32 v0, $0x3FF;
	v0 =	vnsel vm0, $0x0, v10;
	vm0 =	vgt.s32 v14, $0x0;
	v5 =	vld.idx.msk [tilespmem:v12+s1+$0x0], $0xffff  }
0xab: {  	s28 =	sadd.s32 $0x200, s28;
	s29 =	sadd.s32 $0x40, s29;
	v0 =	vmin.u32 v0, $0x3F;
	v11 =	vnsel vm0, $0x0, v14;
	vm0 =	vgt.s32 v3, $0x0;
	v10 =	vld.idx.msk [tilespmem:v13+s2+$0x0], $0xffff  }
0xac: {  	_ =	sdelay $0x3  }
0xad: {  	v11 =	vmin.u32 v11, $0x3FF;
	v3 =	vnsel vm0, $0x0, v3;
	vm0 =	vgt.s32 v2, $0x0;
	v8 =	vld.idx.msk [tilespmem:v8+s1+$0x0], $0xffff  }
0xae: {  	v7 =	vld.idx.msk [tilespmem:v7+s2+$0x0], $0xffff;
	v3 =	vmin.u32 v3, $0x3F;
	v2 =	vnsel vm0, $0x0, v2  }
0xaf: {  	v6 =	vld.idx.msk [tilespmem:v6+s1+$0x0], $0xffff;
	v2 =	vmin.u32 v2, $0x3FF  }
0xb0: {  	v9 =	vld.idx.msk [tilespmem:v9+s2+$0x0], $0xffff  }
0xb1: {  	v0 =	vld.idx.msk [tilespmem:v0+s1+$0x0], $0xffff  }
0xb2: {  	v11 =	vld.idx.msk [tilespmem:v11+s2+$0x0], $0xffff  }
0xb3: {  	v3 =	vld.idx.msk [tilespmem:v3+s1+$0x0], $0xffff  }
0xb4: {  	v1 =	vmul.f32 v4, v1;
	v2 =	vld.idx.msk [tilespmem:v2+s2+$0x0], $0xffff  }
0xb5: {  	v4 =	vmul.f32 v10, v5  }
0xb6: {  	[tilespmem:s21+$0x12490] =	vst v1;
	v1 =	vmul.f32 v7, v8  }
0xb7: {  	[tilespmem:s21+$0x124A0] =	vst v4;
	v4 =	vmul.f32 v9, v6  }
0xb8: {  	[tilespmem:s22+$0x124B0] =	vst v1;
	v0 =	vmul.f32 v11, v0  }
0xb9: {  	[tilespmem:s22+$0x12480] =	vst v4;
	v1 =	vmul.f32 v2, v3  }
0xba: {  	[tilespmem:s22+$0x12490] =	vst v0  }
0xbb: {  	[tilespmem:s22+$0x124A0] =	vst v1  }
0xbc: {  	s0 =	rddreg [dreg:$0x19]  }
0xbd: {  	[hbm4b:s0+s5] =	stream.strided.scatter [tilespmem:s14], [sflag:$0x4], $0x3000, s6, s5, $0x38;
	[tilespmem:$0x18480] =	vst v63  }
0xbe: {  	s21 =	rddreg [dreg:$0xe]  }
0xbf: {  	[tilespmem:s3], [sflag:$0x1] =	stream.strided.gather [hbm4b:s21+s5], $0x3000, s6, s5, $0x38;
	[tilespmem:$0x18480] =	vst v63  }
0xc0: {  	s22 =	rddreg [dreg:$0xf]  }
0xc1: {  	[tilespmem:s4], [sflag:$0x1] =	stream.strided.gather [hbm4b:s22+s5], $0x3000, s6, s5, $0x38;
	[tilespmem:$0x18480] =	vst v63  }
0xc2: {  	_ =	swait.ge [sflag:s15], $0x3000  }
0xc3: {  	s23 =	simm.s32 $0x0;
	[sflag:s15] =	ssyncset.done $0x0  }
0xc4: {  	s24 =	sand.u32 $0x3000, s23;
	s26 =	sand.u32 $0xC00, s23;
	[sflag:s15] =	ssyncadd.s32 $0xFFFFD000  }
0xc5: {  	s30 =	sand.u32 $0x380, s23;
	s21 =	sor.u32 s26, s24;
	_ =	swait.ge [sflag:s15], $0x3000  }
0xc6: {  	s0 =	sand.u32 $0x40, s23;
	s21 =	sor.u32 s30, s21;
	[sflag:s15] =	ssyncset.done $0x0  }
0xc7: {  	s21 =	sor.u32 s0, s21;
	[sflag:s15] =	ssyncadd.s32 $0xFFFFD000  }
0xc8: {  	v0 =	vld [tilespmem:s21+$0x34B0]  }
0xc9: {  	v2 =	vld [tilespmem:s21+$0x3480]  }
0xca: {  	v1 =	vld [tilespmem:s21+$0xC4B0]  }
0xcb: {  	v3 =	vld [tilespmem:s21+$0xC480];
	_ =	sdelay $0x1  }
0xcc: {  	s23 =	simm.s32 $0x200;
	s26 =	simm.s32 $0x40;
	vm0 =	vgt.s32 v0, $0x0  }
0xcd: {  	s24 =	sand.u32 $0x3000, s26;
	s0 =	sand.u32 $0xC00, s23;
	s23 =	simm.s32 $0x10;
	v4 =	vld [tilespmem:s21+$0x3490];
	vm1 =	vgt.s32 v2, $0x0;
	v0 =	vnsel vm0, $0x0, v0  }
0xce: {  	s0 =	sor.u32 s0, s24;
	s30 =	sand.u32 $0x380, s23;
	v5 =	vld [tilespmem:s21+$0xC490];
	vm0 =	vgt.s32 v1, $0x0;
	v2 =	vnsel vm1, $0x0, v2;
	v0 =	vmin.u32 v0, $0x3F  }
0xcf: {  	s22 =	sand.u32 $0x40, s26;
	s0 =	sor.u32 s30, s0;
	v6 =	vld [tilespmem:s21+$0x34A0];
	v1 =	vnsel vm0, $0x0, v1;
	vm0 =	vgt.s32 v3, $0x0;
	v2 =	vmin.u32 v2, $0x3F  }
0xd0: {  	s22 =	sor.u32 s22, s0;
	v7 =	vld [tilespmem:s21+$0xC4A0];
	v1 =	vmin.u32 v1, $0x3FF;
	v3 =	vnsel vm0, $0x0, v3  }
0xd1: {  	v8 =	vld [tilespmem:s22+$0x34B0];
	v3 =	vmin.u32 v3, $0x3FF  }
0xd2: {  	v9 =	vld [tilespmem:s22+$0xC4B0]  }
0xd3: {  	v0 =	vld.idx.msk [tilespmem:v0+s1+$0x0], $0xffff  }
0xd4: {  	v2 =	vld.idx.msk [tilespmem:v2+s1+$0x0], $0xffff  }
0xd5: {  	v1 =	vld.idx.msk [tilespmem:v1+s2+$0x0], $0xffff  }
0xd6: {  	vm1 =	vgt.s32 v6, $0x0;
	vm0 =	vgt.s32 v4, $0x0;
	v3 =	vld.idx.msk [tilespmem:v3+s2+$0x0], $0xffff  }
0xd7: {  	v10 =	vld [tilespmem:s22+$0x3480];
	v6 =	vnsel vm1, $0x0, v6;
	v4 =	vnsel vm0, $0x0, v4;
	vm0 =	vgt.s32 v5, $0x0  }
0xd8: {  	v11 =	vld [tilespmem:s22+$0xC480];
	v4 =	vmin.u32 v4, $0x3F;
	v5 =	vnsel vm0, $0x0, v5;
	vm0 =	vgt.s32 v7, $0x0  }
0xd9: {  	v13 =	vld [tilespmem:s22+$0x3490];
	v12 =	vmin.u32 v6, $0x3F;
	v5 =	vmin.u32 v5, $0x3FF;
	v6 =	vnsel vm0, $0x0, v7  }
0xda: {  	v15 =	vld [tilespmem:s22+$0xC490];
	vm0 =	vgt.s32 v8, $0x0;
	v14 =	vmin.u32 v6, $0x3FF;
	v0 =	vmul.f32 v1, v0  }
0xdb: {  	v1 =	vnsel vm0, $0x0, v8;
	vm0 =	vgt.s32 v9, $0x0;
	v16 =	vmul.f32 v3, v2;
	v3 =	vld [tilespmem:s22+$0x34A0]  }
0xdc: {  	vm1 =	vgt.s32 v10, $0x0;
	v6 =	vnsel vm0, $0x0, v9;
	v2 =	vld [tilespmem:s22+$0xC4A0];
	v8 =	vmin.u32 v1, $0x3F  }
0xdd: {  	v9 =	vnsel vm1, $0x0, v10;
	vm0 =	vgt.s32 v11, $0x0;
	v1 =	vld.idx.msk [tilespmem:v4+s1+$0x0], $0xffff;
	v7 =	vmin.u32 v6, $0x3FF  }
0xde: {  	v4 =	vld.idx.msk [tilespmem:v5+s2+$0x0], $0xffff;
	v6 =	vmin.u32 v9, $0x3F;
	v9 =	vnsel vm0, $0x0, v11;
	vm0 =	vgt.s32 v13, $0x0  }
0xdf: {  	v5 =	vld.idx.msk [tilespmem:v12+s1+$0x0], $0xffff;
	[tilespmem:s21+$0x154B0] =	vst v0;
	v9 =	vmin.u32 v9, $0x3FF;
	v0 =	vnsel vm0, $0x0, v13;
	vm0 =	vgt.s32 v15, $0x0  }
0xe0: {  	s28 =	simm.s32 $0x400;
	s29 =	simm.s32 $0x80;
	s24 =	simm.s32 $0x4;
	v10 =	vld.idx.msk [tilespmem:v14+s2+$0x0], $0xffff;
	[tilespmem:s21+$0x15480] =	vst v16;
	v0 =	vmin.u32 v0, $0x3F;
	v11 =	vnsel vm0, $0x0, v15;
	vm0 =	vgt.s32 v3, $0x0  }
.LBB2_6:
0xe1: {  	s0 =	sand.u32 $0x3000, s29;
	s26 =	sand.u32 $0xC00, s28;
	v11 =	vmin.u32 v11, $0x3FF;
	v3 =	vnsel vm0, $0x0, v3;
	vm0 =	vgt.s32 v2, $0x0;
	v8 =	vld.idx.msk [tilespmem:v8+s1+$0x0], $0xffff;
	s23 =	sadd.s32 $0x10, s23  }
0xe2: {  	s24 =	sadd.s32 $0x4, s24;
	s0 =	sor.u32 s26, s0;
	s26 =	sand.u32 $0x380, s23;
	v12 =	vmin.u32 v3, $0x3F;
	v2 =	vnsel vm0, $0x0, v2;
	v3 =	vld.idx.msk [tilespmem:v7+s2+$0x0], $0xffff  }
0xe3: {  	s30 =	sand.u32 $0x40, s29;
	p0 =	slt.u32 s24, $0x2FC;
	s0 =	sor.u32 s26, s0;
	v6 =	vld.idx.msk [tilespmem:v6+s1+$0x0], $0xffff;
	v13 =	vmin.u32 v2, $0x3FF  }
0xe4: {  	v1 =	vmul.f32 v4, v1;
	s0 =	sor.u32 s30, s0;
	v2 =	vld.idx.msk [tilespmem:v9+s2+$0x0], $0xffff  }
0xe5: {  	v4 =	vld [tilespmem:s0+$0x34B0]  }
0xe6: {  	v7 =	vld [tilespmem:s0+$0xC4B0];
	[tilespmem:s21+$0x15490] =	vst v1;
	v1 =	vmul.f32 v10, v5  }
0xe7: {  	v5 =	vld [tilespmem:s0+$0x3480]  }
0xe8: {  	v3 =	vmul.f32 v3, v8;
	v9 =	vld [tilespmem:s0+$0xC480];
	[tilespmem:s21+$0x154A0] =	vst v1;
	s21 =	smov.u32 s22;
	s22 =	smov.u32 s0  }
0xe9: {  	v10 =	vld [tilespmem:s22+$0x3490]  }
0xea: {  	v1 =	vmul.f32 v2, v6;
	v14 =	vld [tilespmem:s22+$0xC490];
	vm0 =	vgt.s32 v4, $0x0;
	[tilespmem:s21+$0x154B0] =	vst v3  }
0xeb: {  	v3 =	vld [tilespmem:s22+$0x34A0];
	v4 =	vnsel vm0, $0x0, v4;
	vm0 =	vgt.s32 v7, $0x0  }
.Ltmp2:
0xec: {  	vm1 =	vgt.s32 v5, $0x0;
	v2 =	vld [tilespmem:s22+$0xC4A0];
	v8 =	vmin.u32 v4, $0x3F;
	v4 =	vnsel vm0, $0x0, v7;
	[tilespmem:s21+$0x15480] =	vst v1;
	(pc) =	sbr.rel @p0 .LBB2_6-.Ltmp2, $4  }
0xed: {  	v5 =	vnsel vm1, $0x0, v5;
	vm0 =	vgt.s32 v9, $0x0;
	v7 =	vmin.u32 v4, $0x3FF;
	v1 =	vld.idx.msk [tilespmem:v0+s1+$0x0], $0xffff  }
0xee: {  	v6 =	vmin.u32 v5, $0x3F;
	v0 =	vnsel vm0, $0x0, v9;
	vm0 =	vgt.s32 v10, $0x0;
	v4 =	vld.idx.msk [tilespmem:v11+s2+$0x0], $0xffff  }
0xef: {  	v9 =	vmin.u32 v0, $0x3FF;
	v0 =	vnsel vm0, $0x0, v10;
	vm0 =	vgt.s32 v14, $0x0;
	v5 =	vld.idx.msk [tilespmem:v12+s1+$0x0], $0xffff  }
0xf0: {  	s28 =	sadd.s32 $0x200, s28;
	s29 =	sadd.s32 $0x40, s29;
	v0 =	vmin.u32 v0, $0x3F;
	v11 =	vnsel vm0, $0x0, v14;
	vm0 =	vgt.s32 v3, $0x0;
	v10 =	vld.idx.msk [tilespmem:v13+s2+$0x0], $0xffff  }
0xf1: {  	_ =	sdelay $0x3  }
0xf2: {  	v11 =	vmin.u32 v11, $0x3FF;
	v3 =	vnsel vm0, $0x0, v3;
	vm0 =	vgt.s32 v2, $0x0;
	v8 =	vld.idx.msk [tilespmem:v8+s1+$0x0], $0xffff  }
0xf3: {  	v7 =	vld.idx.msk [tilespmem:v7+s2+$0x0], $0xffff;
	v3 =	vmin.u32 v3, $0x3F;
	v2 =	vnsel vm0, $0x0, v2  }
0xf4: {  	v6 =	vld.idx.msk [tilespmem:v6+s1+$0x0], $0xffff;
	v2 =	vmin.u32 v2, $0x3FF  }
0xf5: {  	v9 =	vld.idx.msk [tilespmem:v9+s2+$0x0], $0xffff  }
0xf6: {  	v0 =	vld.idx.msk [tilespmem:v0+s1+$0x0], $0xffff  }
0xf7: {  	v11 =	vld.idx.msk [tilespmem:v11+s2+$0x0], $0xffff  }
0xf8: {  	v3 =	vld.idx.msk [tilespmem:v3+s1+$0x0], $0xffff  }
0xf9: {  	v1 =	vmul.f32 v4, v1;
	v2 =	vld.idx.msk [tilespmem:v2+s2+$0x0], $0xffff  }
0xfa: {  	v4 =	vmul.f32 v10, v5  }
0xfb: {  	[tilespmem:s21+$0x15490] =	vst v1;
	v1 =	vmul.f32 v7, v8  }
0xfc: {  	[tilespmem:s21+$0x154A0] =	vst v4;
	v4 =	vmul.f32 v9, v6  }
0xfd: {  	[tilespmem:s22+$0x154B0] =	vst v1;
	v0 =	vmul.f32 v11, v0  }
0xfe: {  	[tilespmem:s22+$0x15480] =	vst v4;
	v1 =	vmul.f32 v2, v3  }
0xff: {  	[tilespmem:s22+$0x15490] =	vst v0  }
0x100: {  	[tilespmem:s22+$0x154A0] =	vst v1  }
0x101: {  	s0 =	rddreg [dreg:$0x10]  }
0x102: {  	[hbm4b:s0+s5] =	stream.strided.scatter [tilespmem:s16], [sflag:$0x5], $0x3000, s6, s5, $0x38;
	[tilespmem:$0x18480] =	vst v63  }
0x103: {  	s21 =	rddreg [dreg:$0x11]  }
0x104: {  	[tilespmem:s7], [sflag:$0x2] =	stream.strided.gather [hbm4b:s21+s5], $0x3000, s6, s5, $0x38;
	[tilespmem:$0x18480] =	vst v63  }
0x105: {  	s22 =	rddreg [dreg:$0x12]  }
0x106: {  	[tilespmem:s8], [sflag:$0x2] =	stream.strided.gather [hbm4b:s22+s5], $0x3000, s6, s5, $0x38;
	[tilespmem:$0x18480] =	vst v63  }
0x107: {  	_ =	swait.ge [sflag:s17], $0x3000  }
0x108: {  	[sflag:s17] =	ssyncset.done $0x0  }
0x109: {  	[sflag:s17] =	ssyncadd.s32 $0xFFFFD000  }
0x10a: {  	_ =	swait.ge [sflag:s17], $0x3000  }
0x10b: {  	s23 =	simm.s32 $0x0;
	[sflag:s17] =	ssyncset.done $0x0  }
0x10c: {  	s24 =	sand.u32 $0x3000, s23;
	s26 =	sand.u32 $0xC00, s23;
	[sflag:s17] =	ssyncadd.s32 $0xFFFFD000  }
0x10d: {  	s30 =	sand.u32 $0x380, s23;
	s21 =	sor.u32 s26, s24;
	_ =	swait.ge [sflag:s18], $0x3000  }
0x10e: {  	s0 =	sand.u32 $0x40, s23;
	s21 =	sor.u32 s30, s21;
	[sflag:s18] =	ssyncset.done $0x0  }
0x10f: {  	s21 =	sor.u32 s0, s21;
	[sflag:s18] =	ssyncadd.s32 $0xFFFFD000  }
0x110: {  	v0 =	vld [tilespmem:s21+$0x64B0]  }
0x111: {  	v2 =	vld [tilespmem:s21+$0x6480]  }
0x112: {  	v1 =	vld [tilespmem:s21+$0xF4B0]  }
0x113: {  	v3 =	vld [tilespmem:s21+$0xF480];
	_ =	sdelay $0x1  }
0x114: {  	s23 =	simm.s32 $0x200;
	s26 =	simm.s32 $0x40;
	vm0 =	vgt.s32 v0, $0x0  }
0x115: {  	s24 =	sand.u32 $0x3000, s26;
	s0 =	sand.u32 $0xC00, s23;
	s23 =	simm.s32 $0x10;
	v4 =	vld [tilespmem:s21+$0x6490];
	vm1 =	vgt.s32 v2, $0x0;
	v0 =	vnsel vm0, $0x0, v0  }
0x116: {  	s0 =	sor.u32 s0, s24;
	s30 =	sand.u32 $0x380, s23;
	v5 =	vld [tilespmem:s21+$0xF490];
	vm0 =	vgt.s32 v1, $0x0;
	v2 =	vnsel vm1, $0x0, v2;
	v0 =	vmin.u32 v0, $0x3F  }
0x117: {  	s22 =	sand.u32 $0x40, s26;
	s0 =	sor.u32 s30, s0;
	v6 =	vld [tilespmem:s21+$0x64A0];
	v1 =	vnsel vm0, $0x0, v1;
	vm0 =	vgt.s32 v3, $0x0;
	v2 =	vmin.u32 v2, $0x3F  }
0x118: {  	s22 =	sor.u32 s22, s0;
	v7 =	vld [tilespmem:s21+$0xF4A0];
	v1 =	vmin.u32 v1, $0x3FF;
	v3 =	vnsel vm0, $0x0, v3  }
0x119: {  	v8 =	vld [tilespmem:s22+$0x64B0];
	v3 =	vmin.u32 v3, $0x3FF  }
0x11a: {  	v9 =	vld [tilespmem:s22+$0xF4B0]  }
0x11b: {  	v0 =	vld.idx.msk [tilespmem:v0+s1+$0x0], $0xffff  }
0x11c: {  	v2 =	vld.idx.msk [tilespmem:v2+s1+$0x0], $0xffff  }
0x11d: {  	v1 =	vld.idx.msk [tilespmem:v1+s2+$0x0], $0xffff  }
0x11e: {  	vm1 =	vgt.s32 v6, $0x0;
	vm0 =	vgt.s32 v4, $0x0;
	v3 =	vld.idx.msk [tilespmem:v3+s2+$0x0], $0xffff  }
0x11f: {  	v10 =	vld [tilespmem:s22+$0x6480];
	v6 =	vnsel vm1, $0x0, v6;
	v4 =	vnsel vm0, $0x0, v4;
	vm0 =	vgt.s32 v5, $0x0  }
0x120: {  	v11 =	vld [tilespmem:s22+$0xF480];
	v4 =	vmin.u32 v4, $0x3F;
	v5 =	vnsel vm0, $0x0, v5;
	vm0 =	vgt.s32 v7, $0x0  }
0x121: {  	v13 =	vld [tilespmem:s22+$0x6490];
	v12 =	vmin.u32 v6, $0x3F;
	v5 =	vmin.u32 v5, $0x3FF;
	v6 =	vnsel vm0, $0x0, v7  }
0x122: {  	v15 =	vld [tilespmem:s22+$0xF490];
	vm0 =	vgt.s32 v8, $0x0;
	v14 =	vmin.u32 v6, $0x3FF;
	v0 =	vmul.f32 v1, v0  }
0x123: {  	v1 =	vnsel vm0, $0x0, v8;
	vm0 =	vgt.s32 v9, $0x0;
	v16 =	vmul.f32 v3, v2;
	v3 =	vld [tilespmem:s22+$0x64A0]  }
0x124: {  	vm1 =	vgt.s32 v10, $0x0;
	v6 =	vnsel vm0, $0x0, v9;
	v2 =	vld [tilespmem:s22+$0xF4A0];
	v8 =	vmin.u32 v1, $0x3F  }
0x125: {  	v9 =	vnsel vm1, $0x0, v10;
	vm0 =	vgt.s32 v11, $0x0;
	v1 =	vld.idx.msk [tilespmem:v4+s1+$0x0], $0xffff;
	v7 =	vmin.u32 v6, $0x3FF  }
0x126: {  	v4 =	vld.idx.msk [tilespmem:v5+s2+$0x0], $0xffff;
	v6 =	vmin.u32 v9, $0x3F;
	v9 =	vnsel vm0, $0x0, v11;
	vm0 =	vgt.s32 v13, $0x0  }
0x127: {  	v5 =	vld.idx.msk [tilespmem:v12+s1+$0x0], $0xffff;
	[tilespmem:s21+$0x124B0] =	vst v0;
	v9 =	vmin.u32 v9, $0x3FF;
	v0 =	vnsel vm0, $0x0, v13;
	vm0 =	vgt.s32 v15, $0x0  }
0x128: {  	s28 =	simm.s32 $0x400;
	s29 =	simm.s32 $0x80;
	s24 =	simm.s32 $0x4;
	v10 =	vld.idx.msk [tilespmem:v14+s2+$0x0], $0xffff;
	[tilespmem:s21+$0x12480] =	vst v16;
	v0 =	vmin.u32 v0, $0x3F;
	v11 =	vnsel vm0, $0x0, v15;
	vm0 =	vgt.s32 v3, $0x0  }
.LBB2_8:
0x129: {  	s0 =	sand.u32 $0x3000, s29;
	s26 =	sand.u32 $0xC00, s28;
	v11 =	vmin.u32 v11, $0x3FF;
	v3 =	vnsel vm0, $0x0, v3;
	vm0 =	vgt.s32 v2, $0x0;
	v8 =	vld.idx.msk [tilespmem:v8+s1+$0x0], $0xffff;
	s23 =	sadd.s32 $0x10, s23  }
0x12a: {  	s24 =	sadd.s32 $0x4, s24;
	s0 =	sor.u32 s26, s0;
	s26 =	sand.u32 $0x380, s23;
	v12 =	vmin.u32 v3, $0x3F;
	v2 =	vnsel vm0, $0x0, v2;
	v3 =	vld.idx.msk [tilespmem:v7+s2+$0x0], $0xffff  }
0x12b: {  	s30 =	sand.u32 $0x40, s29;
	p0 =	slt.u32 s24, $0x2FC;
	s0 =	sor.u32 s26, s0;
	v6 =	vld.idx.msk [tilespmem:v6+s1+$0x0], $0xffff;
	v13 =	vmin.u32 v2, $0x3FF  }
0x12c: {  	v1 =	vmul.f32 v4, v1;
	s0 =	sor.u32 s30, s0;
	v2 =	vld.idx.msk [tilespmem:v9+s2+$0x0], $0xffff  }
0x12d: {  	v4 =	vld [tilespmem:s0+$0x64B0]  }
0x12e: {  	v7 =	vld [tilespmem:s0+$0xF4B0];
	[tilespmem:s21+$0x12490] =	vst v1;
	v1 =	vmul.f32 v10, v5  }
0x12f: {  	v5 =	vld [tilespmem:s0+$0x6480]  }
0x130: {  	v3 =	vmul.f32 v3, v8;
	v9 =	vld [tilespmem:s0+$0xF480];
	[tilespmem:s21+$0x124A0] =	vst v1;
	s21 =	smov.u32 s22;
	s22 =	smov.u32 s0  }
0x131: {  	v10 =	vld [tilespmem:s22+$0x6490]  }
0x132: {  	v1 =	vmul.f32 v2, v6;
	v14 =	vld [tilespmem:s22+$0xF490];
	vm0 =	vgt.s32 v4, $0x0;
	[tilespmem:s21+$0x124B0] =	vst v3  }
0x133: {  	v3 =	vld [tilespmem:s22+$0x64A0];
	v4 =	vnsel vm0, $0x0, v4;
	vm0 =	vgt.s32 v7, $0x0  }
.Ltmp3:
0x134: {  	vm1 =	vgt.s32 v5, $0x0;
	v2 =	vld [tilespmem:s22+$0xF4A0];
	v8 =	vmin.u32 v4, $0x3F;
	v4 =	vnsel vm0, $0x0, v7;
	[tilespmem:s21+$0x12480] =	vst v1;
	(pc) =	sbr.rel @p0 .LBB2_8-.Ltmp3, $4  }
0x135: {  	v5 =	vnsel vm1, $0x0, v5;
	vm0 =	vgt.s32 v9, $0x0;
	v7 =	vmin.u32 v4, $0x3FF;
	v1 =	vld.idx.msk [tilespmem:v0+s1+$0x0], $0xffff  }
0x136: {  	v6 =	vmin.u32 v5, $0x3F;
	v0 =	vnsel vm0, $0x0, v9;
	vm0 =	vgt.s32 v10, $0x0;
	v4 =	vld.idx.msk [tilespmem:v11+s2+$0x0], $0xffff  }
0x137: {  	v9 =	vmin.u32 v0, $0x3FF;
	v0 =	vnsel vm0, $0x0, v10;
	vm0 =	vgt.s32 v14, $0x0;
	v5 =	vld.idx.msk [tilespmem:v12+s1+$0x0], $0xffff  }
0x138: {  	s28 =	sadd.s32 $0x200, s28;
	s29 =	sadd.s32 $0x40, s29;
	v0 =	vmin.u32 v0, $0x3F;
	v11 =	vnsel vm0, $0x0, v14;
	vm0 =	vgt.s32 v3, $0x0;
	v10 =	vld.idx.msk [tilespmem:v13+s2+$0x0], $0xffff  }
0x139: {  	_ =	sdelay $0x3  }
0x13a: {  	v11 =	vmin.u32 v11, $0x3FF;
	v3 =	vnsel vm0, $0x0, v3;
	vm0 =	vgt.s32 v2, $0x0;
	v8 =	vld.idx.msk [tilespmem:v8+s1+$0x0], $0xffff  }
0x13b: {  	v7 =	vld.idx.msk [tilespmem:v7+s2+$0x0], $0xffff;
	v3 =	vmin.u32 v3, $0x3F;
	v2 =	vnsel vm0, $0x0, v2  }
0x13c: {  	v6 =	vld.idx.msk [tilespmem:v6+s1+$0x0], $0xffff;
	v2 =	vmin.u32 v2, $0x3FF  }
0x13d: {  	v9 =	vld.idx.msk [tilespmem:v9+s2+$0x0], $0xffff  }
0x13e: {  	v0 =	vld.idx.msk [tilespmem:v0+s1+$0x0], $0xffff  }
0x13f: {  	v11 =	vld.idx.msk [tilespmem:v11+s2+$0x0], $0xffff  }
0x140: {  	v3 =	vld.idx.msk [tilespmem:v3+s1+$0x0], $0xffff  }
0x141: {  	v1 =	vmul.f32 v4, v1;
	v2 =	vld.idx.msk [tilespmem:v2+s2+$0x0], $0xffff  }
0x142: {  	v4 =	vmul.f32 v10, v5  }
0x143: {  	[tilespmem:s21+$0x12490] =	vst v1;
	v1 =	vmul.f32 v7, v8  }
0x144: {  	[tilespmem:s21+$0x124A0] =	vst v4;
	v4 =	vmul.f32 v9, v6  }
0x145: {  	[tilespmem:s22+$0x124B0] =	vst v1;
	v0 =	vmul.f32 v11, v0  }
0x146: {  	[tilespmem:s22+$0x12480] =	vst v4;
	v1 =	vmul.f32 v2, v3  }
0x147: {  	[tilespmem:s22+$0x12490] =	vst v0  }
0x148: {  	[tilespmem:s22+$0x124A0] =	vst v1  }
0x149: {  	s0 =	rddreg [dreg:$0x13]  }
0x14a: {  	[hbm4b:s0+s5] =	stream.strided.scatter [tilespmem:s14], [sflag:$0x4], $0x3000, s6, s5, $0x38;
	[tilespmem:$0x18480] =	vst v63  }
0x14b: {  	s21 =	rddreg [dreg:$0x14]  }
0x14c: {  	[tilespmem:s9], [sflag:$0x3] =	stream.strided.gather [hbm4b:s21+s5], $0x3000, s6, s5, $0x38;
	[tilespmem:$0x18480] =	vst v63  }
0x14d: {  	s22 =	rddreg [dreg:$0x15]  }
0x14e: {  	[tilespmem:s10], [sflag:$0x3] =	stream.strided.gather [hbm4b:s22+s5], $0x3000, s6, s5, $0x38;
	[tilespmem:$0x18480] =	vst v63  }
0x14f: {  	_ =	swait.ge [sflag:s13], $0x3000  }
0x150: {  	[sflag:s13] =	ssyncset.done $0x0  }
0x151: {  	[sflag:s13] =	ssyncadd.s32 $0xFFFFD000  }
0x152: {  	_ =	swait.ge [sflag:s13], $0x3000  }
0x153: {  	s23 =	simm.s32 $0x0;
	[sflag:s13] =	ssyncset.done $0x0  }
0x154: {  	s24 =	sand.u32 $0x3000, s23;
	s26 =	sand.u32 $0xC00, s23;
	[sflag:s13] =	ssyncadd.s32 $0xFFFFD000  }
0x155: {  	s30 =	sand.u32 $0x380, s23;
	s21 =	sor.u32 s26, s24;
	_ =	swait.ge [sflag:s19], $0x3000  }
0x156: {  	s0 =	sand.u32 $0x40, s23;
	s21 =	sor.u32 s30, s21;
	[sflag:s19] =	ssyncset.done $0x0  }
0x157: {  	s21 =	sor.u32 s0, s21;
	[sflag:s19] =	ssyncadd.s32 $0xFFFFD000  }
0x158: {  	v0 =	vld [tilespmem:s21+$0x4B0]  }
0x159: {  	v2 =	vld [tilespmem:s21+$0x480]  }
0x15a: {  	v1 =	vld [tilespmem:s21+$0x94B0]  }
0x15b: {  	v3 =	vld [tilespmem:s21+$0x9480];
	_ =	sdelay $0x1  }
0x15c: {  	s23 =	simm.s32 $0x200;
	s26 =	simm.s32 $0x40;
	vm0 =	vgt.s32 v0, $0x0  }
0x15d: {  	s24 =	sand.u32 $0x3000, s26;
	s0 =	sand.u32 $0xC00, s23;
	s23 =	simm.s32 $0x10;
	v4 =	vld [tilespmem:s21+$0x490];
	vm1 =	vgt.s32 v2, $0x0;
	v0 =	vnsel vm0, $0x0, v0  }
0x15e: {  	s0 =	sor.u32 s0, s24;
	s30 =	sand.u32 $0x380, s23;
	v5 =	vld [tilespmem:s21+$0x9490];
	vm0 =	vgt.s32 v1, $0x0;
	v2 =	vnsel vm1, $0x0, v2;
	v0 =	vmin.u32 v0, $0x3F  }
0x15f: {  	s22 =	sand.u32 $0x40, s26;
	s0 =	sor.u32 s30, s0;
	v6 =	vld [tilespmem:s21+$0x4A0];
	v1 =	vnsel vm0, $0x0, v1;
	vm0 =	vgt.s32 v3, $0x0;
	v2 =	vmin.u32 v2, $0x3F  }
0x160: {  	s22 =	sor.u32 s22, s0;
	v7 =	vld [tilespmem:s21+$0x94A0];
	v1 =	vmin.u32 v1, $0x3FF;
	v3 =	vnsel vm0, $0x0, v3  }
0x161: {  	v8 =	vld [tilespmem:s22+$0x4B0];
	v3 =	vmin.u32 v3, $0x3FF  }
0x162: {  	v9 =	vld [tilespmem:s22+$0x94B0]  }
0x163: {  	v0 =	vld.idx.msk [tilespmem:v0+s1+$0x0], $0xffff  }
0x164: {  	v2 =	vld.idx.msk [tilespmem:v2+s1+$0x0], $0xffff  }
0x165: {  	v1 =	vld.idx.msk [tilespmem:v1+s2+$0x0], $0xffff  }
0x166: {  	vm1 =	vgt.s32 v6, $0x0;
	vm0 =	vgt.s32 v4, $0x0;
	v3 =	vld.idx.msk [tilespmem:v3+s2+$0x0], $0xffff  }
0x167: {  	v10 =	vld [tilespmem:s22+$0x480];
	v6 =	vnsel vm1, $0x0, v6;
	v4 =	vnsel vm0, $0x0, v4;
	vm0 =	vgt.s32 v5, $0x0  }
0x168: {  	v11 =	vld [tilespmem:s22+$0x9480];
	v4 =	vmin.u32 v4, $0x3F;
	v5 =	vnsel vm0, $0x0, v5;
	vm0 =	vgt.s32 v7, $0x0  }
0x169: {  	v13 =	vld [tilespmem:s22+$0x490];
	v12 =	vmin.u32 v6, $0x3F;
	v5 =	vmin.u32 v5, $0x3FF;
	v6 =	vnsel vm0, $0x0, v7  }
0x16a: {  	v15 =	vld [tilespmem:s22+$0x9490];
	vm0 =	vgt.s32 v8, $0x0;
	v14 =	vmin.u32 v6, $0x3FF;
	v0 =	vmul.f32 v1, v0  }
0x16b: {  	v1 =	vnsel vm0, $0x0, v8;
	vm0 =	vgt.s32 v9, $0x0;
	v16 =	vmul.f32 v3, v2;
	v3 =	vld [tilespmem:s22+$0x4A0]  }
0x16c: {  	vm1 =	vgt.s32 v10, $0x0;
	v6 =	vnsel vm0, $0x0, v9;
	v2 =	vld [tilespmem:s22+$0x94A0];
	v8 =	vmin.u32 v1, $0x3F  }
0x16d: {  	v9 =	vnsel vm1, $0x0, v10;
	vm0 =	vgt.s32 v11, $0x0;
	v1 =	vld.idx.msk [tilespmem:v4+s1+$0x0], $0xffff;
	v7 =	vmin.u32 v6, $0x3FF  }
0x16e: {  	v4 =	vld.idx.msk [tilespmem:v5+s2+$0x0], $0xffff;
	v6 =	vmin.u32 v9, $0x3F;
	v9 =	vnsel vm0, $0x0, v11;
	vm0 =	vgt.s32 v13, $0x0  }
0x16f: {  	v5 =	vld.idx.msk [tilespmem:v12+s1+$0x0], $0xffff;
	[tilespmem:s21+$0x154B0] =	vst v0;
	v9 =	vmin.u32 v9, $0x3FF;
	v0 =	vnsel vm0, $0x0, v13;
	vm0 =	vgt.s32 v15, $0x0  }
0x170: {  	s28 =	simm.s32 $0x400;
	s29 =	simm.s32 $0x80;
	s24 =	simm.s32 $0x4;
	v10 =	vld.idx.msk [tilespmem:v14+s2+$0x0], $0xffff;
	[tilespmem:s21+$0x15480] =	vst v16;
	v0 =	vmin.u32 v0, $0x3F;
	v11 =	vnsel vm0, $0x0, v15;
	vm0 =	vgt.s32 v3, $0x0  }
.LBB2_10:
0x171: {  	s0 =	sand.u32 $0x3000, s29;
	s26 =	sand.u32 $0xC00, s28;
	v11 =	vmin.u32 v11, $0x3FF;
	v3 =	vnsel vm0, $0x0, v3;
	vm0 =	vgt.s32 v2, $0x0;
	v8 =	vld.idx.msk [tilespmem:v8+s1+$0x0], $0xffff;
	s23 =	sadd.s32 $0x10, s23  }
0x172: {  	s24 =	sadd.s32 $0x4, s24;
	s0 =	sor.u32 s26, s0;
	s26 =	sand.u32 $0x380, s23;
	v12 =	vmin.u32 v3, $0x3F;
	v2 =	vnsel vm0, $0x0, v2;
	v3 =	vld.idx.msk [tilespmem:v7+s2+$0x0], $0xffff  }
0x173: {  	s30 =	sand.u32 $0x40, s29;
	p0 =	slt.u32 s24, $0x2FC;
	s0 =	sor.u32 s26, s0;
	v6 =	vld.idx.msk [tilespmem:v6+s1+$0x0], $0xffff;
	v13 =	vmin.u32 v2, $0x3FF  }
0x174: {  	v1 =	vmul.f32 v4, v1;
	s0 =	sor.u32 s30, s0;
	v2 =	vld.idx.msk [tilespmem:v9+s2+$0x0], $0xffff  }
0x175: {  	v4 =	vld [tilespmem:s0+$0x4B0]  }
0x176: {  	v7 =	vld [tilespmem:s0+$0x94B0];
	[tilespmem:s21+$0x15490] =	vst v1;
	v1 =	vmul.f32 v10, v5  }
0x177: {  	v5 =	vld [tilespmem:s0+$0x480]  }
0x178: {  	v3 =	vmul.f32 v3, v8;
	v9 =	vld [tilespmem:s0+$0x9480];
	[tilespmem:s21+$0x154A0] =	vst v1;
	s21 =	smov.u32 s22;
	s22 =	smov.u32 s0  }
0x179: {  	v10 =	vld [tilespmem:s22+$0x490]  }
0x17a: {  	v1 =	vmul.f32 v2, v6;
	v14 =	vld [tilespmem:s22+$0x9490];
	vm0 =	vgt.s32 v4, $0x0;
	[tilespmem:s21+$0x154B0] =	vst v3  }
0x17b: {  	v3 =	vld [tilespmem:s22+$0x4A0];
	v4 =	vnsel vm0, $0x0, v4;
	vm0 =	vgt.s32 v7, $0x0  }
.Ltmp4:
0x17c: {  	vm1 =	vgt.s32 v5, $0x0;
	v2 =	vld [tilespmem:s22+$0x94A0];
	v8 =	vmin.u32 v4, $0x3F;
	v4 =	vnsel vm0, $0x0, v7;
	[tilespmem:s21+$0x15480] =	vst v1;
	(pc) =	sbr.rel @p0 .LBB2_10-.Ltmp4, $4  }
0x17d: {  	v5 =	vnsel vm1, $0x0, v5;
	vm0 =	vgt.s32 v9, $0x0;
	v7 =	vmin.u32 v4, $0x3FF;
	v1 =	vld.idx.msk [tilespmem:v0+s1+$0x0], $0xffff  }
0x17e: {  	v6 =	vmin.u32 v5, $0x3F;
	v0 =	vnsel vm0, $0x0, v9;
	vm0 =	vgt.s32 v10, $0x0;
	v4 =	vld.idx.msk [tilespmem:v11+s2+$0x0], $0xffff  }
0x17f: {  	v9 =	vmin.u32 v0, $0x3FF;
	v0 =	vnsel vm0, $0x0, v10;
	vm0 =	vgt.s32 v14, $0x0;
	v5 =	vld.idx.msk [tilespmem:v12+s1+$0x0], $0xffff  }
0x180: {  	s28 =	sadd.s32 $0x200, s28;
	s29 =	sadd.s32 $0x40, s29;
	v0 =	vmin.u32 v0, $0x3F;
	v11 =	vnsel vm0, $0x0, v14;
	vm0 =	vgt.s32 v3, $0x0;
	v10 =	vld.idx.msk [tilespmem:v13+s2+$0x0], $0xffff  }
0x181: {  	_ =	sdelay $0x3  }
0x182: {  	v11 =	vmin.u32 v11, $0x3FF;
	v3 =	vnsel vm0, $0x0, v3;
	vm0 =	vgt.s32 v2, $0x0;
	v8 =	vld.idx.msk [tilespmem:v8+s1+$0x0], $0xffff  }
0x183: {  	v7 =	vld.idx.msk [tilespmem:v7+s2+$0x0], $0xffff;
	v3 =	vmin.u32 v3, $0x3F;
	v2 =	vnsel vm0, $0x0, v2  }
0x184: {  	v6 =	vld.idx.msk [tilespmem:v6+s1+$0x0], $0xffff;
	v2 =	vmin.u32 v2, $0x3FF  }
0x185: {  	v9 =	vld.idx.msk [tilespmem:v9+s2+$0x0], $0xffff  }
0x186: {  	v0 =	vld.idx.msk [tilespmem:v0+s1+$0x0], $0xffff  }
0x187: {  	v11 =	vld.idx.msk [tilespmem:v11+s2+$0x0], $0xffff  }
0x188: {  	v3 =	vld.idx.msk [tilespmem:v3+s1+$0x0], $0xffff  }
0x189: {  	v1 =	vmul.f32 v4, v1;
	v2 =	vld.idx.msk [tilespmem:v2+s2+$0x0], $0xffff  }
0x18a: {  	v4 =	vmul.f32 v10, v5  }
0x18b: {  	[tilespmem:s21+$0x15490] =	vst v1;
	v1 =	vmul.f32 v7, v8  }
0x18c: {  	[tilespmem:s21+$0x154A0] =	vst v4;
	v4 =	vmul.f32 v9, v6  }
0x18d: {  	[tilespmem:s22+$0x154B0] =	vst v1;
	v0 =	vmul.f32 v11, v0  }
0x18e: {  	[tilespmem:s22+$0x15480] =	vst v4;
	v1 =	vmul.f32 v2, v3  }
0x18f: {  	[tilespmem:s22+$0x15490] =	vst v0  }
0x190: {  	[tilespmem:s22+$0x154A0] =	vst v1  }
0x191: {  	s0 =	rddreg [dreg:$0x16]  }
0x192: {  	[hbm4b:s0+s5] =	stream.strided.scatter [tilespmem:s16], [sflag:$0x5], $0x3000, s6, s5, $0x38;
	[tilespmem:$0x18480] =	vst v63  }
0x193: {  	s21 =	rddreg [dreg:$0x1a]  }
0x194: {  	[tilespmem:s3], [sflag:$0x1] =	stream.strided.gather [hbm4b:s21+s5], $0x3000, s6, s5, $0x38;
	[tilespmem:$0x18480] =	vst v63  }
0x195: {  	s22 =	rddreg [dreg:$0x1d]  }
0x196: {  	[tilespmem:s4], [sflag:$0x1] =	stream.strided.gather [hbm4b:s22+s5], $0x3000, s6, s5, $0x38;
	[tilespmem:$0x18480] =	vst v63  }
0x197: {  	_ =	swait.ge [sflag:s15], $0x3000  }
0x198: {  	[sflag:s15] =	ssyncset.done $0x0  }
0x199: {  	[sflag:s15] =	ssyncadd.s32 $0xFFFFD000  }
0x19a: {  	_ =	swait.ge [sflag:s15], $0x3000  }
0x19b: {  	s23 =	simm.s32 $0x0;
	[sflag:s15] =	ssyncset.done $0x0  }
0x19c: {  	s24 =	sand.u32 $0x3000, s23;
	s26 =	sand.u32 $0xC00, s23;
	[sflag:s15] =	ssyncadd.s32 $0xFFFFD000  }
0x19d: {  	s30 =	sand.u32 $0x380, s23;
	s21 =	sor.u32 s26, s24;
	_ =	swait.ge [sflag:s18], $0x3000  }
0x19e: {  	s0 =	sand.u32 $0x40, s23;
	s21 =	sor.u32 s30, s21;
	[sflag:s18] =	ssyncset.done $0x0  }
0x19f: {  	s21 =	sor.u32 s0, s21;
	[sflag:s18] =	ssyncadd.s32 $0xFFFFD000  }
0x1a0: {  	v0 =	vld [tilespmem:s21+$0x34B0]  }
0x1a1: {  	v2 =	vld [tilespmem:s21+$0x3480]  }
0x1a2: {  	v1 =	vld [tilespmem:s21+$0xC4B0]  }
0x1a3: {  	v3 =	vld [tilespmem:s21+$0xC480];
	_ =	sdelay $0x1  }
0x1a4: {  	s23 =	simm.s32 $0x200;
	s26 =	simm.s32 $0x40;
	vm0 =	vgt.s32 v0, $0x0  }
0x1a5: {  	s24 =	sand.u32 $0x3000, s26;
	s0 =	sand.u32 $0xC00, s23;
	s23 =	simm.s32 $0x10;
	v4 =	vld [tilespmem:s21+$0x3490];
	vm1 =	vgt.s32 v2, $0x0;
	v0 =	vnsel vm0, $0x0, v0  }
0x1a6: {  	s0 =	sor.u32 s0, s24;
	s30 =	sand.u32 $0x380, s23;
	v5 =	vld [tilespmem:s21+$0xC490];
	vm0 =	vgt.s32 v1, $0x0;
	v2 =	vnsel vm1, $0x0, v2;
	v0 =	vmin.u32 v0, $0x3F  }
0x1a7: {  	s22 =	sand.u32 $0x40, s26;
	s0 =	sor.u32 s30, s0;
	v6 =	vld [tilespmem:s21+$0x34A0];
	v1 =	vnsel vm0, $0x0, v1;
	vm0 =	vgt.s32 v3, $0x0;
	v2 =	vmin.u32 v2, $0x3F  }
0x1a8: {  	s22 =	sor.u32 s22, s0;
	v7 =	vld [tilespmem:s21+$0xC4A0];
	v1 =	vmin.u32 v1, $0x3FF;
	v3 =	vnsel vm0, $0x0, v3  }
0x1a9: {  	v8 =	vld [tilespmem:s22+$0x34B0];
	v3 =	vmin.u32 v3, $0x3FF  }
0x1aa: {  	v9 =	vld [tilespmem:s22+$0xC4B0]  }
0x1ab: {  	v0 =	vld.idx.msk [tilespmem:v0+s1+$0x0], $0xffff  }
0x1ac: {  	v2 =	vld.idx.msk [tilespmem:v2+s1+$0x0], $0xffff  }
0x1ad: {  	v1 =	vld.idx.msk [tilespmem:v1+s2+$0x0], $0xffff  }
0x1ae: {  	vm1 =	vgt.s32 v6, $0x0;
	vm0 =	vgt.s32 v4, $0x0;
	v3 =	vld.idx.msk [tilespmem:v3+s2+$0x0], $0xffff  }
0x1af: {  	v10 =	vld [tilespmem:s22+$0x3480];
	v6 =	vnsel vm1, $0x0, v6;
	v4 =	vnsel vm0, $0x0, v4;
	vm0 =	vgt.s32 v5, $0x0  }
0x1b0: {  	v11 =	vld [tilespmem:s22+$0xC480];
	v4 =	vmin.u32 v4, $0x3F;
	v5 =	vnsel vm0, $0x0, v5;
	vm0 =	vgt.s32 v7, $0x0  }
0x1b1: {  	v13 =	vld [tilespmem:s22+$0x3490];
	v12 =	vmin.u32 v6, $0x3F;
	v5 =	vmin.u32 v5, $0x3FF;
	v6 =	vnsel vm0, $0x0, v7  }
0x1b2: {  	v15 =	vld [tilespmem:s22+$0xC490];
	vm0 =	vgt.s32 v8, $0x0;
	v14 =	vmin.u32 v6, $0x3FF;
	v0 =	vmul.f32 v1, v0  }
0x1b3: {  	v1 =	vnsel vm0, $0x0, v8;
	vm0 =	vgt.s32 v9, $0x0;
	v16 =	vmul.f32 v3, v2;
	v3 =	vld [tilespmem:s22+$0x34A0]  }
0x1b4: {  	vm1 =	vgt.s32 v10, $0x0;
	v6 =	vnsel vm0, $0x0, v9;
	v2 =	vld [tilespmem:s22+$0xC4A0];
	v8 =	vmin.u32 v1, $0x3F  }
0x1b5: {  	v9 =	vnsel vm1, $0x0, v10;
	vm0 =	vgt.s32 v11, $0x0;
	v1 =	vld.idx.msk [tilespmem:v4+s1+$0x0], $0xffff;
	v7 =	vmin.u32 v6, $0x3FF  }
0x1b6: {  	v4 =	vld.idx.msk [tilespmem:v5+s2+$0x0], $0xffff;
	v6 =	vmin.u32 v9, $0x3F;
	v9 =	vnsel vm0, $0x0, v11;
	vm0 =	vgt.s32 v13, $0x0  }
0x1b7: {  	v5 =	vld.idx.msk [tilespmem:v12+s1+$0x0], $0xffff;
	[tilespmem:s21+$0x124B0] =	vst v0;
	v9 =	vmin.u32 v9, $0x3FF;
	v0 =	vnsel vm0, $0x0, v13;
	vm0 =	vgt.s32 v15, $0x0  }
0x1b8: {  	s28 =	simm.s32 $0x400;
	s29 =	simm.s32 $0x80;
	s24 =	simm.s32 $0x4;
	v10 =	vld.idx.msk [tilespmem:v14+s2+$0x0], $0xffff;
	[tilespmem:s21+$0x12480] =	vst v16;
	v0 =	vmin.u32 v0, $0x3F;
	v11 =	vnsel vm0, $0x0, v15;
	vm0 =	vgt.s32 v3, $0x0  }
.LBB2_12:
0x1b9: {  	s0 =	sand.u32 $0x3000, s29;
	s26 =	sand.u32 $0xC00, s28;
	v11 =	vmin.u32 v11, $0x3FF;
	v3 =	vnsel vm0, $0x0, v3;
	vm0 =	vgt.s32 v2, $0x0;
	v8 =	vld.idx.msk [tilespmem:v8+s1+$0x0], $0xffff;
	s23 =	sadd.s32 $0x10, s23  }
0x1ba: {  	s24 =	sadd.s32 $0x4, s24;
	s0 =	sor.u32 s26, s0;
	s26 =	sand.u32 $0x380, s23;
	v12 =	vmin.u32 v3, $0x3F;
	v2 =	vnsel vm0, $0x0, v2;
	v3 =	vld.idx.msk [tilespmem:v7+s2+$0x0], $0xffff  }
0x1bb: {  	s30 =	sand.u32 $0x40, s29;
	p0 =	slt.u32 s24, $0x2FC;
	s0 =	sor.u32 s26, s0;
	v6 =	vld.idx.msk [tilespmem:v6+s1+$0x0], $0xffff;
	v13 =	vmin.u32 v2, $0x3FF  }
0x1bc: {  	v1 =	vmul.f32 v4, v1;
	s0 =	sor.u32 s30, s0;
	v2 =	vld.idx.msk [tilespmem:v9+s2+$0x0], $0xffff  }
0x1bd: {  	v4 =	vld [tilespmem:s0+$0x34B0]  }
0x1be: {  	v7 =	vld [tilespmem:s0+$0xC4B0];
	[tilespmem:s21+$0x12490] =	vst v1;
	v1 =	vmul.f32 v10, v5  }
0x1bf: {  	v5 =	vld [tilespmem:s0+$0x3480]  }
0x1c0: {  	v3 =	vmul.f32 v3, v8;
	v9 =	vld [tilespmem:s0+$0xC480];
	[tilespmem:s21+$0x124A0] =	vst v1;
	s21 =	smov.u32 s22;
	s22 =	smov.u32 s0  }
0x1c1: {  	v10 =	vld [tilespmem:s22+$0x3490]  }
0x1c2: {  	v1 =	vmul.f32 v2, v6;
	v14 =	vld [tilespmem:s22+$0xC490];
	vm0 =	vgt.s32 v4, $0x0;
	[tilespmem:s21+$0x124B0] =	vst v3  }
0x1c3: {  	v3 =	vld [tilespmem:s22+$0x34A0];
	v4 =	vnsel vm0, $0x0, v4;
	vm0 =	vgt.s32 v7, $0x0  }
.Ltmp5:
0x1c4: {  	vm1 =	vgt.s32 v5, $0x0;
	v2 =	vld [tilespmem:s22+$0xC4A0];
	v8 =	vmin.u32 v4, $0x3F;
	v4 =	vnsel vm0, $0x0, v7;
	[tilespmem:s21+$0x12480] =	vst v1;
	(pc) =	sbr.rel @p0 .LBB2_12-.Ltmp5, $4  }
0x1c5: {  	v5 =	vnsel vm1, $0x0, v5;
	vm0 =	vgt.s32 v9, $0x0;
	v7 =	vmin.u32 v4, $0x3FF;
	v1 =	vld.idx.msk [tilespmem:v0+s1+$0x0], $0xffff  }
0x1c6: {  	v6 =	vmin.u32 v5, $0x3F;
	v0 =	vnsel vm0, $0x0, v9;
	vm0 =	vgt.s32 v10, $0x0;
	v4 =	vld.idx.msk [tilespmem:v11+s2+$0x0], $0xffff  }
0x1c7: {  	v9 =	vmin.u32 v0, $0x3FF;
	v0 =	vnsel vm0, $0x0, v10;
	vm0 =	vgt.s32 v14, $0x0;
	v5 =	vld.idx.msk [tilespmem:v12+s1+$0x0], $0xffff  }
0x1c8: {  	s28 =	sadd.s32 $0x200, s28;
	s29 =	sadd.s32 $0x40, s29;
	v0 =	vmin.u32 v0, $0x3F;
	v11 =	vnsel vm0, $0x0, v14;
	vm0 =	vgt.s32 v3, $0x0;
	v10 =	vld.idx.msk [tilespmem:v13+s2+$0x0], $0xffff  }
0x1c9: {  	_ =	sdelay $0x3  }
0x1ca: {  	v11 =	vmin.u32 v11, $0x3FF;
	v3 =	vnsel vm0, $0x0, v3;
	vm0 =	vgt.s32 v2, $0x0;
	v8 =	vld.idx.msk [tilespmem:v8+s1+$0x0], $0xffff  }
0x1cb: {  	v7 =	vld.idx.msk [tilespmem:v7+s2+$0x0], $0xffff;
	v3 =	vmin.u32 v3, $0x3F;
	v2 =	vnsel vm0, $0x0, v2  }
0x1cc: {  	v6 =	vld.idx.msk [tilespmem:v6+s1+$0x0], $0xffff;
	v2 =	vmin.u32 v2, $0x3FF  }
0x1cd: {  	v9 =	vld.idx.msk [tilespmem:v9+s2+$0x0], $0xffff  }
0x1ce: {  	v0 =	vld.idx.msk [tilespmem:v0+s1+$0x0], $0xffff  }
0x1cf: {  	v11 =	vld.idx.msk [tilespmem:v11+s2+$0x0], $0xffff  }
0x1d0: {  	v3 =	vld.idx.msk [tilespmem:v3+s1+$0x0], $0xffff  }
0x1d1: {  	v1 =	vmul.f32 v4, v1;
	v2 =	vld.idx.msk [tilespmem:v2+s2+$0x0], $0xffff  }
0x1d2: {  	v4 =	vmul.f32 v10, v5  }
0x1d3: {  	[tilespmem:s21+$0x12490] =	vst v1;
	v1 =	vmul.f32 v7, v8  }
0x1d4: {  	[tilespmem:s21+$0x124A0] =	vst v4;
	v4 =	vmul.f32 v9, v6  }
0x1d5: {  	[tilespmem:s22+$0x124B0] =	vst v1;
	v0 =	vmul.f32 v11, v0  }
0x1d6: {  	[tilespmem:s22+$0x12480] =	vst v4;
	v1 =	vmul.f32 v2, v3  }
0x1d7: {  	[tilespmem:s22+$0x12490] =	vst v0  }
0x1d8: {  	[tilespmem:s22+$0x124A0] =	vst v1  }
0x1d9: {  	s0 =	rddreg [dreg:$0x17]  }
0x1da: {  	[hbm4b:s0+s5] =	stream.strided.scatter [tilespmem:s14], [sflag:$0x4], $0x3000, s6, s5, $0x38;
	[tilespmem:$0x18480] =	vst v63  }
0x1db: {  	s21 =	rddreg [dreg:$0x1b]  }
0x1dc: {  	[tilespmem:s7], [sflag:$0x2] =	stream.strided.gather [hbm4b:s21+s5], $0x3000, s6, s5, $0x38;
	[tilespmem:$0x18480] =	vst v63  }
0x1dd: {  	s22 =	rddreg [dreg:$0x1e]  }
0x1de: {  	[tilespmem:s8], [sflag:$0x2] =	stream.strided.gather [hbm4b:s22+s5], $0x3000, s6, s5, $0x38;
	[tilespmem:$0x18480] =	vst v63  }
0x1df: {  	_ =	swait.ge [sflag:s17], $0x3000  }
0x1e0: {  	[sflag:s17] =	ssyncset.done $0x0  }
0x1e1: {  	[sflag:s17] =	ssyncadd.s32 $0xFFFFD000  }
0x1e2: {  	_ =	swait.ge [sflag:s17], $0x3000  }
0x1e3: {  	s23 =	simm.s32 $0x0;
	[sflag:s17] =	ssyncset.done $0x0  }
0x1e4: {  	s24 =	sand.u32 $0x3000, s23;
	s26 =	sand.u32 $0xC00, s23;
	[sflag:s17] =	ssyncadd.s32 $0xFFFFD000  }
0x1e5: {  	s30 =	sand.u32 $0x380, s23;
	s21 =	sor.u32 s26, s24;
	_ =	swait.ge [sflag:s19], $0x3000  }
0x1e6: {  	s0 =	sand.u32 $0x40, s23;
	s21 =	sor.u32 s30, s21;
	[sflag:s19] =	ssyncset.done $0x0  }
0x1e7: {  	s21 =	sor.u32 s0, s21;
	[sflag:s19] =	ssyncadd.s32 $0xFFFFD000  }
0x1e8: {  	v0 =	vld [tilespmem:s21+$0x64B0]  }
0x1e9: {  	v2 =	vld [tilespmem:s21+$0x6480]  }
0x1ea: {  	v1 =	vld [tilespmem:s21+$0xF4B0]  }
0x1eb: {  	v3 =	vld [tilespmem:s21+$0xF480];
	_ =	sdelay $0x1  }
0x1ec: {  	s23 =	simm.s32 $0x200;
	s26 =	simm.s32 $0x40;
	vm0 =	vgt.s32 v0, $0x0  }
0x1ed: {  	s24 =	sand.u32 $0x3000, s26;
	s0 =	sand.u32 $0xC00, s23;
	s23 =	simm.s32 $0x10;
	v4 =	vld [tilespmem:s21+$0x6490];
	vm1 =	vgt.s32 v2, $0x0;
	v0 =	vnsel vm0, $0x0, v0  }
0x1ee: {  	s0 =	sor.u32 s0, s24;
	s30 =	sand.u32 $0x380, s23;
	v5 =	vld [tilespmem:s21+$0xF490];
	vm0 =	vgt.s32 v1, $0x0;
	v2 =	vnsel vm1, $0x0, v2;
	v0 =	vmin.u32 v0, $0x3F  }
0x1ef: {  	s22 =	sand.u32 $0x40, s26;
	s0 =	sor.u32 s30, s0;
	v6 =	vld [tilespmem:s21+$0x64A0];
	v1 =	vnsel vm0, $0x0, v1;
	vm0 =	vgt.s32 v3, $0x0;
	v2 =	vmin.u32 v2, $0x3F  }
0x1f0: {  	s22 =	sor.u32 s22, s0;
	v7 =	vld [tilespmem:s21+$0xF4A0];
	v1 =	vmin.u32 v1, $0x3FF;
	v3 =	vnsel vm0, $0x0, v3  }
0x1f1: {  	v8 =	vld [tilespmem:s22+$0x64B0];
	v3 =	vmin.u32 v3, $0x3FF  }
0x1f2: {  	v9 =	vld [tilespmem:s22+$0xF4B0]  }
0x1f3: {  	v0 =	vld.idx.msk [tilespmem:v0+s1+$0x0], $0xffff  }
0x1f4: {  	v2 =	vld.idx.msk [tilespmem:v2+s1+$0x0], $0xffff  }
0x1f5: {  	v1 =	vld.idx.msk [tilespmem:v1+s2+$0x0], $0xffff  }
0x1f6: {  	vm1 =	vgt.s32 v6, $0x0;
	vm0 =	vgt.s32 v4, $0x0;
	v3 =	vld.idx.msk [tilespmem:v3+s2+$0x0], $0xffff  }
0x1f7: {  	v10 =	vld [tilespmem:s22+$0x6480];
	v6 =	vnsel vm1, $0x0, v6;
	v4 =	vnsel vm0, $0x0, v4;
	vm0 =	vgt.s32 v5, $0x0  }
0x1f8: {  	v11 =	vld [tilespmem:s22+$0xF480];
	v4 =	vmin.u32 v4, $0x3F;
	v5 =	vnsel vm0, $0x0, v5;
	vm0 =	vgt.s32 v7, $0x0  }
0x1f9: {  	v13 =	vld [tilespmem:s22+$0x6490];
	v12 =	vmin.u32 v6, $0x3F;
	v5 =	vmin.u32 v5, $0x3FF;
	v6 =	vnsel vm0, $0x0, v7  }
0x1fa: {  	v15 =	vld [tilespmem:s22+$0xF490];
	vm0 =	vgt.s32 v8, $0x0;
	v14 =	vmin.u32 v6, $0x3FF;
	v0 =	vmul.f32 v1, v0  }
0x1fb: {  	v1 =	vnsel vm0, $0x0, v8;
	vm0 =	vgt.s32 v9, $0x0;
	v16 =	vmul.f32 v3, v2;
	v3 =	vld [tilespmem:s22+$0x64A0]  }
0x1fc: {  	vm1 =	vgt.s32 v10, $0x0;
	v6 =	vnsel vm0, $0x0, v9;
	v2 =	vld [tilespmem:s22+$0xF4A0];
	v8 =	vmin.u32 v1, $0x3F  }
0x1fd: {  	v9 =	vnsel vm1, $0x0, v10;
	vm0 =	vgt.s32 v11, $0x0;
	v1 =	vld.idx.msk [tilespmem:v4+s1+$0x0], $0xffff;
	v7 =	vmin.u32 v6, $0x3FF  }
0x1fe: {  	v4 =	vld.idx.msk [tilespmem:v5+s2+$0x0], $0xffff;
	v6 =	vmin.u32 v9, $0x3F;
	v9 =	vnsel vm0, $0x0, v11;
	vm0 =	vgt.s32 v13, $0x0  }
0x1ff: {  	v5 =	vld.idx.msk [tilespmem:v12+s1+$0x0], $0xffff;
	[tilespmem:s21+$0x154B0] =	vst v0;
	v9 =	vmin.u32 v9, $0x3FF;
	v0 =	vnsel vm0, $0x0, v13;
	vm0 =	vgt.s32 v15, $0x0  }
0x200: {  	s28 =	simm.s32 $0x400;
	s29 =	simm.s32 $0x80;
	s24 =	simm.s32 $0x4;
	v10 =	vld.idx.msk [tilespmem:v14+s2+$0x0], $0xffff;
	[tilespmem:s21+$0x15480] =	vst v16;
	v0 =	vmin.u32 v0, $0x3F;
	v11 =	vnsel vm0, $0x0, v15;
	vm0 =	vgt.s32 v3, $0x0  }
.LBB2_14:
0x201: {  	s0 =	sand.u32 $0x3000, s29;
	s26 =	sand.u32 $0xC00, s28;
	v11 =	vmin.u32 v11, $0x3FF;
	v3 =	vnsel vm0, $0x0, v3;
	vm0 =	vgt.s32 v2, $0x0;
	v8 =	vld.idx.msk [tilespmem:v8+s1+$0x0], $0xffff;
	s23 =	sadd.s32 $0x10, s23  }
0x202: {  	s24 =	sadd.s32 $0x4, s24;
	s0 =	sor.u32 s26, s0;
	s26 =	sand.u32 $0x380, s23;
	v12 =	vmin.u32 v3, $0x3F;
	v2 =	vnsel vm0, $0x0, v2;
	v3 =	vld.idx.msk [tilespmem:v7+s2+$0x0], $0xffff  }
0x203: {  	s30 =	sand.u32 $0x40, s29;
	p0 =	slt.u32 s24, $0x2FC;
	s0 =	sor.u32 s26, s0;
	v6 =	vld.idx.msk [tilespmem:v6+s1+$0x0], $0xffff;
	v13 =	vmin.u32 v2, $0x3FF  }
0x204: {  	v1 =	vmul.f32 v4, v1;
	s0 =	sor.u32 s30, s0;
	v2 =	vld.idx.msk [tilespmem:v9+s2+$0x0], $0xffff  }
0x205: {  	v4 =	vld [tilespmem:s0+$0x64B0]  }
0x206: {  	v7 =	vld [tilespmem:s0+$0xF4B0];
	[tilespmem:s21+$0x15490] =	vst v1;
	v1 =	vmul.f32 v10, v5  }
0x207: {  	v5 =	vld [tilespmem:s0+$0x6480]  }
0x208: {  	v3 =	vmul.f32 v3, v8;
	v9 =	vld [tilespmem:s0+$0xF480];
	[tilespmem:s21+$0x154A0] =	vst v1;
	s21 =	smov.u32 s22;
	s22 =	smov.u32 s0  }
0x209: {  	v10 =	vld [tilespmem:s22+$0x6490]  }
0x20a: {  	v1 =	vmul.f32 v2, v6;
	v14 =	vld [tilespmem:s22+$0xF490];
	vm0 =	vgt.s32 v4, $0x0;
	[tilespmem:s21+$0x154B0] =	vst v3  }
0x20b: {  	v3 =	vld [tilespmem:s22+$0x64A0];
	v4 =	vnsel vm0, $0x0, v4;
	vm0 =	vgt.s32 v7, $0x0  }
.Ltmp6:
0x20c: {  	vm1 =	vgt.s32 v5, $0x0;
	v2 =	vld [tilespmem:s22+$0xF4A0];
	v8 =	vmin.u32 v4, $0x3F;
	v4 =	vnsel vm0, $0x0, v7;
	[tilespmem:s21+$0x15480] =	vst v1;
	(pc) =	sbr.rel @p0 .LBB2_14-.Ltmp6, $4  }
0x20d: {  	v5 =	vnsel vm1, $0x0, v5;
	vm0 =	vgt.s32 v9, $0x0;
	v7 =	vmin.u32 v4, $0x3FF;
	v1 =	vld.idx.msk [tilespmem:v0+s1+$0x0], $0xffff  }
0x20e: {  	v6 =	vmin.u32 v5, $0x3F;
	v0 =	vnsel vm0, $0x0, v9;
	vm0 =	vgt.s32 v10, $0x0;
	v4 =	vld.idx.msk [tilespmem:v11+s2+$0x0], $0xffff  }
0x20f: {  	v9 =	vmin.u32 v0, $0x3FF;
	v0 =	vnsel vm0, $0x0, v10;
	vm0 =	vgt.s32 v14, $0x0;
	v5 =	vld.idx.msk [tilespmem:v12+s1+$0x0], $0xffff  }
0x210: {  	s28 =	sadd.s32 $0x200, s28;
	s29 =	sadd.s32 $0x40, s29;
	v0 =	vmin.u32 v0, $0x3F;
	v11 =	vnsel vm0, $0x0, v14;
	vm0 =	vgt.s32 v3, $0x0;
	v10 =	vld.idx.msk [tilespmem:v13+s2+$0x0], $0xffff  }
0x211: {  	_ =	sdelay $0x3  }
0x212: {  	v11 =	vmin.u32 v11, $0x3FF;
	v3 =	vnsel vm0, $0x0, v3;
	vm0 =	vgt.s32 v2, $0x0;
	v8 =	vld.idx.msk [tilespmem:v8+s1+$0x0], $0xffff  }
0x213: {  	v7 =	vld.idx.msk [tilespmem:v7+s2+$0x0], $0xffff;
	v3 =	vmin.u32 v3, $0x3F;
	v2 =	vnsel vm0, $0x0, v2  }
0x214: {  	v6 =	vld.idx.msk [tilespmem:v6+s1+$0x0], $0xffff;
	v2 =	vmin.u32 v2, $0x3FF  }
0x215: {  	v9 =	vld.idx.msk [tilespmem:v9+s2+$0x0], $0xffff  }
0x216: {  	v0 =	vld.idx.msk [tilespmem:v0+s1+$0x0], $0xffff  }
0x217: {  	v11 =	vld.idx.msk [tilespmem:v11+s2+$0x0], $0xffff  }
0x218: {  	v3 =	vld.idx.msk [tilespmem:v3+s1+$0x0], $0xffff  }
0x219: {  	v1 =	vmul.f32 v4, v1;
	v2 =	vld.idx.msk [tilespmem:v2+s2+$0x0], $0xffff  }
0x21a: {  	v4 =	vmul.f32 v10, v5  }
0x21b: {  	[tilespmem:s21+$0x15490] =	vst v1;
	v1 =	vmul.f32 v7, v8  }
0x21c: {  	[tilespmem:s21+$0x154A0] =	vst v4;
	v4 =	vmul.f32 v9, v6  }
0x21d: {  	[tilespmem:s22+$0x154B0] =	vst v1;
	v0 =	vmul.f32 v11, v0  }
0x21e: {  	[tilespmem:s22+$0x15480] =	vst v4;
	v1 =	vmul.f32 v2, v3  }
0x21f: {  	[tilespmem:s22+$0x15490] =	vst v0  }
0x220: {  	[tilespmem:s22+$0x154A0] =	vst v1  }
0x221: {  	s0 =	rddreg [dreg:$0x18]  }
0x222: {  	[hbm4b:s0+s5] =	stream.strided.scatter [tilespmem:s16], [sflag:$0x5], $0x3000, s6, s5, $0x38;
	[tilespmem:$0x18480] =	vst v63  }
0x223: {  	s21 =	rddreg [dreg:$0x1c];
	s0 =	simm.s32 $0x0  }
0x224: {  	[tilespmem:s9], [sflag:$0x3] =	stream.linear.gather [hbm4b:s21+s0], $0x1000, $0x38;
	[tilespmem:$0x18480] =	vst v63  }
0x225: {  	s23 =	rddreg [dreg:$0x1f]  }
0x226: {  	[tilespmem:s10], [sflag:$0x3] =	stream.linear.gather [hbm4b:s23+s0], $0x1000, $0x38;
	[tilespmem:$0x18480] =	vst v63  }
0x227: {  	_ =	swait.ge [sflag:s13], $0x3000  }
0x228: {  	[sflag:s13] =	ssyncset.done $0x0  }
0x229: {  	[sflag:s13] =	ssyncadd.s32 $0xFFFFD000  }
0x22a: {  	_ =	swait.ge [sflag:s13], $0x3000  }
0x22b: {  	[sflag:s13] =	ssyncset.done $0x0  }
0x22c: {  	s24 =	sand.u32 $0x3000, s0;
	s26 =	sand.u32 $0xC00, s0;
	[sflag:s13] =	ssyncadd.s32 $0xFFFFD000  }
0x22d: {  	s30 =	sand.u32 $0x380, s0;
	s21 =	sor.u32 s26, s24;
	_ =	swait.ge [sflag:s18], $0x3000  }
0x22e: {  	s21 =	sor.u32 s30, s21;
	s0 =	sand.u32 $0x40, s0;
	[sflag:s18] =	ssyncset.done $0x0  }
0x22f: {  	s21 =	sor.u32 s0, s21;
	[sflag:s18] =	ssyncadd.s32 $0xFFFFD000  }
0x230: {  	v0 =	vld [tilespmem:s21+$0x4B0]  }
0x231: {  	v2 =	vld [tilespmem:s21+$0x480]  }
0x232: {  	v1 =	vld [tilespmem:s21+$0x94B0]  }
0x233: {  	v3 =	vld [tilespmem:s21+$0x9480];
	_ =	sdelay $0x1  }
0x234: {  	s26 =	simm.s32 $0x40;
	s23 =	simm.s32 $0x200;
	vm0 =	vgt.s32 v0, $0x0  }
0x235: {  	s24 =	sand.u32 $0x3000, s26;
	s0 =	sand.u32 $0xC00, s23;
	s23 =	simm.s32 $0x10;
	v4 =	vld [tilespmem:s21+$0x490];
	vm1 =	vgt.s32 v2, $0x0;
	v0 =	vnsel vm0, $0x0, v0  }
0x236: {  	s0 =	sor.u32 s0, s24;
	s30 =	sand.u32 $0x380, s23;
	v5 =	vld [tilespmem:s21+$0x9490];
	vm0 =	vgt.s32 v1, $0x0;
	v2 =	vnsel vm1, $0x0, v2;
	v0 =	vmin.u32 v0, $0x3F  }
0x237: {  	s22 =	sand.u32 $0x40, s26;
	s0 =	sor.u32 s30, s0;
	v6 =	vld [tilespmem:s21+$0x4A0];
	v1 =	vnsel vm0, $0x0, v1;
	vm0 =	vgt.s32 v3, $0x0;
	v2 =	vmin.u32 v2, $0x3F  }
0x238: {  	s22 =	sor.u32 s22, s0;
	v7 =	vld [tilespmem:s21+$0x94A0];
	v1 =	vmin.u32 v1, $0x3FF;
	v3 =	vnsel vm0, $0x0, v3  }
0x239: {  	v8 =	vld [tilespmem:s22+$0x4B0];
	v3 =	vmin.u32 v3, $0x3FF  }
0x23a: {  	v9 =	vld [tilespmem:s22+$0x94B0]  }
0x23b: {  	v0 =	vld.idx.msk [tilespmem:v0+s1+$0x0], $0xffff  }
0x23c: {  	v2 =	vld.idx.msk [tilespmem:v2+s1+$0x0], $0xffff  }
0x23d: {  	v1 =	vld.idx.msk [tilespmem:v1+s2+$0x0], $0xffff  }
0x23e: {  	vm1 =	vgt.s32 v6, $0x0;
	vm0 =	vgt.s32 v4, $0x0;
	v3 =	vld.idx.msk [tilespmem:v3+s2+$0x0], $0xffff  }
0x23f: {  	v10 =	vld [tilespmem:s22+$0x480];
	v6 =	vnsel vm1, $0x0, v6;
	v4 =	vnsel vm0, $0x0, v4;
	vm0 =	vgt.s32 v5, $0x0  }
0x240: {  	v11 =	vld [tilespmem:s22+$0x9480];
	v4 =	vmin.u32 v4, $0x3F;
	v5 =	vnsel vm0, $0x0, v5;
	vm0 =	vgt.s32 v7, $0x0  }
0x241: {  	v13 =	vld [tilespmem:s22+$0x490];
	v12 =	vmin.u32 v6, $0x3F;
	v5 =	vmin.u32 v5, $0x3FF;
	v6 =	vnsel vm0, $0x0, v7  }
0x242: {  	v15 =	vld [tilespmem:s22+$0x9490];
	vm0 =	vgt.s32 v8, $0x0;
	v14 =	vmin.u32 v6, $0x3FF;
	v0 =	vmul.f32 v1, v0  }
0x243: {  	v1 =	vnsel vm0, $0x0, v8;
	vm0 =	vgt.s32 v9, $0x0;
	v16 =	vmul.f32 v3, v2;
	v3 =	vld [tilespmem:s22+$0x4A0]  }
0x244: {  	vm1 =	vgt.s32 v10, $0x0;
	v6 =	vnsel vm0, $0x0, v9;
	v2 =	vld [tilespmem:s22+$0x94A0];
	v8 =	vmin.u32 v1, $0x3F  }
0x245: {  	v9 =	vnsel vm1, $0x0, v10;
	vm0 =	vgt.s32 v11, $0x0;
	v1 =	vld.idx.msk [tilespmem:v4+s1+$0x0], $0xffff;
	v7 =	vmin.u32 v6, $0x3FF  }
0x246: {  	v4 =	vld.idx.msk [tilespmem:v5+s2+$0x0], $0xffff;
	v6 =	vmin.u32 v9, $0x3F;
	v9 =	vnsel vm0, $0x0, v11;
	vm0 =	vgt.s32 v13, $0x0  }
0x247: {  	v5 =	vld.idx.msk [tilespmem:v12+s1+$0x0], $0xffff;
	[tilespmem:s21+$0x124B0] =	vst v0;
	v9 =	vmin.u32 v9, $0x3FF;
	v0 =	vnsel vm0, $0x0, v13;
	vm0 =	vgt.s32 v15, $0x0  }
0x248: {  	s28 =	simm.s32 $0x400;
	s29 =	simm.s32 $0x80;
	s24 =	simm.s32 $0x4;
	v10 =	vld.idx.msk [tilespmem:v14+s2+$0x0], $0xffff;
	[tilespmem:s21+$0x12480] =	vst v16;
	v0 =	vmin.u32 v0, $0x3F;
	v11 =	vnsel vm0, $0x0, v15;
	vm0 =	vgt.s32 v3, $0x0  }
.LBB2_16:
0x249: {  	s0 =	sand.u32 $0x3000, s29;
	s26 =	sand.u32 $0xC00, s28;
	v11 =	vmin.u32 v11, $0x3FF;
	v3 =	vnsel vm0, $0x0, v3;
	vm0 =	vgt.s32 v2, $0x0;
	v8 =	vld.idx.msk [tilespmem:v8+s1+$0x0], $0xffff;
	s23 =	sadd.s32 $0x10, s23  }
0x24a: {  	s24 =	sadd.s32 $0x4, s24;
	s0 =	sor.u32 s26, s0;
	s26 =	sand.u32 $0x380, s23;
	v12 =	vmin.u32 v3, $0x3F;
	v2 =	vnsel vm0, $0x0, v2;
	v3 =	vld.idx.msk [tilespmem:v7+s2+$0x0], $0xffff  }
0x24b: {  	s30 =	sand.u32 $0x40, s29;
	p0 =	slt.u32 s24, $0x2FC;
	s0 =	sor.u32 s26, s0;
	v6 =	vld.idx.msk [tilespmem:v6+s1+$0x0], $0xffff;
	v13 =	vmin.u32 v2, $0x3FF  }
0x24c: {  	v1 =	vmul.f32 v4, v1;
	s0 =	sor.u32 s30, s0;
	v2 =	vld.idx.msk [tilespmem:v9+s2+$0x0], $0xffff  }
0x24d: {  	v4 =	vld [tilespmem:s0+$0x4B0]  }
0x24e: {  	v7 =	vld [tilespmem:s0+$0x94B0];
	[tilespmem:s21+$0x12490] =	vst v1;
	v1 =	vmul.f32 v10, v5  }
0x24f: {  	v5 =	vld [tilespmem:s0+$0x480]  }
0x250: {  	v3 =	vmul.f32 v3, v8;
	v9 =	vld [tilespmem:s0+$0x9480];
	[tilespmem:s21+$0x124A0] =	vst v1;
	s21 =	smov.u32 s22;
	s22 =	smov.u32 s0  }
0x251: {  	v10 =	vld [tilespmem:s22+$0x490]  }
0x252: {  	v1 =	vmul.f32 v2, v6;
	v14 =	vld [tilespmem:s22+$0x9490];
	vm0 =	vgt.s32 v4, $0x0;
	[tilespmem:s21+$0x124B0] =	vst v3  }
0x253: {  	v3 =	vld [tilespmem:s22+$0x4A0];
	v4 =	vnsel vm0, $0x0, v4;
	vm0 =	vgt.s32 v7, $0x0  }
.Ltmp7:
0x254: {  	vm1 =	vgt.s32 v5, $0x0;
	v2 =	vld [tilespmem:s22+$0x94A0];
	v8 =	vmin.u32 v4, $0x3F;
	v4 =	vnsel vm0, $0x0, v7;
	[tilespmem:s21+$0x12480] =	vst v1;
	(pc) =	sbr.rel @p0 .LBB2_16-.Ltmp7, $4  }
0x255: {  	v5 =	vnsel vm1, $0x0, v5;
	vm0 =	vgt.s32 v9, $0x0;
	v7 =	vmin.u32 v4, $0x3FF;
	v1 =	vld.idx.msk [tilespmem:v0+s1+$0x0], $0xffff  }
0x256: {  	v6 =	vmin.u32 v5, $0x3F;
	v0 =	vnsel vm0, $0x0, v9;
	vm0 =	vgt.s32 v10, $0x0;
	v4 =	vld.idx.msk [tilespmem:v11+s2+$0x0], $0xffff  }
0x257: {  	v9 =	vmin.u32 v0, $0x3FF;
	v0 =	vnsel vm0, $0x0, v10;
	vm0 =	vgt.s32 v14, $0x0;
	v5 =	vld.idx.msk [tilespmem:v12+s1+$0x0], $0xffff  }
0x258: {  	s28 =	sadd.s32 $0x200, s28;
	s29 =	sadd.s32 $0x40, s29;
	v0 =	vmin.u32 v0, $0x3F;
	v11 =	vnsel vm0, $0x0, v14;
	vm0 =	vgt.s32 v3, $0x0;
	v10 =	vld.idx.msk [tilespmem:v13+s2+$0x0], $0xffff  }
0x259: {  	_ =	sdelay $0x3  }
0x25a: {  	v11 =	vmin.u32 v11, $0x3FF;
	v3 =	vnsel vm0, $0x0, v3;
	vm0 =	vgt.s32 v2, $0x0;
	v8 =	vld.idx.msk [tilespmem:v8+s1+$0x0], $0xffff  }
0x25b: {  	v7 =	vld.idx.msk [tilespmem:v7+s2+$0x0], $0xffff;
	v3 =	vmin.u32 v3, $0x3F;
	v2 =	vnsel vm0, $0x0, v2  }
0x25c: {  	v6 =	vld.idx.msk [tilespmem:v6+s1+$0x0], $0xffff;
	v2 =	vmin.u32 v2, $0x3FF  }
0x25d: {  	v9 =	vld.idx.msk [tilespmem:v9+s2+$0x0], $0xffff  }
0x25e: {  	v0 =	vld.idx.msk [tilespmem:v0+s1+$0x0], $0xffff  }
0x25f: {  	v11 =	vld.idx.msk [tilespmem:v11+s2+$0x0], $0xffff  }
0x260: {  	v3 =	vld.idx.msk [tilespmem:v3+s1+$0x0], $0xffff  }
0x261: {  	v1 =	vmul.f32 v4, v1;
	v2 =	vld.idx.msk [tilespmem:v2+s2+$0x0], $0xffff  }
0x262: {  	v4 =	vmul.f32 v10, v5  }
0x263: {  	[tilespmem:s21+$0x12490] =	vst v1;
	v1 =	vmul.f32 v7, v8  }
0x264: {  	[tilespmem:s21+$0x124A0] =	vst v4;
	v4 =	vmul.f32 v9, v6  }
0x265: {  	[tilespmem:s22+$0x124B0] =	vst v1;
	v0 =	vmul.f32 v11, v0  }
0x266: {  	[tilespmem:s22+$0x12480] =	vst v4;
	v1 =	vmul.f32 v2, v3  }
0x267: {  	[tilespmem:s22+$0x12490] =	vst v0  }
0x268: {  	[tilespmem:s22+$0x124A0] =	vst v1  }
0x269: {  	s0 =	sld [smem:$0x7FC];
	_ =	sdelay $0x2  }
0x26a: {  	[hbm4b:s0+s5] =	stream.strided.scatter [tilespmem:s14], [sflag:$0x4], $0x3000, s6, s5, $0x38;
	[tilespmem:$0x18480] =	vst v63  }
0x26b: {  	_ =	swait.ge [sflag:s15], $0x3000  }
0x26c: {  	[sflag:s15] =	ssyncset.done $0x0  }
0x26d: {  	[sflag:s15] =	ssyncadd.s32 $0xFFFFD000  }
0x26e: {  	_ =	swait.ge [sflag:s15], $0x3000  }
0x26f: {  	s23 =	simm.s32 $0x0;
	[sflag:s15] =	ssyncset.done $0x0  }
0x270: {  	s24 =	sand.u32 $0x3000, s23;
	s26 =	sand.u32 $0xC00, s23;
	[sflag:s15] =	ssyncadd.s32 $0xFFFFD000  }
0x271: {  	s30 =	sand.u32 $0x380, s23;
	s21 =	sor.u32 s26, s24;
	_ =	swait.ge [sflag:s19], $0x3000  }
0x272: {  	s21 =	sor.u32 s30, s21;
	s0 =	sand.u32 $0x40, s23;
	[sflag:s19] =	ssyncset.done $0x0  }
0x273: {  	s21 =	sor.u32 s0, s21;
	[sflag:s19] =	ssyncadd.s32 $0xFFFFD000  }
0x274: {  	v0 =	vld [tilespmem:s21+$0x34B0]  }
0x275: {  	v2 =	vld [tilespmem:s21+$0x3480]  }
0x276: {  	v1 =	vld [tilespmem:s21+$0xC4B0]  }
0x277: {  	v3 =	vld [tilespmem:s21+$0xC480];
	_ =	sdelay $0x1  }
0x278: {  	s26 =	simm.s32 $0x40;
	s23 =	simm.s32 $0x200;
	vm0 =	vgt.s32 v0, $0x0  }
0x279: {  	s24 =	sand.u32 $0x3000, s26;
	s0 =	sand.u32 $0xC00, s23;
	s23 =	simm.s32 $0x10;
	v4 =	vld [tilespmem:s21+$0x3490];
	vm1 =	vgt.s32 v2, $0x0;
	v0 =	vnsel vm0, $0x0, v0  }
0x27a: {  	s0 =	sor.u32 s0, s24;
	s30 =	sand.u32 $0x380, s23;
	v5 =	vld [tilespmem:s21+$0xC490];
	vm0 =	vgt.s32 v1, $0x0;
	v2 =	vnsel vm1, $0x0, v2;
	v0 =	vmin.u32 v0, $0x3F  }
0x27b: {  	s22 =	sand.u32 $0x40, s26;
	s0 =	sor.u32 s30, s0;
	v6 =	vld [tilespmem:s21+$0x34A0];
	v1 =	vnsel vm0, $0x0, v1;
	vm0 =	vgt.s32 v3, $0x0;
	v2 =	vmin.u32 v2, $0x3F  }
0x27c: {  	s22 =	sor.u32 s22, s0;
	v7 =	vld [tilespmem:s21+$0xC4A0];
	v1 =	vmin.u32 v1, $0x3FF;
	v3 =	vnsel vm0, $0x0, v3  }
0x27d: {  	v8 =	vld [tilespmem:s22+$0x34B0];
	v3 =	vmin.u32 v3, $0x3FF  }
0x27e: {  	v9 =	vld [tilespmem:s22+$0xC4B0]  }
0x27f: {  	v0 =	vld.idx.msk [tilespmem:v0+s1+$0x0], $0xffff  }
0x280: {  	v2 =	vld.idx.msk [tilespmem:v2+s1+$0x0], $0xffff  }
0x281: {  	v1 =	vld.idx.msk [tilespmem:v1+s2+$0x0], $0xffff  }
0x282: {  	vm1 =	vgt.s32 v6, $0x0;
	vm0 =	vgt.s32 v4, $0x0;
	v3 =	vld.idx.msk [tilespmem:v3+s2+$0x0], $0xffff  }
0x283: {  	v10 =	vld [tilespmem:s22+$0x3480];
	v6 =	vnsel vm1, $0x0, v6;
	v4 =	vnsel vm0, $0x0, v4;
	vm0 =	vgt.s32 v5, $0x0  }
0x284: {  	v11 =	vld [tilespmem:s22+$0xC480];
	v4 =	vmin.u32 v4, $0x3F;
	v5 =	vnsel vm0, $0x0, v5;
	vm0 =	vgt.s32 v7, $0x0  }
0x285: {  	v13 =	vld [tilespmem:s22+$0x3490];
	v12 =	vmin.u32 v6, $0x3F;
	v5 =	vmin.u32 v5, $0x3FF;
	v6 =	vnsel vm0, $0x0, v7  }
0x286: {  	v15 =	vld [tilespmem:s22+$0xC490];
	vm0 =	vgt.s32 v8, $0x0;
	v14 =	vmin.u32 v6, $0x3FF;
	v0 =	vmul.f32 v1, v0  }
0x287: {  	v1 =	vnsel vm0, $0x0, v8;
	vm0 =	vgt.s32 v9, $0x0;
	v16 =	vmul.f32 v3, v2;
	v3 =	vld [tilespmem:s22+$0x34A0]  }
0x288: {  	vm1 =	vgt.s32 v10, $0x0;
	v6 =	vnsel vm0, $0x0, v9;
	v2 =	vld [tilespmem:s22+$0xC4A0];
	v8 =	vmin.u32 v1, $0x3F  }
0x289: {  	v9 =	vnsel vm1, $0x0, v10;
	vm0 =	vgt.s32 v11, $0x0;
	v1 =	vld.idx.msk [tilespmem:v4+s1+$0x0], $0xffff;
	v7 =	vmin.u32 v6, $0x3FF  }
0x28a: {  	v4 =	vld.idx.msk [tilespmem:v5+s2+$0x0], $0xffff;
	v6 =	vmin.u32 v9, $0x3F;
	v9 =	vnsel vm0, $0x0, v11;
	vm0 =	vgt.s32 v13, $0x0  }
0x28b: {  	v5 =	vld.idx.msk [tilespmem:v12+s1+$0x0], $0xffff;
	[tilespmem:s21+$0x154B0] =	vst v0;
	v9 =	vmin.u32 v9, $0x3FF;
	v0 =	vnsel vm0, $0x0, v13;
	vm0 =	vgt.s32 v15, $0x0  }
0x28c: {  	s28 =	simm.s32 $0x400;
	s29 =	simm.s32 $0x80;
	s24 =	simm.s32 $0x4;
	v10 =	vld.idx.msk [tilespmem:v14+s2+$0x0], $0xffff;
	[tilespmem:s21+$0x15480] =	vst v16;
	v0 =	vmin.u32 v0, $0x3F;
	v11 =	vnsel vm0, $0x0, v15;
	vm0 =	vgt.s32 v3, $0x0  }
.LBB2_18:
0x28d: {  	s0 =	sand.u32 $0x3000, s29;
	s26 =	sand.u32 $0xC00, s28;
	v11 =	vmin.u32 v11, $0x3FF;
	v3 =	vnsel vm0, $0x0, v3;
	vm0 =	vgt.s32 v2, $0x0;
	v8 =	vld.idx.msk [tilespmem:v8+s1+$0x0], $0xffff;
	s23 =	sadd.s32 $0x10, s23  }
0x28e: {  	s24 =	sadd.s32 $0x4, s24;
	s0 =	sor.u32 s26, s0;
	s26 =	sand.u32 $0x380, s23;
	v12 =	vmin.u32 v3, $0x3F;
	v2 =	vnsel vm0, $0x0, v2;
	v3 =	vld.idx.msk [tilespmem:v7+s2+$0x0], $0xffff  }
0x28f: {  	s30 =	sand.u32 $0x40, s29;
	p0 =	slt.u32 s24, $0x2FC;
	s0 =	sor.u32 s26, s0;
	v6 =	vld.idx.msk [tilespmem:v6+s1+$0x0], $0xffff;
	v13 =	vmin.u32 v2, $0x3FF  }
0x290: {  	v1 =	vmul.f32 v4, v1;
	s0 =	sor.u32 s30, s0;
	v2 =	vld.idx.msk [tilespmem:v9+s2+$0x0], $0xffff  }
0x291: {  	v4 =	vld [tilespmem:s0+$0x34B0]  }
0x292: {  	v7 =	vld [tilespmem:s0+$0xC4B0];
	[tilespmem:s21+$0x15490] =	vst v1;
	v1 =	vmul.f32 v10, v5  }
0x293: {  	v5 =	vld [tilespmem:s0+$0x3480]  }
0x294: {  	v3 =	vmul.f32 v3, v8;
	v9 =	vld [tilespmem:s0+$0xC480];
	[tilespmem:s21+$0x154A0] =	vst v1;
	s21 =	smov.u32 s22;
	s22 =	smov.u32 s0  }
0x295: {  	v10 =	vld [tilespmem:s22+$0x3490]  }
0x296: {  	v1 =	vmul.f32 v2, v6;
	v14 =	vld [tilespmem:s22+$0xC490];
	vm0 =	vgt.s32 v4, $0x0;
	[tilespmem:s21+$0x154B0] =	vst v3  }
0x297: {  	v3 =	vld [tilespmem:s22+$0x34A0];
	v4 =	vnsel vm0, $0x0, v4;
	vm0 =	vgt.s32 v7, $0x0  }
.Ltmp8:
0x298: {  	vm1 =	vgt.s32 v5, $0x0;
	v2 =	vld [tilespmem:s22+$0xC4A0];
	v8 =	vmin.u32 v4, $0x3F;
	v4 =	vnsel vm0, $0x0, v7;
	[tilespmem:s21+$0x15480] =	vst v1;
	(pc) =	sbr.rel @p0 .LBB2_18-.Ltmp8, $4  }
0x299: {  	v5 =	vnsel vm1, $0x0, v5;
	vm0 =	vgt.s32 v9, $0x0;
	v7 =	vmin.u32 v4, $0x3FF;
	v1 =	vld.idx.msk [tilespmem:v0+s1+$0x0], $0xffff  }
0x29a: {  	v6 =	vmin.u32 v5, $0x3F;
	v0 =	vnsel vm0, $0x0, v9;
	vm0 =	vgt.s32 v10, $0x0;
	v4 =	vld.idx.msk [tilespmem:v11+s2+$0x0], $0xffff  }
0x29b: {  	v9 =	vmin.u32 v0, $0x3FF;
	v0 =	vnsel vm0, $0x0, v10;
	vm0 =	vgt.s32 v14, $0x0;
	v5 =	vld.idx.msk [tilespmem:v12+s1+$0x0], $0xffff  }
0x29c: {  	s28 =	sadd.s32 $0x200, s28;
	s29 =	sadd.s32 $0x40, s29;
	v0 =	vmin.u32 v0, $0x3F;
	v11 =	vnsel vm0, $0x0, v14;
	vm0 =	vgt.s32 v3, $0x0;
	v10 =	vld.idx.msk [tilespmem:v13+s2+$0x0], $0xffff  }
0x29d: {  	_ =	sdelay $0x3  }
0x29e: {  	v11 =	vmin.u32 v11, $0x3FF;
	v3 =	vnsel vm0, $0x0, v3;
	vm0 =	vgt.s32 v2, $0x0;
	v8 =	vld.idx.msk [tilespmem:v8+s1+$0x0], $0xffff  }
0x29f: {  	v7 =	vld.idx.msk [tilespmem:v7+s2+$0x0], $0xffff;
	v3 =	vmin.u32 v3, $0x3F;
	v2 =	vnsel vm0, $0x0, v2  }
0x2a0: {  	v6 =	vld.idx.msk [tilespmem:v6+s1+$0x0], $0xffff;
	v2 =	vmin.u32 v2, $0x3FF  }
0x2a1: {  	v9 =	vld.idx.msk [tilespmem:v9+s2+$0x0], $0xffff  }
0x2a2: {  	v0 =	vld.idx.msk [tilespmem:v0+s1+$0x0], $0xffff  }
0x2a3: {  	v11 =	vld.idx.msk [tilespmem:v11+s2+$0x0], $0xffff  }
0x2a4: {  	v3 =	vld.idx.msk [tilespmem:v3+s1+$0x0], $0xffff  }
0x2a5: {  	v1 =	vmul.f32 v4, v1;
	v2 =	vld.idx.msk [tilespmem:v2+s2+$0x0], $0xffff  }
0x2a6: {  	v4 =	vmul.f32 v10, v5  }
0x2a7: {  	[tilespmem:s21+$0x15490] =	vst v1;
	v1 =	vmul.f32 v7, v8  }
0x2a8: {  	[tilespmem:s21+$0x154A0] =	vst v4;
	v4 =	vmul.f32 v9, v6  }
0x2a9: {  	[tilespmem:s22+$0x154B0] =	vst v1;
	v0 =	vmul.f32 v11, v0  }
0x2aa: {  	[tilespmem:s22+$0x15480] =	vst v4;
	v1 =	vmul.f32 v2, v3  }
0x2ab: {  	[tilespmem:s22+$0x15490] =	vst v0  }
0x2ac: {  	[tilespmem:s22+$0x154A0] =	vst v1  }
0x2ad: {  	s0 =	sld [smem:$0x7FD];
	_ =	sdelay $0x2  }
0x2ae: {  	[hbm4b:s0+s5] =	stream.strided.scatter [tilespmem:s16], [sflag:$0x5], $0x3000, s6, s5, $0x38;
	[tilespmem:$0x18480] =	vst v63  }
0x2af: {  	_ =	swait.ge [sflag:s17], $0x1000  }
0x2b0: {  	[sflag:s17] =	ssyncset.done $0x0  }
0x2b1: {  	[sflag:s17] =	ssyncadd.s32 $0xFFFFF000  }
0x2b2: {  	_ =	swait.ge [sflag:s17], $0x1000  }
0x2b3: {  	[sflag:s17] =	ssyncset.done $0x0  }
0x2b4: {  	s22 =	simm.s32 $0x0;
	[sflag:s17] =	ssyncadd.s32 $0xFFFFF000  }
0x2b5: {  	s23 =	sand.u32 $0xC00, s22;
	s24 =	sand.u32 $0x380, s22;
	_ =	swait.ge [sflag:s18], $0x3000  }
0x2b6: {  	s21 =	sor.u32 s24, s23;
	s0 =	sand.u32 $0x40, s22;
	[sflag:s18] =	ssyncset.done $0x0  }
0x2b7: {  	s21 =	sor.u32 s0, s21;
	[sflag:s18] =	ssyncadd.s32 $0xFFFFD000  }
0x2b8: {  	v0 =	vld [tilespmem:s21+$0x64B0]  }
0x2b9: {  	v2 =	vld [tilespmem:s21+$0x6480]  }
0x2ba: {  	v1 =	vld [tilespmem:s21+$0xF4B0]  }
0x2bb: {  	v3 =	vld [tilespmem:s21+$0xF480];
	_ =	sdelay $0x1  }
0x2bc: {  	vm0 =	vgt.s32 v0, $0x0  }
0x2bd: {  	s26 =	simm.s32 $0x10;
	s30 =	simm.s32 $0x200;
	v4 =	vld [tilespmem:s21+$0x6490];
	vm1 =	vgt.s32 v2, $0x0;
	v0 =	vnsel vm0, $0x0, v0  }
0x2be: {  	s23 =	simm.s32 $0x40;
	s22 =	sand.u32 $0xC00, s30;
	s0 =	sand.u32 $0x380, s26;
	v5 =	vld [tilespmem:s21+$0xF490];
	vm0 =	vgt.s32 v1, $0x0;
	v2 =	vnsel vm1, $0x0, v2;
	v0 =	vmin.u32 v0, $0x3F  }
0x2bf: {  	s24 =	sand.u32 $0x40, s23;
	s0 =	sor.u32 s0, s22;
	v6 =	vld [tilespmem:s21+$0x64A0];
	v1 =	vnsel vm0, $0x0, v1;
	vm0 =	vgt.s32 v3, $0x0;
	v2 =	vmin.u32 v2, $0x3F  }
0x2c0: {  	s22 =	sor.u32 s24, s0;
	v7 =	vld [tilespmem:s21+$0xF4A0];
	v1 =	vmin.u32 v1, $0x3FF;
	v3 =	vnsel vm0, $0x0, v3  }
0x2c1: {  	v8 =	vld [tilespmem:s22+$0x64B0];
	v3 =	vmin.u32 v3, $0x3FF  }
0x2c2: {  	v9 =	vld [tilespmem:s22+$0xF4B0]  }
0x2c3: {  	v0 =	vld.idx.msk [tilespmem:v0+s1+$0x0], $0xffff  }
0x2c4: {  	v2 =	vld.idx.msk [tilespmem:v2+s1+$0x0], $0xffff  }
0x2c5: {  	v1 =	vld.idx.msk [tilespmem:v1+s2+$0x0], $0xffff  }
0x2c6: {  	vm1 =	vgt.s32 v6, $0x0;
	vm0 =	vgt.s32 v4, $0x0;
	v3 =	vld.idx.msk [tilespmem:v3+s2+$0x0], $0xffff  }
0x2c7: {  	v10 =	vld [tilespmem:s22+$0x6480];
	v6 =	vnsel vm1, $0x0, v6;
	v4 =	vnsel vm0, $0x0, v4;
	vm0 =	vgt.s32 v5, $0x0  }
0x2c8: {  	v11 =	vld [tilespmem:s22+$0xF480];
	v4 =	vmin.u32 v4, $0x3F;
	v5 =	vnsel vm0, $0x0, v5;
	vm0 =	vgt.s32 v7, $0x0  }
0x2c9: {  	v13 =	vld [tilespmem:s22+$0x6490];
	v12 =	vmin.u32 v6, $0x3F;
	v5 =	vmin.u32 v5, $0x3FF;
	v6 =	vnsel vm0, $0x0, v7  }
0x2ca: {  	vm0 =	vgt.s32 v8, $0x0;
	v14 =	vmin.u32 v6, $0x3FF;
	v0 =	vmul.f32 v1, v0;
	v1 =	vld [tilespmem:s22+$0xF490]  }
0x2cb: {  	v16 =	vld [tilespmem:s22+$0x64A0];
	v15 =	vmul.f32 v3, v2;
	v2 =	vnsel vm0, $0x0, v8;
	vm0 =	vgt.s32 v9, $0x0  }
0x2cc: {  	vm1 =	vgt.s32 v10, $0x0;
	v3 =	vld [tilespmem:s22+$0xF4A0];
	v6 =	vnsel vm0, $0x0, v9;
	v17 =	vmin.u32 v2, $0x3F  }
0x2cd: {  	v8 =	vnsel vm1, $0x0, v10;
	vm0 =	vgt.s32 v11, $0x0;
	v2 =	vld.idx.msk [tilespmem:v4+s1+$0x0], $0xffff;
	v7 =	vmin.u32 v6, $0x3FF  }
0x2ce: {  	v4 =	vld.idx.msk [tilespmem:v5+s2+$0x0], $0xffff;
	v6 =	vmin.u32 v8, $0x3F;
	v8 =	vnsel vm0, $0x0, v11;
	vm0 =	vgt.s32 v13, $0x0  }
0x2cf: {  	v5 =	vld.idx.msk [tilespmem:v12+s1+$0x0], $0xffff;
	v8 =	vmin.u32 v8, $0x3FF;
	v9 =	vnsel vm0, $0x0, v13;
	vm0 =	vgt.s32 v1, $0x0  }
0x2d0: {  	[tilespmem:s21+$0x124B0] =	vst v0;
	v0 =	vmin.u32 v9, $0x3F;
	v9 =	vld.idx.msk [tilespmem:v14+s2+$0x0], $0xffff;
	v1 =	vnsel vm0, $0x0, v1;
	vm0 =	vgt.s32 v16, $0x0  }
0x2d1: {  	s28 =	simm.s32 $0x20;
	s29 =	simm.s32 $0x400;
	s24 =	simm.s32 $0x4;
	[tilespmem:s21+$0x12480] =	vst v15;
	v1 =	vmin.u32 v1, $0x3FF;
	v11 =	vnsel vm0, $0x0, v16;
	vm0 =	vgt.s32 v3, $0x0;
	v10 =	vld.idx.msk [tilespmem:v17+s1+$0x0], $0xffff  }
.LBB2_20:
0x2d2: {  	s0 =	sand.u32 $0xC00, s29;
	s26 =	sand.u32 $0x380, s28;
	v11 =	vmin.u32 v11, $0x3F;
	v3 =	vnsel vm0, $0x0, v3;
	v7 =	vld.idx.msk [tilespmem:v7+s2+$0x0], $0xffff;
	s23 =	sadd.s32 $0x40, s23  }
0x2d3: {  	s24 =	sadd.s32 $0x4, s24;
	s30 =	sand.u32 $0x40, s23;
	s0 =	sor.u32 s26, s0;
	v6 =	vld.idx.msk [tilespmem:v6+s1+$0x0], $0xffff;
	v12 =	vmin.u32 v3, $0x3FF  }
0x2d4: {  	p0 =	slt.u32 s24, $0xFC;
	v2 =	vmul.f32 v4, v2;
	s0 =	sor.u32 s30, s0;
	v3 =	vld.idx.msk [tilespmem:v8+s2+$0x0], $0xffff  }
0x2d5: {  	v4 =	vld [tilespmem:s0+$0x64B0]  }
0x2d6: {  	v8 =	vld [tilespmem:s0+$0xF4B0];
	[tilespmem:s21+$0x12490] =	vst v2;
	v2 =	vmul.f32 v9, v5  }
0x2d7: {  	v5 =	vld [tilespmem:s0+$0x6480]  }
0x2d8: {  	v7 =	vmul.f32 v7, v10;
	v9 =	vld [tilespmem:s0+$0xF480];
	[tilespmem:s21+$0x124A0] =	vst v2;
	s21 =	smov.u32 s22;
	s22 =	smov.u32 s0  }
0x2d9: {  	v10 =	vld [tilespmem:s22+$0x6490]  }
0x2da: {  	v2 =	vmul.f32 v3, v6;
	v13 =	vld [tilespmem:s22+$0xF490];
	vm0 =	vgt.s32 v4, $0x0;
	[tilespmem:s21+$0x124B0] =	vst v7  }
0x2db: {  	v14 =	vld [tilespmem:s22+$0x64A0];
	v4 =	vnsel vm0, $0x0, v4;
	vm0 =	vgt.s32 v8, $0x0  }
0x2dc: {  	vm1 =	vgt.s32 v5, $0x0;
	v3 =	vld [tilespmem:s22+$0xF4A0];
	v15 =	vmin.u32 v4, $0x3F;
	v4 =	vnsel vm0, $0x0, v8;
	[tilespmem:s21+$0x12480] =	vst v2  }
.Ltmp9:
0x2dd: {  	v5 =	vnsel vm1, $0x0, v5;
	vm0 =	vgt.s32 v9, $0x0;
	v7 =	vmin.u32 v4, $0x3FF;
	v2 =	vld.idx.msk [tilespmem:v0+s1+$0x0], $0xffff;
	(pc) =	sbr.rel @p0 .LBB2_20-.Ltmp9, $4  }
0x2de: {  	v6 =	vmin.u32 v5, $0x3F;
	v0 =	vnsel vm0, $0x0, v9;
	vm0 =	vgt.s32 v10, $0x0;
	v4 =	vld.idx.msk [tilespmem:v1+s2+$0x0], $0xffff  }
0x2df: {  	v8 =	vmin.u32 v0, $0x3FF;
	v0 =	vnsel vm0, $0x0, v10;
	vm0 =	vgt.s32 v13, $0x0;
	v5 =	vld.idx.msk [tilespmem:v11+s1+$0x0], $0xffff  }
0x2e0: {  	v0 =	vmin.u32 v0, $0x3F;
	v1 =	vnsel vm0, $0x0, v13;
	vm0 =	vgt.s32 v14, $0x0;
	v9 =	vld.idx.msk [tilespmem:v12+s2+$0x0], $0xffff  }
0x2e1: {  	s28 =	sadd.s32 $0x10, s28;
	s29 =	sadd.s32 $0x200, s29;
	v1 =	vmin.u32 v1, $0x3FF;
	v11 =	vnsel vm0, $0x0, v14;
	vm0 =	vgt.s32 v3, $0x0;
	v10 =	vld.idx.msk [tilespmem:v15+s1+$0x0], $0xffff  }
0x2e2: {  	_ =	sdelay $0x3  }
0x2e3: {  	v11 =	vmin.u32 v11, $0x3F;
	v3 =	vnsel vm0, $0x0, v3;
	v7 =	vld.idx.msk [tilespmem:v7+s2+$0x0], $0xffff  }
0x2e4: {  	v6 =	vld.idx.msk [tilespmem:v6+s1+$0x0], $0xffff;
	v3 =	vmin.u32 v3, $0x3FF  }
0x2e5: {  	v8 =	vld.idx.msk [tilespmem:v8+s2+$0x0], $0xffff  }
0x2e6: {  	v0 =	vld.idx.msk [tilespmem:v0+s1+$0x0], $0xffff  }
0x2e7: {  	v1 =	vld.idx.msk [tilespmem:v1+s2+$0x0], $0xffff  }
0x2e8: {  	v11 =	vld.idx.msk [tilespmem:v11+s1+$0x0], $0xffff  }
0x2e9: {  	v2 =	vmul.f32 v4, v2;
	v3 =	vld.idx.msk [tilespmem:v3+s2+$0x0], $0xffff  }
0x2ea: {  	v60 =	vmul.f32 v9, v5  }
0x2eb: {  	[tilespmem:s21+$0x12490] =	vst v2;
	v61 =	vmul.f32 v7, v10  }
0x2ec: {  	[tilespmem:s21+$0x124A0] =	vst v60;
	v62 =	vmul.f32 v8, v6  }
0x2ed: {  	v0 =	vmul.f32 v1, v0;
	[tilespmem:s22+$0x124B0] =	vst v61  }
0x2ee: {  	[tilespmem:s22+$0x12480] =	vst v62;
	v63 =	vmul.f32 v3, v11  }
0x2ef: {  	[tilespmem:s22+$0x12490] =	vst v0  }
0x2f0: {  	s20 =	sadd.s32 $0x1, s20;
	[tilespmem:s22+$0x124A0] =	vst v63  }
0x2f1: {  	[hbm4b:s25+s1] =	stream.linear.scatter [tilespmem:s14], [sflag:$0x4], $0x1000, $0x38;
	[tilespmem:$0x18480] =	vst v63  }
0x2f2: {  	p0 =	sne.s32 s20, s31;
	_ =	swait.ge [sflag:s18], $0x1000  }
.Ltmp10:
0x2f3: {  	[sflag:s18] =	ssyncset.done $0x0;
	(pc) =	sbr.rel @p0 .LBB2_1-.Ltmp10, $4  }
0x2f4: {  	[sflag:s18] =	ssyncadd.s32 $0xFFFFF000  }
0x2f5: {  	_ =	swait.ge [sflag:s19], $0x3000  }
0x2f6: {  	[sflag:s19] =	ssyncset.done $0x0  }
0x2f7: {  	[sflag:s19] =	ssyncadd.s32 $0xFFFFD000  }
0x2f8: {  	_ =	sfence.sel $0x180000  }
0x2f9: {  	[bflag:$0x0] =	sbarrier.arrive $0xFFFF  }
0x2fa: {  	_ =	strace $0x90000047  }
0x2fb: {  	s0 =	stileid.u32;
	[bflag:$0x2] =	sbarrier.arrive $0xFFFF  }
0x2fc: {  	p0 =	sne.s32 s0, $0x0;
	s0 =	rddreg [dreg:$0x5]  }
0x2fd: {  	s0 =	sadd.s32 @!p0 $0x100000, s0  }
0x2fe: {  	[sflag:s0] =	ssyncadd.tile.s32 @!p0 $0x1;
	_ =	shalt  }
.Lfunc_end2:
_tile_overlayer_lowered:
.L_overlay_start_2:
0x2ff: {  	(tag) =	ssettag $0x2  }
0x300: {  	s0 =	rddreg [dreg:$0x0];
	s2 =	stileid.u32  }
0x301: {  	s1 =	rddreg [dreg:$0x1];
	p0 =	sne.s32 s2, $0x0  }
0x302: {  	s3 =	rddreg [dreg:$0x2];
	[bflag:$0x3] =	sbarrier.arrive $0xFFFF;
	s2 =	simm.s32 @!p0 $0x1C08  }
0x303: {  	[timem:s3], [sflag:s2] =	dma.local @!p0 [hbm:s0], s1  }
0x304: {  	s0 =	simm.s32 @!p0 $0x8  }
0x305: {  	_ =	swait.ge @!p0 [sflag:s0], s1  }
0x306: {  	s1 =	ssub.s32 @!p0 $0x0, s1;
	[sflag:s0] =	ssyncset.done @!p0 $0x0  }
0x307: {  	[sflag:s0] =	ssyncadd.s32 @!p0 s1  }
0x308: {  	[bflag:$0x3] =	sbarrier.arrive $0xFFFF  }
0x309: {  	_ =	shalt  }

</sc_bundles>
